<compile_context>
chip_gen: v7x
topology: tpu7x:2x2x1
jax: 0.10.2.dev20260603
libtpu: 0.0.44.dev20260713+nightly
codegen_flags: <defaults>
</compile_context>

<pallas_src>
import functools

import jax
import jax.numpy as jnp
from jax import lax
from jax.experimental import pallas as pl
from jax.experimental.pallas import tpu as pltpu
from jax.experimental.pallas import tpu_sc as plsc

NC = 2
NS = 16
LANES = 16
CHUNK = 128
SG = 40



def _mlp_v_body(x_ref, w1_ref, b1_ref, w2_ref, b2_ref, o_ref):
    h = jnp.maximum(
        jnp.dot(x_ref[...], w1_ref[...], preferred_element_type=jnp.float32)
        + b1_ref[...], 0.0)
    o_ref[...] = (
        jnp.dot(h, w2_ref[...], preferred_element_type=jnp.float32)
        + b2_ref[...])


def _mlp_v_body_rep(x_ref, w1_ref, b1_ref, w2_ref, b2_ref, o_ref):
    h = jnp.maximum(
        jnp.dot(x_ref[...], w1_ref[...], preferred_element_type=jnp.float32)
        + b1_ref[...], 0.0)
    o_ref[...] = (
        jnp.dot(h, w2_ref[...], preferred_element_type=jnp.float32)
        + b2_ref[...])[None]


def _mlp_v(xx, w1, b1, w2, b2, blk, k_rep):
    rows, din = xx.shape
    dh = w1.shape[1]
    dout = w2.shape[1]
    return pl.pallas_call(
        _mlp_v_body_rep,
        grid=(k_rep, rows // blk),
        in_specs=[
            pl.BlockSpec((blk, din), lambda k, i: (i, 0)),
            pl.BlockSpec((din, dh), lambda k, i: (0, 0)),
            pl.BlockSpec((1, dh), lambda k, i: (0, 0)),
            pl.BlockSpec((dh, dout), lambda k, i: (0, 0)),
            pl.BlockSpec((1, dout), lambda k, i: (0, 0)),
        ],
        out_specs=pl.BlockSpec((1, blk, dout), lambda k, i: (k, i, 0)),
        out_shape=jax.ShapeDtypeStruct((k_rep, rows, dout), jnp.float32),
    )(xx, w1, b1.reshape(1, dh), w2, b2.reshape(1, dout))


def _mlp_c_body(xt_ref, w1_ref, b1_ref, w2_ref, b2_ref, o_ref):
    h = jnp.maximum(
        lax.dot_general(xt_ref[...].astype(jnp.bfloat16),
                        w1_ref[...].astype(jnp.bfloat16),
                        (((0,), (0,)), ((), ())),
                        preferred_element_type=jnp.float32)
        + b1_ref[...], 0.0)
    o_ref[...] = (
        jnp.dot(h.astype(jnp.bfloat16), w2_ref[...],
                preferred_element_type=jnp.float32)
        + b2_ref[...])


def _mlp_c(xt, w1, b1, w2, b2, blk, out_rows):
    din, rows = xt.shape
    dh = w1.shape[1]
    dout = w2.shape[1]
    last_real = rows // blk - 1
    return pl.pallas_call(
        _mlp_c_body,
        grid=(out_rows // blk,),
        in_specs=[
            pl.BlockSpec((din, blk), lambda i: (0, jnp.minimum(i, last_real))),
            pl.BlockSpec((din, dh), lambda i: (0, 0)),
            pl.BlockSpec((1, dh), lambda i: (0, 0)),
            pl.BlockSpec((dh, dout), lambda i: (0, 0)),
            pl.BlockSpec((1, dout), lambda i: (0, 0)),
        ],
        out_specs=pl.BlockSpec((blk, dout), lambda i: (i, 0)),
        out_shape=jax.ShapeDtypeStruct((out_rows, dout), jnp.float32),
    )(xt, w1, b1.reshape(1, dh), w2.astype(jnp.bfloat16),
      b2.reshape(1, dout))


def _combine_body(a_ref, b_ref, c_ref, e_ref, o_ref):
    o_ref[...] = (a_ref[0] + b_ref[0]) + (c_ref[0] + e_ref[0])


def _combine(pv, pc, n, blk):
    _, n_acc, d = pv.shape
    return pl.pallas_call(
        _combine_body,
        grid=(n // blk,),
        in_specs=[
            pl.BlockSpec((1, blk, d), lambda i: (0, i, 0)),
            pl.BlockSpec((1, blk, d), lambda i: (1, i, 0)),
            pl.BlockSpec((1, blk, d), lambda i: (0, i, 0)),
            pl.BlockSpec((1, blk, d), lambda i: (1, i, 0)),
        ],
        out_specs=pl.BlockSpec((blk, d), lambda i: (i, 0)),
        out_shape=jax.ShapeDtypeStruct((n, d), jnp.float32),
    )(pv, pv, pc, pc)



def _sc_prologue(sid, buf0, acc_sh, stripe, d):
    def _zrow(r, carry):
        for j in range(d // LANES):
            buf0[r, pl.ds(j * LANES, LANES)] = jnp.zeros((LANES,), jnp.float32)
        return carry
    lax.fori_loop(0, CHUNK, _zrow, 0)
    for k in range(stripe // CHUNK):
        pltpu.sync_copy(buf0,
                        acc_sh.at[pl.ds(sid * stripe + k * CHUNK, CHUNK)])
    plsc.subcore_barrier()


def _sc_epilogue(cid, sid, buf0, acc_sh, out_hbm, stripe):
    plsc.subcore_barrier()
    for k in range(stripe // CHUNK):
        r0 = sid * stripe + k * CHUNK
        pltpu.sync_copy(acc_sh.at[pl.ds(r0, CHUNK)], buf0)
        pltpu.sync_copy(buf0, out_hbm.at[cid, pl.ds(r0, CHUNK)])


V_SPLIT = (128, 32)
K_REP = 4


def _sc_gather_scatter(hv, src2, dst2, n_acc):
    n_nodes, d = hv.shape
    stripe = n_acc // NS

    mesh = plsc.VectorSubcoreMesh(core_axis_name="c", subcore_axis_name="s")

    @functools.partial(
        pl.kernel,
        mesh=mesh,
        out_type=jax.ShapeDtypeStruct((NC, n_acc, d), jnp.float32),
        scratch_types=[
            pltpu.VMEM((SG, CHUNK), jnp.int32),
            pltpu.VMEM((SG, CHUNK), jnp.int32),
            pltpu.VMEM((CHUNK, d), jnp.float32),
            pltpu.VMEM((CHUNK, d), jnp.float32),
            pltpu.VMEM_SHARED((n_acc, d), jnp.float32),
            pltpu.SemaphoreType.DMA,
            pltpu.SemaphoreType.DMA,
        ],
    )
    def body(hv_hbm, src_hbm, dst_hbm, out_hbm,
             src_v, dst_v, buf0, buf1, acc_sh, sem0, sem1):
        cid = lax.axis_index("c")
        sid = lax.axis_index("s")
        bufs = ((buf0, sem0), (buf1, sem1))
        _sc_prologue(sid, buf0, acc_sh, stripe, d)

        def _run(base, count):
            stage_sizes = [SG] * (count // SG)
            if count % SG:
                stage_sizes.append(count % SG)
            off = 0
            for sg in stage_sizes:
                c0 = base + off
                off += sg
                pltpu.sync_copy(src_hbm.at[pl.ds(c0, sg)],
                                src_v.at[pl.ds(0, sg)])
                pltpu.sync_copy(dst_hbm.at[pl.ds(c0, sg)],
                                dst_v.at[pl.ds(0, sg)])
                pltpu.make_async_copy(
                    hv_hbm.at[src_v.at[0]], buf0, sem0).start()
                pltpu.make_async_copy(
                    hv_hbm.at[src_v.at[1]], buf1, sem1).start()

                def _pair(g, carry):
                    for b, (buf, sem) in enumerate(bufs):
                        ci = 2 * g + b
                        pltpu.make_async_copy(
                            hv_hbm.at[src_v.at[ci]], buf, sem).wait()
                        pltpu.sync_copy(buf, acc_sh.at[dst_v.at[ci]],
                                        add=True)

                        @pl.when(ci + 2 < sg)
                        def _():
                            pltpu.make_async_copy(
                                hv_hbm.at[src_v.at[ci + 2]], buf, sem).start()
                    return carry
                lax.fori_loop(0, sg // 2, _pair, 0)

        if V_SPLIT[0]:
            @pl.when(cid == 0)
            def _core0():
                _run(sid * V_SPLIT[0], V_SPLIT[0])

        if V_SPLIT[1]:
            @pl.when(cid == 1)
            def _core1():
                _run(NS * V_SPLIT[0] + sid * V_SPLIT[1], V_SPLIT[1])

        _sc_epilogue(cid, sid, buf0, acc_sh, out_hbm, stripe)

    return body(hv, src2, dst2)


def _sc_linear_scatter(hc, dst2, n_acc):
    d = hc.shape[1]
    per_tile = dst2.shape[0] // (NC * NS)
    n_stages = per_tile // SG
    stripe = n_acc // NS

    mesh = plsc.VectorSubcoreMesh(core_axis_name="c", subcore_axis_name="s")

    @functools.partial(
        pl.kernel,
        mesh=mesh,
        out_type=jax.ShapeDtypeStruct((NC, n_acc, d), jnp.float32),
        scratch_types=[
            pltpu.VMEM((SG, CHUNK), jnp.int32),
            pltpu.VMEM((CHUNK, d), jnp.float32),
            pltpu.VMEM((CHUNK, d), jnp.float32),
            pltpu.VMEM_SHARED((n_acc, d), jnp.float32),
            pltpu.SemaphoreType.DMA,
            pltpu.SemaphoreType.DMA,
        ],
    )
    def body(hc_hbm, dst_hbm, out_hbm,
             dst_v, buf0, buf1, acc_sh, sem0, sem1):
        cid = lax.axis_index("c")
        sid = lax.axis_index("s")
        bufs = ((buf0, sem0), (buf1, sem1))
        _sc_prologue(sid, buf0, acc_sh, stripe, d)

        for s in range(n_stages):
            c0 = (cid * NS + sid) * per_tile + s * SG
            row0 = c0 * CHUNK
            pltpu.sync_copy(dst_hbm.at[pl.ds(c0, SG)], dst_v)
            pltpu.make_async_copy(
                hc_hbm.at[pl.ds(row0, CHUNK)], buf0, sem0).start()
            pltpu.make_async_copy(
                hc_hbm.at[pl.ds(row0 + CHUNK, CHUNK)], buf1, sem1).start()

            def _pair(g, carry):
                for b, (buf, sem) in enumerate(bufs):
                    ci = 2 * g + b
                    pltpu.make_async_copy(
                        hc_hbm.at[pl.ds(row0 + ci * CHUNK, CHUNK)],
                        buf, sem).wait()
                    pltpu.sync_copy(buf, acc_sh.at[dst_v.at[ci]], add=True)

                    @pl.when(ci + 2 < SG)
                    def _():
                        pltpu.make_async_copy(
                            hc_hbm.at[pl.ds(row0 + (ci + 2) * CHUNK, CHUNK)],
                            buf, sem).start()
                return carry
            lax.fori_loop(0, SG // 2, _pair, 0)

        _sc_epilogue(cid, sid, buf0, acc_sh, out_hbm, stripe)

    return body(hc, dst2)



def kernel(x, edge_index, edge_color, W1v, b1v, W2v, b2v, W1c, b1c, W2c, b2c):
    n, d = x.shape
    e = edge_index.shape[1]

    src = edge_index[0]
    dst = edge_index[1]

    hv = _mlp_v(x, W1v, b1v, W2v, b2v, blk=1000,
                k_rep=K_REP).reshape(K_REP * n, d)

    epw = NS * CHUNK * SG
    e_pad = ((e + epw - 1) // epw) * epw

    hc = _mlp_c(edge_color.T, W1c, b1c, W2c, b2c, blk=1280, out_rows=e_pad)

    pad = e_pad - e
    n_ch = e_pad // CHUNK
    src2 = jnp.concatenate(
        [src, jnp.zeros((pad,), jnp.int32)]).reshape(n_ch, CHUNK)
    src2 = src2 + ((jnp.arange(n_ch, dtype=jnp.int32) % K_REP) * n)[:, None]
    dst2 = jnp.concatenate(
        [dst, jnp.full((pad,), n, jnp.int32)]).reshape(e_pad // CHUNK, CHUNK)

    n_acc = ((n + NS * CHUNK - 1) // (NS * CHUNK)) * (NS * CHUNK)
    pv = _sc_gather_scatter(hv, src2, dst2, n_acc)
    pc = _sc_linear_scatter(hc, dst2, n_acc)

    return _combine(pv, pc, n, blk=1000)

# --- scband reference (transcript-rebuilt; emitter-appended) ---
"""Pipeline reference for scband-message-block-9096740733260 (READ-ONLY COPY).

The authoritative reference and input builder live on the scoring server;
editing this copy changes nothing except your own understanding.
"""

import jax, jax.numpy as jnp
import numpy as np

N = 10000
E = 320000
D = 128
DC = 16


def _mlp(h, W1, b1, W2, b2):
    return jnp.maximum(h @ W1 + b1, 0.0) @ W2 + b2


def setup_inputs(seed: int = 0) -> dict:
    key = jax.random.key(seed)
    ks = jax.random.split(key, 8)
    x = jax.random.normal(ks[0], (N, D), dtype=jnp.float32)
    edge_index = jax.random.randint(ks[1], (2, E), 0, N, dtype=jnp.int32)
    edge_color = jax.random.normal(ks[2], (E, DC), dtype=jnp.float32)
    W1v = jax.random.normal(ks[3], (D, D), dtype=jnp.float32) / np.sqrt(D)
    b1v = jnp.zeros((D,), dtype=jnp.float32)
    W2v = jax.random.normal(ks[4], (D, D), dtype=jnp.float32) / np.sqrt(D)
    b2v = jnp.zeros((D,), dtype=jnp.float32)
    W1c = jax.random.normal(ks[5], (DC, D), dtype=jnp.float32) / np.sqrt(DC)
    b1c = jnp.zeros((D,), dtype=jnp.float32)
    W2c = jax.random.normal(ks[6], (D, D), dtype=jnp.float32) / np.sqrt(D)
    b2c = jnp.zeros((D,), dtype=jnp.float32)
    return {"x": x, "edge_index": edge_index, "edge_color": edge_color,
            "W1v": W1v, "b1v": b1v, "W2v": W2v, "b2v": b2v,
            "W1c": W1c, "b1c": b1c, "W2c": W2c, "b2c": b2c}


def reference(x, edge_index, edge_color, W1v, b1v, W2v, b2v, W1c, b1c, W2c, b2c):
    src = edge_index[0]
    dst = edge_index[1]
    # vertex_message: node-level MLP applied before gather (torch_geometric style)
    hv = _mlp(x, W1v, b1v, W2v, b2v)
    # color_message: per-edge MLP on edge color features
    hc = _mlp(edge_color, W1c, b1c, W2c, b2c)
    # message = vertex_message(x)[src] + color_message(edge_color), aggregated by sum at dst
    m = hv[src] + hc
    out = jax.ops.segment_sum(m, dst, num_segments=N)
    return out

if __name__ == "__main__":
    import jax
    _d = setup_inputs()
    print(jax.jit(kernel)(*tuple(_d.values())))

</pallas_src>

<mosaic_0001>
#map = affine_map<(d0, d1) -> (0, 0)>
#map1 = affine_map<(d0, d1) -> (0, 0, 0)>
module attributes {stable_mosaic.version = 14 : i64} {
  func.func @body(%arg0: i32, %arg1: i32, %arg2: memref<327680x128xf32, #tpu.memory_space<hbm>>, %arg3: memref<2560x128xi32, #tpu.memory_space<hbm>>, %arg4: memref<2x10240x128xf32, #tpu.memory_space<hbm>>, %arg5: memref<40x128xi32, #tpu.memory_space<vmem>>, %arg6: memref<128x128xf32, #tpu.memory_space<vmem>>, %arg7: memref<128x128xf32, #tpu.memory_space<vmem>>, %arg8: memref<10240x128xf32, #tpu.memory_space<vmem_shared>>, %arg9: memref<!tpu.dma_semaphore, #tpu.memory_space<semaphore_mem>>, %arg10: memref<!tpu.dma_semaphore, #tpu.memory_space<semaphore_mem>>) attributes {dimension_semantics = [#tpu.dimension_semantics<core_parallel>, #tpu.dimension_semantics<subcore_parallel>], iteration_bounds = array<i64: 2, 16>, scalar_prefetch = 0 : i64, scratch_operands = 6 : i64, tpu.core_type = #tpu.core_type<sc_vector_subcore>, window_params = [{transform_indices = #map}, {transform_indices = #map}, {transform_indices = #map1}]} {
    %scan3A = arith.constant 0 : i32
    %scan3A_0 = arith.constant 0 : i32
    %scan3A_1 = arith.constant 128 : i32
    %scan3A_2 = arith.addi %scan3A_0, %scan3A_1 : i32
    %scan3A_3 = arith.constant 1 : i32
    scf.for %scan3A_93 = %scan3A_0 to %scan3A_2 step %scan3A_3  : i32 {
      %broadcast_in_dim3A = arith.constant 0.000000e+00 : f32
      %broadcast_in_dim3A_94 = vector.broadcast %broadcast_in_dim3A : f32 to vector<16xf32>
      %swap3A = arith.index_cast %scan3A_93 : i32 to index
      %swap3A_95 = arith.constant 0 : index
      %swap3A_96 = tpu.vector_load %arg6[%swap3A, %swap3A_95] {strides = array<i32>} : memref<128x128xf32, #tpu.memory_space<vmem>>, vector<1x16xf32>,
      %swap3A_97 = vector.shape_cast %swap3A_96 : vector<1x16xf32> to vector<16xf32>
      %swap3A_98 = vector.shape_cast %broadcast_in_dim3A_94 : vector<16xf32> to vector<1x16xf32>
      tpu.vector_store %arg6[%swap3A, %swap3A_95], %swap3A_98 {strides = array<i32>} : memref<128x128xf32, #tpu.memory_space<vmem>>, vector<1x16xf32>,
      %broadcast_in_dim3A_99 = arith.constant 0.000000e+00 : f32
      %broadcast_in_dim3A_100 = vector.broadcast %broadcast_in_dim3A_99 : f32 to vector<16xf32>
      %swap3A_101 = arith.index_cast %scan3A_93 : i32 to index
      %swap3A_102 = arith.constant 16 : index
      %swap3A_103 = tpu.vector_load %arg6[%swap3A_101, %swap3A_102] {strides = array<i32>} : memref<128x128xf32, #tpu.memory_space<vmem>>, vector<1x16xf32>,
      %swap3A_104 = vector.shape_cast %swap3A_103 : vector<1x16xf32> to vector<16xf32>
      %swap3A_105 = vector.shape_cast %broadcast_in_dim3A_100 : vector<16xf32> to vector<1x16xf32>
      tpu.vector_store %arg6[%swap3A_101, %swap3A_102], %swap3A_105 {strides = array<i32>} : memref<128x128xf32, #tpu.memory_space<vmem>>, vector<1x16xf32>,
      %broadcast_in_dim3A_106 = arith.constant 0.000000e+00 : f32
      %broadcast_in_dim3A_107 = vector.broadcast %broadcast_in_dim3A_106 : f32 to vector<16xf32>
      %swap3A_108 = arith.index_cast %scan3A_93 : i32 to index
      %swap3A_109 = arith.constant 32 : index
      %swap3A_110 = tpu.vector_load %arg6[%swap3A_108, %swap3A_109] {strides = array<i32>} : memref<128x128xf32, #tpu.memory_space<vmem>>, vector<1x16xf32>,
      %swap3A_111 = vector.shape_cast %swap3A_110 : vector<1x16xf32> to vector<16xf32>
      %swap3A_112 = vector.shape_cast %broadcast_in_dim3A_107 : vector<16xf32> to vector<1x16xf32>
      tpu.vector_store %arg6[%swap3A_108, %swap3A_109], %swap3A_112 {strides = array<i32>} : memref<128x128xf32, #tpu.memory_space<vmem>>, vector<1x16xf32>,
      %broadcast_in_dim3A_113 = arith.constant 0.000000e+00 : f32
      %broadcast_in_dim3A_114 = vector.broadcast %broadcast_in_dim3A_113 : f32 to vector<16xf32>
      %swap3A_115 = arith.index_cast %scan3A_93 : i32 to index
      %swap3A_116 = arith.constant 48 : index
      %swap3A_117 = tpu.vector_load %arg6[%swap3A_115, %swap3A_116] {strides = array<i32>} : memref<128x128xf32, #tpu.memory_space<vmem>>, vector<1x16xf32>,
      %swap3A_118 = vector.shape_cast %swap3A_117 : vector<1x16xf32> to vector<16xf32>
      %swap3A_119 = vector.shape_cast %broadcast_in_dim3A_114 : vector<16xf32> to vector<1x16xf32>
      tpu.vector_store %arg6[%swap3A_115, %swap3A_116], %swap3A_119 {strides = array<i32>} : memref<128x128xf32, #tpu.memory_space<vmem>>, vector<1x16xf32>,
      %broadcast_in_dim3A_120 = arith.constant 0.000000e+00 : f32
      %broadcast_in_dim3A_121 = vector.broadcast %broadcast_in_dim3A_120 : f32 to vector<16xf32>
      %swap3A_122 = arith.index_cast %scan3A_93 : i32 to index
      %swap3A_123 = arith.constant 64 : index
      %swap3A_124 = tpu.vector_load %arg6[%swap3A_122, %swap3A_123] {strides = array<i32>} : memref<128x128xf32, #tpu.memory_space<vmem>>, vector<1x16xf32>,
      %swap3A_125 = vector.shape_cast %swap3A_124 : vector<1x16xf32> to vector<16xf32>
      %swap3A_126 = vector.shape_cast %broadcast_in_dim3A_121 : vector<16xf32> to vector<1x16xf32>
      tpu.vector_store %arg6[%swap3A_122, %swap3A_123], %swap3A_126 {strides = array<i32>} : memref<128x128xf32, #tpu.memory_space<vmem>>, vector<1x16xf32>,
      %broadcast_in_dim3A_127 = arith.constant 0.000000e+00 : f32
      %broadcast_in_dim3A_128 = vector.broadcast %broadcast_in_dim3A_127 : f32 to vector<16xf32>
      %swap3A_129 = arith.index_cast %scan3A_93 : i32 to index
      %swap3A_130 = arith.constant 80 : index
      %swap3A_131 = tpu.vector_load %arg6[%swap3A_129, %swap3A_130] {strides = array<i32>} : memref<128x128xf32, #tpu.memory_space<vmem>>, vector<1x16xf32>,
      %swap3A_132 = vector.shape_cast %swap3A_131 : vector<1x16xf32> to vector<16xf32>
      %swap3A_133 = vector.shape_cast %broadcast_in_dim3A_128 : vector<16xf32> to vector<1x16xf32>
      tpu.vector_store %arg6[%swap3A_129, %swap3A_130], %swap3A_133 {strides = array<i32>} : memref<128x128xf32, #tpu.memory_space<vmem>>, vector<1x16xf32>,
      %broadcast_in_dim3A_134 = arith.constant 0.000000e+00 : f32
      %broadcast_in_dim3A_135 = vector.broadcast %broadcast_in_dim3A_134 : f32 to vector<16xf32>
      %swap3A_136 = arith.index_cast %scan3A_93 : i32 to index
      %swap3A_137 = arith.constant 96 : index
      %swap3A_138 = tpu.vector_load %arg6[%swap3A_136, %swap3A_137] {strides = array<i32>} : memref<128x128xf32, #tpu.memory_space<vmem>>, vector<1x16xf32>,
      %swap3A_139 = vector.shape_cast %swap3A_138 : vector<1x16xf32> to vector<16xf32>
      %swap3A_140 = vector.shape_cast %broadcast_in_dim3A_135 : vector<16xf32> to vector<1x16xf32>
      tpu.vector_store %arg6[%swap3A_136, %swap3A_137], %swap3A_140 {strides = array<i32>} : memref<128x128xf32, #tpu.memory_space<vmem>>, vector<1x16xf32>,
      %broadcast_in_dim3A_141 = arith.constant 0.000000e+00 : f32
      %broadcast_in_dim3A_142 = vector.broadcast %broadcast_in_dim3A_141 : f32 to vector<16xf32>
      %swap3A_143 = arith.index_cast %scan3A_93 : i32 to index
      %swap3A_144 = arith.constant 112 : index
      %swap3A_145 = tpu.vector_load %arg6[%swap3A_143, %swap3A_144] {strides = array<i32>} : memref<128x128xf32, #tpu.memory_space<vmem>>, vector<1x16xf32>,
      %swap3A_146 = vector.shape_cast %swap3A_145 : vector<1x16xf32> to vector<16xf32>
      %swap3A_147 = vector.shape_cast %broadcast_in_dim3A_142 : vector<16xf32> to vector<1x16xf32>
      tpu.vector_store %arg6[%swap3A_143, %swap3A_144], %swap3A_147 {strides = array<i32>} : memref<128x128xf32, #tpu.memory_space<vmem>>, vector<1x16xf32>,
    }
    %scan3A_4 = arith.constant 128 : i32
    %mul3A = arith.constant 640 : i32
    %mul3A_5 = arith.muli %arg1, %mul3A : i32
    %add3A = arith.constant 0 : i32
    %add3A_6 = arith.addi %mul3A_5, %add3A : i32
    "tpu.region"() ({
      %run_scoped3A = tpu.sem_alloc : memref<!tpu.dma_semaphore, #tpu.memory_space<semaphore_mem>>
      %dma_start3A_93 = arith.constant 0 : i32
      %dma_start3A_94 = tpu.memref_slice %arg8[%add3A_6, %dma_start3A_93] : memref<10240x128xf32, #tpu.memory_space<vmem_shared>> -> memref<128x128xf32, #tpu.memory_space<vmem_shared>>
      %dma_start3A_95 = arith.constant 0 : i32
      %dma_start3A_96 = tpu.memref_slice %arg8[%add3A_6, %dma_start3A_95] : memref<10240x128xf32, #tpu.memory_space<vmem_shared>> -> memref<128x128xf32, #tpu.memory_space<vmem_shared>>
      tpu.enqueue_dma source(%arg6 : memref<128x128xf32, #tpu.memory_space<vmem>>) target(%dma_start3A_96 : memref<128x128xf32, #tpu.memory_space<vmem_shared>>) target_semaphore(%run_scoped3A : memref<!tpu.dma_semaphore, #tpu.memory_space<semaphore_mem>>)
      %dma_wait3A = arith.constant 0 : i32
      %dma_wait3A_97 = tpu.memref_slice %arg8[%add3A_6, %dma_wait3A] : memref<10240x128xf32, #tpu.memory_space<vmem_shared>> -> memref<128x128xf32, #tpu.memory_space<vmem_shared>>
      %dma_wait3A_98 = arith.constant 0 : i32
      %dma_wait3A_99 = tpu.memref_slice %arg8[%add3A_6, %dma_wait3A_98] : memref<10240x128xf32, #tpu.memory_space<vmem_shared>> -> memref<128x128xf32, #tpu.memory_space<vmem_shared>>
      tpu.wait_dma2 semaphore(%run_scoped3A : memref<!tpu.dma_semaphore, #tpu.memory_space<semaphore_mem>>) src(%arg6 : memref<128x128xf32, #tpu.memory_space<vmem>>) dst(%dma_wait3A_99 : memref<128x128xf32, #tpu.memory_space<vmem_shared>>)
      tpu.yield
    }) : () -> ()
    %mul3A_7 = arith.constant 640 : i32
    %mul3A_8 = arith.muli %arg1, %mul3A_7 : i32
    %add3A_9 = arith.constant 128 : i32
    %add3A_10 = arith.addi %mul3A_8, %add3A_9 : i32
    "tpu.region"() ({
      %run_scoped3A = tpu.sem_alloc : memref<!tpu.dma_semaphore, #tpu.memory_space<semaphore_mem>>
      %dma_start3A_93 = arith.constant 0 : i32
      %dma_start3A_94 = tpu.memref_slice %arg8[%add3A_10, %dma_start3A_93] : memref<10240x128xf32, #tpu.memory_space<vmem_shared>> -> memref<128x128xf32, #tpu.memory_space<vmem_shared>>
      %dma_start3A_95 = arith.constant 0 : i32
      %dma_start3A_96 = tpu.memref_slice %arg8[%add3A_10, %dma_start3A_95] : memref<10240x128xf32, #tpu.memory_space<vmem_shared>> -> memref<128x128xf32, #tpu.memory_space<vmem_shared>>
      tpu.enqueue_dma source(%arg6 : memref<128x128xf32, #tpu.memory_space<vmem>>) target(%dma_start3A_96 : memref<128x128xf32, #tpu.memory_space<vmem_shared>>) target_semaphore(%run_scoped3A : memref<!tpu.dma_semaphore, #tpu.memory_space<semaphore_mem>>)
      %dma_wait3A = arith.constant 0 : i32
      %dma_wait3A_97 = tpu.memref_slice %arg8[%add3A_10, %dma_wait3A] : memref<10240x128xf32, #tpu.memory_space<vmem_shared>> -> memref<128x128xf32, #tpu.memory_space<vmem_shared>>
      %dma_wait3A_98 = arith.constant 0 : i32
      %dma_wait3A_99 = tpu.memref_slice %arg8[%add3A_10, %dma_wait3A_98] : memref<10240x128xf32, #tpu.memory_space<vmem_shared>> -> memref<128x128xf32, #tpu.memory_space<vmem_shared>>
      tpu.wait_dma2 semaphore(%run_scoped3A : memref<!tpu.dma_semaphore, #tpu.memory_space<semaphore_mem>>) src(%arg6 : memref<128x128xf32, #tpu.memory_space<vmem>>) dst(%dma_wait3A_99 : memref<128x128xf32, #tpu.memory_space<vmem_shared>>)
      tpu.yield
    }) : () -> ()
    %mul3A_11 = arith.constant 640 : i32
    %mul3A_12 = arith.muli %arg1, %mul3A_11 : i32
    %add3A_13 = arith.constant 256 : i32
    %add3A_14 = arith.addi %mul3A_12, %add3A_13 : i32
    "tpu.region"() ({
      %run_scoped3A = tpu.sem_alloc : memref<!tpu.dma_semaphore, #tpu.memory_space<semaphore_mem>>
      %dma_start3A_93 = arith.constant 0 : i32
      %dma_start3A_94 = tpu.memref_slice %arg8[%add3A_14, %dma_start3A_93] : memref<10240x128xf32, #tpu.memory_space<vmem_shared>> -> memref<128x128xf32, #tpu.memory_space<vmem_shared>>
      %dma_start3A_95 = arith.constant 0 : i32
      %dma_start3A_96 = tpu.memref_slice %arg8[%add3A_14, %dma_start3A_95] : memref<10240x128xf32, #tpu.memory_space<vmem_shared>> -> memref<128x128xf32, #tpu.memory_space<vmem_shared>>
      tpu.enqueue_dma source(%arg6 : memref<128x128xf32, #tpu.memory_space<vmem>>) target(%dma_start3A_96 : memref<128x128xf32, #tpu.memory_space<vmem_shared>>) target_semaphore(%run_scoped3A : memref<!tpu.dma_semaphore, #tpu.memory_space<semaphore_mem>>)
      %dma_wait3A = arith.constant 0 : i32
      %dma_wait3A_97 = tpu.memref_slice %arg8[%add3A_14, %dma_wait3A] : memref<10240x128xf32, #tpu.memory_space<vmem_shared>> -> memref<128x128xf32, #tpu.memory_space<vmem_shared>>
      %dma_wait3A_98 = arith.constant 0 : i32
      %dma_wait3A_99 = tpu.memref_slice %arg8[%add3A_14, %dma_wait3A_98] : memref<10240x128xf32, #tpu.memory_space<vmem_shared>> -> memref<128x128xf32, #tpu.memory_space<vmem_shared>>
      tpu.wait_dma2 semaphore(%run_scoped3A : memref<!tpu.dma_semaphore, #tpu.memory_space<semaphore_mem>>) src(%arg6 : memref<128x128xf32, #tpu.memory_space<vmem>>) dst(%dma_wait3A_99 : memref<128x128xf32, #tpu.memory_space<vmem_shared>>)
      tpu.yield
    }) : () -> ()
    %mul3A_15 = arith.constant 640 : i32
    %mul3A_16 = arith.muli %arg1, %mul3A_15 : i32
    %add3A_17 = arith.constant 384 : i32
    %add3A_18 = arith.addi %mul3A_16, %add3A_17 : i32
    "tpu.region"() ({
      %run_scoped3A = tpu.sem_alloc : memref<!tpu.dma_semaphore, #tpu.memory_space<semaphore_mem>>
      %dma_start3A_93 = arith.constant 0 : i32
      %dma_start3A_94 = tpu.memref_slice %arg8[%add3A_18, %dma_start3A_93] : memref<10240x128xf32, #tpu.memory_space<vmem_shared>> -> memref<128x128xf32, #tpu.memory_space<vmem_shared>>
      %dma_start3A_95 = arith.constant 0 : i32
      %dma_start3A_96 = tpu.memref_slice %arg8[%add3A_18, %dma_start3A_95] : memref<10240x128xf32, #tpu.memory_space<vmem_shared>> -> memref<128x128xf32, #tpu.memory_space<vmem_shared>>
      tpu.enqueue_dma source(%arg6 : memref<128x128xf32, #tpu.memory_space<vmem>>) target(%dma_start3A_96 : memref<128x128xf32, #tpu.memory_space<vmem_shared>>) target_semaphore(%run_scoped3A : memref<!tpu.dma_semaphore, #tpu.memory_space<semaphore_mem>>)
      %dma_wait3A = arith.constant 0 : i32
      %dma_wait3A_97 = tpu.memref_slice %arg8[%add3A_18, %dma_wait3A] : memref<10240x128xf32, #tpu.memory_space<vmem_shared>> -> memref<128x128xf32, #tpu.memory_space<vmem_shared>>
      %dma_wait3A_98 = arith.constant 0 : i32
      %dma_wait3A_99 = tpu.memref_slice %arg8[%add3A_18, %dma_wait3A_98] : memref<10240x128xf32, #tpu.memory_space<vmem_shared>> -> memref<128x128xf32, #tpu.memory_space<vmem_shared>>
      tpu.wait_dma2 semaphore(%run_scoped3A : memref<!tpu.dma_semaphore, #tpu.memory_space<semaphore_mem>>) src(%arg6 : memref<128x128xf32, #tpu.memory_space<vmem>>) dst(%dma_wait3A_99 : memref<128x128xf32, #tpu.memory_space<vmem_shared>>)
      tpu.yield
    }) : () -> ()
    %mul3A_19 = arith.constant 640 : i32
    %mul3A_20 = arith.muli %arg1, %mul3A_19 : i32
    %add3A_21 = arith.constant 512 : i32
    %add3A_22 = arith.addi %mul3A_20, %add3A_21 : i32
    "tpu.region"() ({
      %run_scoped3A = tpu.sem_alloc : memref<!tpu.dma_semaphore, #tpu.memory_space<semaphore_mem>>
      %dma_start3A_93 = arith.constant 0 : i32
      %dma_start3A_94 = tpu.memref_slice %arg8[%add3A_22, %dma_start3A_93] : memref<10240x128xf32, #tpu.memory_space<vmem_shared>> -> memref<128x128xf32, #tpu.memory_space<vmem_shared>>
      %dma_start3A_95 = arith.constant 0 : i32
      %dma_start3A_96 = tpu.memref_slice %arg8[%add3A_22, %dma_start3A_95] : memref<10240x128xf32, #tpu.memory_space<vmem_shared>> -> memref<128x128xf32, #tpu.memory_space<vmem_shared>>
      tpu.enqueue_dma source(%arg6 : memref<128x128xf32, #tpu.memory_space<vmem>>) target(%dma_start3A_96 : memref<128x128xf32, #tpu.memory_space<vmem_shared>>) target_semaphore(%run_scoped3A : memref<!tpu.dma_semaphore, #tpu.memory_space<semaphore_mem>>)
      %dma_wait3A = arith.constant 0 : i32
      %dma_wait3A_97 = tpu.memref_slice %arg8[%add3A_22, %dma_wait3A] : memref<10240x128xf32, #tpu.memory_space<vmem_shared>> -> memref<128x128xf32, #tpu.memory_space<vmem_shared>>
      %dma_wait3A_98 = arith.constant 0 : i32
      %dma_wait3A_99 = tpu.memref_slice %arg8[%add3A_22, %dma_wait3A_98] : memref<10240x128xf32, #tpu.memory_space<vmem_shared>> -> memref<128x128xf32, #tpu.memory_space<vmem_shared>>
      tpu.wait_dma2 semaphore(%run_scoped3A : memref<!tpu.dma_semaphore, #tpu.memory_space<semaphore_mem>>) src(%arg6 : memref<128x128xf32, #tpu.memory_space<vmem>>) dst(%dma_wait3A_99 : memref<128x128xf32, #tpu.memory_space<vmem_shared>>)
      tpu.yield
    }) : () -> ()
    %barrier3A = arith.constant 0 : index
    tpu.barrier barrier_id(%barrier3A)
    %mul3A_23 = arith.constant 16 : i32
    %mul3A_24 = arith.muli %arg0, %mul3A_23 : i32
    %add3A_25 = arith.addi %mul3A_24, %arg1 : i32
    %mul3A_26 = arith.constant 80 : i32
    %mul3A_27 = arith.muli %add3A_25, %mul3A_26 : i32
    %add3A_28 = arith.constant 0 : i32
    %add3A_29 = arith.addi %mul3A_27, %add3A_28 : i32
    %mul3A_30 = arith.constant 128 : i32
    %mul3A_31 = arith.muli %add3A_29, %mul3A_30 : i32
    "tpu.region"() ({
      %run_scoped3A = tpu.sem_alloc : memref<!tpu.dma_semaphore, #tpu.memory_space<semaphore_mem>>
      %dma_start3A_93 = arith.constant 0 : i32
      %dma_start3A_94 = tpu.memref_slice %arg3[%add3A_29, %dma_start3A_93] : memref<2560x128xi32, #tpu.memory_space<hbm>> -> memref<40x128xi32, #tpu.memory_space<hbm>>
      %dma_start3A_95 = arith.constant 0 : i32
      %dma_start3A_96 = tpu.memref_slice %arg3[%add3A_29, %dma_start3A_95] : memref<2560x128xi32, #tpu.memory_space<hbm>> -> memref<40x128xi32, #tpu.memory_space<hbm>>
      tpu.enqueue_dma source(%dma_start3A_96 : memref<40x128xi32, #tpu.memory_space<hbm>>) target(%arg5 : memref<40x128xi32, #tpu.memory_space<vmem>>) target_semaphore(%run_scoped3A : memref<!tpu.dma_semaphore, #tpu.memory_space<semaphore_mem>>)
      %dma_wait3A = arith.constant 0 : i32
      %dma_wait3A_97 = tpu.memref_slice %arg3[%add3A_29, %dma_wait3A] : memref<2560x128xi32, #tpu.memory_space<hbm>> -> memref<40x128xi32, #tpu.memory_space<hbm>>
      %dma_wait3A_98 = arith.constant 0 : i32
      %dma_wait3A_99 = tpu.memref_slice %arg3[%add3A_29, %dma_wait3A_98] : memref<2560x128xi32, #tpu.memory_space<hbm>> -> memref<40x128xi32, #tpu.memory_space<hbm>>
      tpu.wait_dma2 semaphore(%run_scoped3A : memref<!tpu.dma_semaphore, #tpu.memory_space<semaphore_mem>>) src(%dma_wait3A_99 : memref<40x128xi32, #tpu.memory_space<hbm>>) dst(%arg5 : memref<40x128xi32, #tpu.memory_space<vmem>>)
      tpu.yield
    }) : () -> ()
    %dma_start3A = arith.constant 0 : i32
    %dma_start3A_32 = tpu.memref_slice %arg2[%mul3A_31, %dma_start3A] : memref<327680x128xf32, #tpu.memory_space<hbm>> -> memref<128x128xf32, #tpu.memory_space<hbm>>
    %dma_start3A_33 = arith.constant 0 : i32
    %dma_start3A_34 = tpu.memref_slice %arg2[%mul3A_31, %dma_start3A_33] : memref<327680x128xf32, #tpu.memory_space<hbm>> -> memref<128x128xf32, #tpu.memory_space<hbm>>
    tpu.enqueue_dma source(%dma_start3A_34 : memref<128x128xf32, #tpu.memory_space<hbm>>) target(%arg6 : memref<128x128xf32, #tpu.memory_space<vmem>>) target_semaphore(%arg9 : memref<!tpu.dma_semaphore, #tpu.memory_space<semaphore_mem>>)
    %add3A_35 = arith.constant 128 : i32
    %add3A_36 = arith.addi %mul3A_31, %add3A_35 : i32
    %dma_start3A_37 = arith.constant 0 : i32
    %dma_start3A_38 = tpu.memref_slice %arg2[%add3A_36, %dma_start3A_37] : memref<327680x128xf32, #tpu.memory_space<hbm>> -> memref<128x128xf32, #tpu.memory_space<hbm>>
    %dma_start3A_39 = arith.constant 0 : i32
    %dma_start3A_40 = tpu.memref_slice %arg2[%add3A_36, %dma_start3A_39] : memref<327680x128xf32, #tpu.memory_space<hbm>> -> memref<128x128xf32, #tpu.memory_space<hbm>>
    tpu.enqueue_dma source(%dma_start3A_40 : memref<128x128xf32, #tpu.memory_space<hbm>>) target(%arg7 : memref<128x128xf32, #tpu.memory_space<vmem>>) target_semaphore(%arg10 : memref<!tpu.dma_semaphore, #tpu.memory_space<semaphore_mem>>)
    %scan3A_41 = arith.constant 0 : i32
    %scan3A_42 = arith.constant 0 : i32
    %scan3A_43 = arith.constant 20 : i32
    %scan3A_44 = arith.addi %scan3A_42, %scan3A_43 : i32
    %scan3A_45 = arith.constant 1 : i32
    scf.for %scan3A_93 = %scan3A_42 to %scan3A_44 step %scan3A_45  : i32 {
      %mul3A_94 = arith.constant 2 : i32
      %mul3A_95 = arith.muli %mul3A_94, %scan3A_93 : i32
      %add3A_96 = arith.constant 0 : i32
      %add3A_97 = arith.addi %mul3A_95, %add3A_96 : i32
      %mul3A_98 = arith.constant 128 : i32
      %mul3A_99 = arith.muli %add3A_97, %mul3A_98 : i32
      %add3A_100 = arith.addi %mul3A_31, %mul3A_99 : i32
      %dma_wait3A = arith.constant 0 : i32
      %dma_wait3A_101 = tpu.memref_slice %arg2[%add3A_100, %dma_wait3A] : memref<327680x128xf32, #tpu.memory_space<hbm>> -> memref<128x128xf32, #tpu.memory_space<hbm>>
      %dma_wait3A_102 = arith.constant 0 : i32
      %dma_wait3A_103 = tpu.memref_slice %arg2[%add3A_100, %dma_wait3A_102] : memref<327680x128xf32, #tpu.memory_space<hbm>> -> memref<128x128xf32, #tpu.memory_space<hbm>>
      tpu.wait_dma2 semaphore(%arg9 : memref<!tpu.dma_semaphore, #tpu.memory_space<semaphore_mem>>) src(%dma_wait3A_103 : memref<128x128xf32, #tpu.memory_space<hbm>>) dst(%arg6 : memref<128x128xf32, #tpu.memory_space<vmem>>)
      "tpu.region"() ({
        %run_scoped3A = tpu.sem_alloc : memref<!tpu.dma_semaphore, #tpu.memory_space<semaphore_mem>>
        %dma_start3A_126 = arith.constant 0 : i32
        %dma_start3A_127 = tpu.memref_slice %arg5[%add3A_97, %dma_start3A_126] : memref<40x128xi32, #tpu.memory_space<vmem>> -> memref<1x128xi32, #tpu.memory_space<vmem>>
        %dma_start3A_128 = tpu.memref_squeeze %dma_start3A_127 : memref<1x128xi32, #tpu.memory_space<vmem>> -> memref<128xi32, #tpu.memory_space<vmem>>
        %dma_start3A_129 = arith.constant 0 : i32
        %dma_start3A_130 = arith.constant 0 : i32
        %dma_start3A_131 = tpu.memref_slice %arg8[%dma_start3A_129, %dma_start3A_130] : memref<10240x128xf32, #tpu.memory_space<vmem_shared>> -> memref<10240x128xf32, #tpu.memory_space<vmem_shared>>
        tpu.enqueue_indirect_dma source(%arg6 : memref<128x128xf32, #tpu.memory_space<vmem>>) target(%dma_start3A_131 : memref<10240x128xf32, #tpu.memory_space<vmem_shared>>) offsets(%dma_start3A_128 : memref<128xi32, #tpu.memory_space<vmem>>) semaphore(%run_scoped3A : memref<!tpu.dma_semaphore, #tpu.memory_space<semaphore_mem>>) {add = true}
        %dma_wait3A_132 = arith.constant 0 : i32
        %dma_wait3A_133 = tpu.memref_slice %arg5[%add3A_97, %dma_wait3A_132] : memref<40x128xi32, #tpu.memory_space<vmem>> -> memref<1x128xi32, #tpu.memory_space<vmem>>
        %dma_wait3A_134 = tpu.memref_squeeze %dma_wait3A_133 : memref<1x128xi32, #tpu.memory_space<vmem>> -> memref<128xi32, #tpu.memory_space<vmem>>
        %dma_wait3A_135 = arith.constant 0 : i32
        %dma_wait3A_136 = arith.constant 0 : i32
        %dma_wait3A_137 = tpu.memref_slice %arg8[%dma_wait3A_135, %dma_wait3A_136] : memref<10240x128xf32, #tpu.memory_space<vmem_shared>> -> memref<10240x128xf32, #tpu.memory_space<vmem_shared>>
        tpu.wait_indirect_dma semaphore(%run_scoped3A : memref<!tpu.dma_semaphore, #tpu.memory_space<semaphore_mem>>) src(%arg6 : memref<128x128xf32, #tpu.memory_space<vmem>>) dst(%dma_wait3A_137 : memref<10240x128xf32, #tpu.memory_space<vmem_shared>>)
        tpu.yield
      }) : () -> ()
      %add3A_104 = arith.constant 2 : i32
      %add3A_105 = arith.addi %add3A_97, %add3A_104 : i32
      %lt3A = arith.constant 40 : i32
      %lt3A_106 = arith.cmpi slt, %add3A_105, %lt3A : i32
      %convert_element_type3A = arith.extui %lt3A_106 : i1 to i32
      %cond3A = arith.constant 0 : i32
      %cond3A_107 = arith.cmpi ne, %convert_element_type3A, %cond3A : i32
      scf.if %cond3A_107 {
        %add3A_126 = arith.constant 2 : i32
        %add3A_127 = arith.addi %add3A_97, %add3A_126 : i32
        %mul3A_128 = arith.constant 128 : i32
        %mul3A_129 = arith.muli %add3A_127, %mul3A_128 : i32
        %add3A_130 = arith.addi %mul3A_31, %mul3A_129 : i32
        %dma_start3A_131 = arith.constant 0 : i32
        %dma_start3A_132 = tpu.memref_slice %arg2[%add3A_130, %dma_start3A_131] : memref<327680x128xf32, #tpu.memory_space<hbm>> -> memref<128x128xf32, #tpu.memory_space<hbm>>
        %dma_start3A_133 = arith.constant 0 : i32
        %dma_start3A_134 = tpu.memref_slice %arg2[%add3A_130, %dma_start3A_133] : memref<327680x128xf32, #tpu.memory_space<hbm>> -> memref<128x128xf32, #tpu.memory_space<hbm>>
        tpu.enqueue_dma source(%dma_start3A_134 : memref<128x128xf32, #tpu.memory_space<hbm>>) target(%arg6 : memref<128x128xf32, #tpu.memory_space<vmem>>) target_semaphore(%arg9 : memref<!tpu.dma_semaphore, #tpu.memory_space<semaphore_mem>>)
      } else {
      }
      %mul3A_108 = arith.constant 2 : i32
      %mul3A_109 = arith.muli %mul3A_108, %scan3A_93 : i32
      %add3A_110 = arith.constant 1 : i32
      %add3A_111 = arith.addi %mul3A_109, %add3A_110 : i32
      %mul3A_112 = arith.constant 128 : i32
      %mul3A_113 = arith.muli %add3A_111, %mul3A_112 : i32
      %add3A_114 = arith.addi %mul3A_31, %mul3A_113 : i32
      %dma_wait3A_115 = arith.constant 0 : i32
      %dma_wait3A_116 = tpu.memref_slice %arg2[%add3A_114, %dma_wait3A_115] : memref<327680x128xf32, #tpu.memory_space<hbm>> -> memref<128x128xf32, #tpu.memory_space<hbm>>
      %dma_wait3A_117 = arith.constant 0 : i32
      %dma_wait3A_118 = tpu.memref_slice %arg2[%add3A_114, %dma_wait3A_117] : memref<327680x128xf32, #tpu.memory_space<hbm>> -> memref<128x128xf32, #tpu.memory_space<hbm>>
      tpu.wait_dma2 semaphore(%arg10 : memref<!tpu.dma_semaphore, #tpu.memory_space<semaphore_mem>>) src(%dma_wait3A_118 : memref<128x128xf32, #tpu.memory_space<hbm>>) dst(%arg7 : memref<128x128xf32, #tpu.memory_space<vmem>>)
      "tpu.region"() ({
        %run_scoped3A = tpu.sem_alloc : memref<!tpu.dma_semaphore, #tpu.memory_space<semaphore_mem>>
        %dma_start3A_126 = arith.constant 0 : i32
        %dma_start3A_127 = tpu.memref_slice %arg5[%add3A_111, %dma_start3A_126] : memref<40x128xi32, #tpu.memory_space<vmem>> -> memref<1x128xi32, #tpu.memory_space<vmem>>
        %dma_start3A_128 = tpu.memref_squeeze %dma_start3A_127 : memref<1x128xi32, #tpu.memory_space<vmem>> -> memref<128xi32, #tpu.memory_space<vmem>>
        %dma_start3A_129 = arith.constant 0 : i32
        %dma_start3A_130 = arith.constant 0 : i32
        %dma_start3A_131 = tpu.memref_slice %arg8[%dma_start3A_129, %dma_start3A_130] : memref<10240x128xf32, #tpu.memory_space<vmem_shared>> -> memref<10240x128xf32, #tpu.memory_space<vmem_shared>>
        tpu.enqueue_indirect_dma source(%arg7 : memref<128x128xf32, #tpu.memory_space<vmem>>) target(%dma_start3A_131 : memref<10240x128xf32, #tpu.memory_space<vmem_shared>>) offsets(%dma_start3A_128 : memref<128xi32, #tpu.memory_space<vmem>>) semaphore(%run_scoped3A : memref<!tpu.dma_semaphore, #tpu.memory_space<semaphore_mem>>) {add = true}
        %dma_wait3A_132 = arith.constant 0 : i32
        %dma_wait3A_133 = tpu.memref_slice %arg5[%add3A_111, %dma_wait3A_132] : memref<40x128xi32, #tpu.memory_space<vmem>> -> memref<1x128xi32, #tpu.memory_space<vmem>>
        %dma_wait3A_134 = tpu.memref_squeeze %dma_wait3A_133 : memref<1x128xi32, #tpu.memory_space<vmem>> -> memref<128xi32, #tpu.memory_space<vmem>>
        %dma_wait3A_135 = arith.constant 0 : i32
        %dma_wait3A_136 = arith.constant 0 : i32
        %dma_wait3A_137 = tpu.memref_slice %arg8[%dma_wait3A_135, %dma_wait3A_136] : memref<10240x128xf32, #tpu.memory_space<vmem_shared>> -> memref<10240x128xf32, #tpu.memory_space<vmem_shared>>
        tpu.wait_indirect_dma semaphore(%run_scoped3A : memref<!tpu.dma_semaphore, #tpu.memory_space<semaphore_mem>>) src(%arg7 : memref<128x128xf32, #tpu.memory_space<vmem>>) dst(%dma_wait3A_137 : memref<10240x128xf32, #tpu.memory_space<vmem_shared>>)
        tpu.yield
      }) : () -> ()
      %add3A_119 = arith.constant 2 : i32
      %add3A_120 = arith.addi %add3A_111, %add3A_119 : i32
      %lt3A_121 = arith.constant 40 : i32
      %lt3A_122 = arith.cmpi slt, %add3A_120, %lt3A_121 : i32
      %convert_element_type3A_123 = arith.extui %lt3A_122 : i1 to i32
      %cond3A_124 = arith.constant 0 : i32
      %cond3A_125 = arith.cmpi ne, %convert_element_type3A_123, %cond3A_124 : i32
      scf.if %cond3A_125 {
        %add3A_126 = arith.constant 2 : i32
        %add3A_127 = arith.addi %add3A_111, %add3A_126 : i32
        %mul3A_128 = arith.constant 128 : i32
        %mul3A_129 = arith.muli %add3A_127, %mul3A_128 : i32
        %add3A_130 = arith.addi %mul3A_31, %mul3A_129 : i32
        %dma_start3A_131 = arith.constant 0 : i32
        %dma_start3A_132 = tpu.memref_slice %arg2[%add3A_130, %dma_start3A_131] : memref<327680x128xf32, #tpu.memory_space<hbm>> -> memref<128x128xf32, #tpu.memory_space<hbm>>
        %dma_start3A_133 = arith.constant 0 : i32
        %dma_start3A_134 = tpu.memref_slice %arg2[%add3A_130, %dma_start3A_133] : memref<327680x128xf32, #tpu.memory_space<hbm>> -> memref<128x128xf32, #tpu.memory_space<hbm>>
        tpu.enqueue_dma source(%dma_start3A_134 : memref<128x128xf32, #tpu.memory_space<hbm>>) target(%arg7 : memref<128x128xf32, #tpu.memory_space<vmem>>) target_semaphore(%arg10 : memref<!tpu.dma_semaphore, #tpu.memory_space<semaphore_mem>>)
      } else {
      }
    }
    %scan3A_46 = arith.constant 20 : i32
    %mul3A_47 = arith.constant 16 : i32
    %mul3A_48 = arith.muli %arg0, %mul3A_47 : i32
    %add3A_49 = arith.addi %mul3A_48, %arg1 : i32
    %mul3A_50 = arith.constant 80 : i32
    %mul3A_51 = arith.muli %add3A_49, %mul3A_50 : i32
    %add3A_52 = arith.constant 40 : i32
    %add3A_53 = arith.addi %mul3A_51, %add3A_52 : i32
    %mul3A_54 = arith.constant 128 : i32
    %mul3A_55 = arith.muli %add3A_53, %mul3A_54 : i32
    "tpu.region"() ({
      %run_scoped3A = tpu.sem_alloc : memref<!tpu.dma_semaphore, #tpu.memory_space<semaphore_mem>>
      %dma_start3A_93 = arith.constant 0 : i32
      %dma_start3A_94 = tpu.memref_slice %arg3[%add3A_53, %dma_start3A_93] : memref<2560x128xi32, #tpu.memory_space<hbm>> -> memref<40x128xi32, #tpu.memory_space<hbm>>
      %dma_start3A_95 = arith.constant 0 : i32
      %dma_start3A_96 = tpu.memref_slice %arg3[%add3A_53, %dma_start3A_95] : memref<2560x128xi32, #tpu.memory_space<hbm>> -> memref<40x128xi32, #tpu.memory_space<hbm>>
      tpu.enqueue_dma source(%dma_start3A_96 : memref<40x128xi32, #tpu.memory_space<hbm>>) target(%arg5 : memref<40x128xi32, #tpu.memory_space<vmem>>) target_semaphore(%run_scoped3A : memref<!tpu.dma_semaphore, #tpu.memory_space<semaphore_mem>>)
      %dma_wait3A = arith.constant 0 : i32
      %dma_wait3A_97 = tpu.memref_slice %arg3[%add3A_53, %dma_wait3A] : memref<2560x128xi32, #tpu.memory_space<hbm>> -> memref<40x128xi32, #tpu.memory_space<hbm>>
      %dma_wait3A_98 = arith.constant 0 : i32
      %dma_wait3A_99 = tpu.memref_slice %arg3[%add3A_53, %dma_wait3A_98] : memref<2560x128xi32, #tpu.memory_space<hbm>> -> memref<40x128xi32, #tpu.memory_space<hbm>>
      tpu.wait_dma2 semaphore(%run_scoped3A : memref<!tpu.dma_semaphore, #tpu.memory_space<semaphore_mem>>) src(%dma_wait3A_99 : memref<40x128xi32, #tpu.memory_space<hbm>>) dst(%arg5 : memref<40x128xi32, #tpu.memory_space<vmem>>)
      tpu.yield
    }) : () -> ()
    %dma_start3A_56 = arith.constant 0 : i32
    %dma_start3A_57 = tpu.memref_slice %arg2[%mul3A_55, %dma_start3A_56] : memref<327680x128xf32, #tpu.memory_space<hbm>> -> memref<128x128xf32, #tpu.memory_space<hbm>>
    %dma_start3A_58 = arith.constant 0 : i32
    %dma_start3A_59 = tpu.memref_slice %arg2[%mul3A_55, %dma_start3A_58] : memref<327680x128xf32, #tpu.memory_space<hbm>> -> memref<128x128xf32, #tpu.memory_space<hbm>>
    tpu.enqueue_dma source(%dma_start3A_59 : memref<128x128xf32, #tpu.memory_space<hbm>>) target(%arg6 : memref<128x128xf32, #tpu.memory_space<vmem>>) target_semaphore(%arg9 : memref<!tpu.dma_semaphore, #tpu.memory_space<semaphore_mem>>)
    %add3A_60 = arith.constant 128 : i32
    %add3A_61 = arith.addi %mul3A_55, %add3A_60 : i32
    %dma_start3A_62 = arith.constant 0 : i32
    %dma_start3A_63 = tpu.memref_slice %arg2[%add3A_61, %dma_start3A_62] : memref<327680x128xf32, #tpu.memory_space<hbm>> -> memref<128x128xf32, #tpu.memory_space<hbm>>
    %dma_start3A_64 = arith.constant 0 : i32
    %dma_start3A_65 = tpu.memref_slice %arg2[%add3A_61, %dma_start3A_64] : memref<327680x128xf32, #tpu.memory_space<hbm>> -> memref<128x128xf32, #tpu.memory_space<hbm>>
    tpu.enqueue_dma source(%dma_start3A_65 : memref<128x128xf32, #tpu.memory_space<hbm>>) target(%arg7 : memref<128x128xf32, #tpu.memory_space<vmem>>) target_semaphore(%arg10 : memref<!tpu.dma_semaphore, #tpu.memory_space<semaphore_mem>>)
    %scan3A_66 = arith.constant 0 : i32
    %scan3A_67 = arith.constant 0 : i32
    %scan3A_68 = arith.constant 20 : i32
    %scan3A_69 = arith.addi %scan3A_67, %scan3A_68 : i32
    %scan3A_70 = arith.constant 1 : i32
    scf.for %scan3A_93 = %scan3A_67 to %scan3A_69 step %scan3A_70  : i32 {
      %mul3A_94 = arith.constant 2 : i32
      %mul3A_95 = arith.muli %mul3A_94, %scan3A_93 : i32
      %add3A_96 = arith.constant 0 : i32
      %add3A_97 = arith.addi %mul3A_95, %add3A_96 : i32
      %mul3A_98 = arith.constant 128 : i32
      %mul3A_99 = arith.muli %add3A_97, %mul3A_98 : i32
      %add3A_100 = arith.addi %mul3A_55, %mul3A_99 : i32
      %dma_wait3A = arith.constant 0 : i32
      %dma_wait3A_101 = tpu.memref_slice %arg2[%add3A_100, %dma_wait3A] : memref<327680x128xf32, #tpu.memory_space<hbm>> -> memref<128x128xf32, #tpu.memory_space<hbm>>
      %dma_wait3A_102 = arith.constant 0 : i32
      %dma_wait3A_103 = tpu.memref_slice %arg2[%add3A_100, %dma_wait3A_102] : memref<327680x128xf32, #tpu.memory_space<hbm>> -> memref<128x128xf32, #tpu.memory_space<hbm>>
      tpu.wait_dma2 semaphore(%arg9 : memref<!tpu.dma_semaphore, #tpu.memory_space<semaphore_mem>>) src(%dma_wait3A_103 : memref<128x128xf32, #tpu.memory_space<hbm>>) dst(%arg6 : memref<128x128xf32, #tpu.memory_space<vmem>>)
      "tpu.region"() ({
        %run_scoped3A = tpu.sem_alloc : memref<!tpu.dma_semaphore, #tpu.memory_space<semaphore_mem>>
        %dma_start3A_126 = arith.constant 0 : i32
        %dma_start3A_127 = tpu.memref_slice %arg5[%add3A_97, %dma_start3A_126] : memref<40x128xi32, #tpu.memory_space<vmem>> -> memref<1x128xi32, #tpu.memory_space<vmem>>
        %dma_start3A_128 = tpu.memref_squeeze %dma_start3A_127 : memref<1x128xi32, #tpu.memory_space<vmem>> -> memref<128xi32, #tpu.memory_space<vmem>>
        %dma_start3A_129 = arith.constant 0 : i32
        %dma_start3A_130 = arith.constant 0 : i32
        %dma_start3A_131 = tpu.memref_slice %arg8[%dma_start3A_129, %dma_start3A_130] : memref<10240x128xf32, #tpu.memory_space<vmem_shared>> -> memref<10240x128xf32, #tpu.memory_space<vmem_shared>>
        tpu.enqueue_indirect_dma source(%arg6 : memref<128x128xf32, #tpu.memory_space<vmem>>) target(%dma_start3A_131 : memref<10240x128xf32, #tpu.memory_space<vmem_shared>>) offsets(%dma_start3A_128 : memref<128xi32, #tpu.memory_space<vmem>>) semaphore(%run_scoped3A : memref<!tpu.dma_semaphore, #tpu.memory_space<semaphore_mem>>) {add = true}
        %dma_wait3A_132 = arith.constant 0 : i32
        %dma_wait3A_133 = tpu.memref_slice %arg5[%add3A_97, %dma_wait3A_132] : memref<40x128xi32, #tpu.memory_space<vmem>> -> memref<1x128xi32, #tpu.memory_space<vmem>>
        %dma_wait3A_134 = tpu.memref_squeeze %dma_wait3A_133 : memref<1x128xi32, #tpu.memory_space<vmem>> -> memref<128xi32, #tpu.memory_space<vmem>>
        %dma_wait3A_135 = arith.constant 0 : i32
        %dma_wait3A_136 = arith.constant 0 : i32
        %dma_wait3A_137 = tpu.memref_slice %arg8[%dma_wait3A_135, %dma_wait3A_136] : memref<10240x128xf32, #tpu.memory_space<vmem_shared>> -> memref<10240x128xf32, #tpu.memory_space<vmem_shared>>
        tpu.wait_indirect_dma semaphore(%run_scoped3A : memref<!tpu.dma_semaphore, #tpu.memory_space<semaphore_mem>>) src(%arg6 : memref<128x128xf32, #tpu.memory_space<vmem>>) dst(%dma_wait3A_137 : memref<10240x128xf32, #tpu.memory_space<vmem_shared>>)
        tpu.yield
      }) : () -> ()
      %add3A_104 = arith.constant 2 : i32
      %add3A_105 = arith.addi %add3A_97, %add3A_104 : i32
      %lt3A = arith.constant 40 : i32
      %lt3A_106 = arith.cmpi slt, %add3A_105, %lt3A : i32
      %convert_element_type3A = arith.extui %lt3A_106 : i1 to i32
      %cond3A = arith.constant 0 : i32
      %cond3A_107 = arith.cmpi ne, %convert_element_type3A, %cond3A : i32
      scf.if %cond3A_107 {
        %add3A_126 = arith.constant 2 : i32
        %add3A_127 = arith.addi %add3A_97, %add3A_126 : i32
        %mul3A_128 = arith.constant 128 : i32
        %mul3A_129 = arith.muli %add3A_127, %mul3A_128 : i32
        %add3A_130 = arith.addi %mul3A_55, %mul3A_129 : i32
        %dma_start3A_131 = arith.constant 0 : i32
        %dma_start3A_132 = tpu.memref_slice %arg2[%add3A_130, %dma_start3A_131] : memref<327680x128xf32, #tpu.memory_space<hbm>> -> memref<128x128xf32, #tpu.memory_space<hbm>>
        %dma_start3A_133 = arith.constant 0 : i32
        %dma_start3A_134 = tpu.memref_slice %arg2[%add3A_130, %dma_start3A_133] : memref<327680x128xf32, #tpu.memory_space<hbm>> -> memref<128x128xf32, #tpu.memory_space<hbm>>
        tpu.enqueue_dma source(%dma_start3A_134 : memref<128x128xf32, #tpu.memory_space<hbm>>) target(%arg6 : memref<128x128xf32, #tpu.memory_space<vmem>>) target_semaphore(%arg9 : memref<!tpu.dma_semaphore, #tpu.memory_space<semaphore_mem>>)
      } else {
      }
      %mul3A_108 = arith.constant 2 : i32
      %mul3A_109 = arith.muli %mul3A_108, %scan3A_93 : i32
      %add3A_110 = arith.constant 1 : i32
      %add3A_111 = arith.addi %mul3A_109, %add3A_110 : i32
      %mul3A_112 = arith.constant 128 : i32
      %mul3A_113 = arith.muli %add3A_111, %mul3A_112 : i32
      %add3A_114 = arith.addi %mul3A_55, %mul3A_113 : i32
      %dma_wait3A_115 = arith.constant 0 : i32
      %dma_wait3A_116 = tpu.memref_slice %arg2[%add3A_114, %dma_wait3A_115] : memref<327680x128xf32, #tpu.memory_space<hbm>> -> memref<128x128xf32, #tpu.memory_space<hbm>>
      %dma_wait3A_117 = arith.constant 0 : i32
      %dma_wait3A_118 = tpu.memref_slice %arg2[%add3A_114, %dma_wait3A_117] : memref<327680x128xf32, #tpu.memory_space<hbm>> -> memref<128x128xf32, #tpu.memory_space<hbm>>
      tpu.wait_dma2 semaphore(%arg10 : memref<!tpu.dma_semaphore, #tpu.memory_space<semaphore_mem>>) src(%dma_wait3A_118 : memref<128x128xf32, #tpu.memory_space<hbm>>) dst(%arg7 : memref<128x128xf32, #tpu.memory_space<vmem>>)
      "tpu.region"() ({
        %run_scoped3A = tpu.sem_alloc : memref<!tpu.dma_semaphore, #tpu.memory_space<semaphore_mem>>
        %dma_start3A_126 = arith.constant 0 : i32
        %dma_start3A_127 = tpu.memref_slice %arg5[%add3A_111, %dma_start3A_126] : memref<40x128xi32, #tpu.memory_space<vmem>> -> memref<1x128xi32, #tpu.memory_space<vmem>>
        %dma_start3A_128 = tpu.memref_squeeze %dma_start3A_127 : memref<1x128xi32, #tpu.memory_space<vmem>> -> memref<128xi32, #tpu.memory_space<vmem>>
        %dma_start3A_129 = arith.constant 0 : i32
        %dma_start3A_130 = arith.constant 0 : i32
        %dma_start3A_131 = tpu.memref_slice %arg8[%dma_start3A_129, %dma_start3A_130] : memref<10240x128xf32, #tpu.memory_space<vmem_shared>> -> memref<10240x128xf32, #tpu.memory_space<vmem_shared>>
        tpu.enqueue_indirect_dma source(%arg7 : memref<128x128xf32, #tpu.memory_space<vmem>>) target(%dma_start3A_131 : memref<10240x128xf32, #tpu.memory_space<vmem_shared>>) offsets(%dma_start3A_128 : memref<128xi32, #tpu.memory_space<vmem>>) semaphore(%run_scoped3A : memref<!tpu.dma_semaphore, #tpu.memory_space<semaphore_mem>>) {add = true}
        %dma_wait3A_132 = arith.constant 0 : i32
        %dma_wait3A_133 = tpu.memref_slice %arg5[%add3A_111, %dma_wait3A_132] : memref<40x128xi32, #tpu.memory_space<vmem>> -> memref<1x128xi32, #tpu.memory_space<vmem>>
        %dma_wait3A_134 = tpu.memref_squeeze %dma_wait3A_133 : memref<1x128xi32, #tpu.memory_space<vmem>> -> memref<128xi32, #tpu.memory_space<vmem>>
        %dma_wait3A_135 = arith.constant 0 : i32
        %dma_wait3A_136 = arith.constant 0 : i32
        %dma_wait3A_137 = tpu.memref_slice %arg8[%dma_wait3A_135, %dma_wait3A_136] : memref<10240x128xf32, #tpu.memory_space<vmem_shared>> -> memref<10240x128xf32, #tpu.memory_space<vmem_shared>>
        tpu.wait_indirect_dma semaphore(%run_scoped3A : memref<!tpu.dma_semaphore, #tpu.memory_space<semaphore_mem>>) src(%arg7 : memref<128x128xf32, #tpu.memory_space<vmem>>) dst(%dma_wait3A_137 : memref<10240x128xf32, #tpu.memory_space<vmem_shared>>)
        tpu.yield
      }) : () -> ()
      %add3A_119 = arith.constant 2 : i32
      %add3A_120 = arith.addi %add3A_111, %add3A_119 : i32
      %lt3A_121 = arith.constant 40 : i32
      %lt3A_122 = arith.cmpi slt, %add3A_120, %lt3A_121 : i32
      %convert_element_type3A_123 = arith.extui %lt3A_122 : i1 to i32
      %cond3A_124 = arith.constant 0 : i32
      %cond3A_125 = arith.cmpi ne, %convert_element_type3A_123, %cond3A_124 : i32
      scf.if %cond3A_125 {
        %add3A_126 = arith.constant 2 : i32
        %add3A_127 = arith.addi %add3A_111, %add3A_126 : i32
        %mul3A_128 = arith.constant 128 : i32
        %mul3A_129 = arith.muli %add3A_127, %mul3A_128 : i32
        %add3A_130 = arith.addi %mul3A_55, %mul3A_129 : i32
        %dma_start3A_131 = arith.constant 0 : i32
        %dma_start3A_132 = tpu.memref_slice %arg2[%add3A_130, %dma_start3A_131] : memref<327680x128xf32, #tpu.memory_space<hbm>> -> memref<128x128xf32, #tpu.memory_space<hbm>>
        %dma_start3A_133 = arith.constant 0 : i32
        %dma_start3A_134 = tpu.memref_slice %arg2[%add3A_130, %dma_start3A_133] : memref<327680x128xf32, #tpu.memory_space<hbm>> -> memref<128x128xf32, #tpu.memory_space<hbm>>
        tpu.enqueue_dma source(%dma_start3A_134 : memref<128x128xf32, #tpu.memory_space<hbm>>) target(%arg7 : memref<128x128xf32, #tpu.memory_space<vmem>>) target_semaphore(%arg10 : memref<!tpu.dma_semaphore, #tpu.memory_space<semaphore_mem>>)
      } else {
      }
    }
    %scan3A_71 = arith.constant 20 : i32
    %barrier3A_72 = arith.constant 0 : index
    tpu.barrier barrier_id(%barrier3A_72)
    %mul3A_73 = arith.constant 640 : i32
    %mul3A_74 = arith.muli %arg1, %mul3A_73 : i32
    %add3A_75 = arith.constant 0 : i32
    %add3A_76 = arith.addi %mul3A_74, %add3A_75 : i32
    "tpu.region"() ({
      %run_scoped3A = tpu.sem_alloc : memref<!tpu.dma_semaphore, #tpu.memory_space<semaphore_mem>>
      %dma_start3A_93 = arith.constant 0 : i32
      %dma_start3A_94 = tpu.memref_slice %arg8[%add3A_76, %dma_start3A_93] : memref<10240x128xf32, #tpu.memory_space<vmem_shared>> -> memref<128x128xf32, #tpu.memory_space<vmem_shared>>
      %dma_start3A_95 = arith.constant 0 : i32
      %dma_start3A_96 = tpu.memref_slice %arg8[%add3A_76, %dma_start3A_95] : memref<10240x128xf32, #tpu.memory_space<vmem_shared>> -> memref<128x128xf32, #tpu.memory_space<vmem_shared>>
      tpu.enqueue_dma source(%dma_start3A_96 : memref<128x128xf32, #tpu.memory_space<vmem_shared>>) target(%arg6 : memref<128x128xf32, #tpu.memory_space<vmem>>) target_semaphore(%run_scoped3A : memref<!tpu.dma_semaphore, #tpu.memory_space<semaphore_mem>>)
      %dma_wait3A = arith.constant 0 : i32
      %dma_wait3A_97 = tpu.memref_slice %arg8[%add3A_76, %dma_wait3A] : memref<10240x128xf32, #tpu.memory_space<vmem_shared>> -> memref<128x128xf32, #tpu.memory_space<vmem_shared>>
      %dma_wait3A_98 = arith.constant 0 : i32
      %dma_wait3A_99 = tpu.memref_slice %arg8[%add3A_76, %dma_wait3A_98] : memref<10240x128xf32, #tpu.memory_space<vmem_shared>> -> memref<128x128xf32, #tpu.memory_space<vmem_shared>>
      tpu.wait_dma2 semaphore(%run_scoped3A : memref<!tpu.dma_semaphore, #tpu.memory_space<semaphore_mem>>) src(%dma_wait3A_99 : memref<128x128xf32, #tpu.memory_space<vmem_shared>>) dst(%arg6 : memref<128x128xf32, #tpu.memory_space<vmem>>)
      tpu.yield
    }) : () -> ()
    "tpu.region"() ({
      %run_scoped3A = tpu.sem_alloc : memref<!tpu.dma_semaphore, #tpu.memory_space<semaphore_mem>>
      %dma_start3A_93 = arith.constant 0 : i32
      %dma_start3A_94 = tpu.memref_slice %arg4[%arg0, %add3A_76, %dma_start3A_93] : memref<2x10240x128xf32, #tpu.memory_space<hbm>> -> memref<1x128x128xf32, #tpu.memory_space<hbm>>
      %dma_start3A_95 = tpu.memref_squeeze %dma_start3A_94 : memref<1x128x128xf32, #tpu.memory_space<hbm>> -> memref<128x128xf32, #tpu.memory_space<hbm>>
      %dma_start3A_96 = arith.constant 0 : i32
      %dma_start3A_97 = tpu.memref_slice %arg4[%arg0, %add3A_76, %dma_start3A_96] : memref<2x10240x128xf32, #tpu.memory_space<hbm>> -> memref<1x128x128xf32, #tpu.memory_space<hbm>>
      %dma_start3A_98 = tpu.memref_squeeze %dma_start3A_97 : memref<1x128x128xf32, #tpu.memory_space<hbm>> -> memref<128x128xf32, #tpu.memory_space<hbm>>
      tpu.enqueue_dma source(%arg6 : memref<128x128xf32, #tpu.memory_space<vmem>>) target(%dma_start3A_98 : memref<128x128xf32, #tpu.memory_space<hbm>>) target_semaphore(%run_scoped3A : memref<!tpu.dma_semaphore, #tpu.memory_space<semaphore_mem>>)
      %dma_wait3A = arith.constant 0 : i32
      %dma_wait3A_99 = tpu.memref_slice %arg4[%arg0, %add3A_76, %dma_wait3A] : memref<2x10240x128xf32, #tpu.memory_space<hbm>> -> memref<1x128x128xf32, #tpu.memory_space<hbm>>
      %dma_wait3A_100 = tpu.memref_squeeze %dma_wait3A_99 : memref<1x128x128xf32, #tpu.memory_space<hbm>> -> memref<128x128xf32, #tpu.memory_space<hbm>>
      %dma_wait3A_101 = arith.constant 0 : i32
      %dma_wait3A_102 = tpu.memref_slice %arg4[%arg0, %add3A_76, %dma_wait3A_101] : memref<2x10240x128xf32, #tpu.memory_space<hbm>> -> memref<1x128x128xf32, #tpu.memory_space<hbm>>
      %dma_wait3A_103 = tpu.memref_squeeze %dma_wait3A_102 : memref<1x128x128xf32, #tpu.memory_space<hbm>> -> memref<128x128xf32, #tpu.memory_space<hbm>>
      tpu.wait_dma2 semaphore(%run_scoped3A : memref<!tpu.dma_semaphore, #tpu.memory_space<semaphore_mem>>) src(%arg6 : memref<128x128xf32, #tpu.memory_space<vmem>>) dst(%dma_wait3A_103 : memref<128x128xf32, #tpu.memory_space<hbm>>)
      tpu.yield
    }) : () -> ()
    %mul3A_77 = arith.constant 640 : i32
    %mul3A_78 = arith.muli %arg1, %mul3A_77 : i32
    %add3A_79 = arith.constant 128 : i32
    %add3A_80 = arith.addi %mul3A_78, %add3A_79 : i32
    "tpu.region"() ({
      %run_scoped3A = tpu.sem_alloc : memref<!tpu.dma_semaphore, #tpu.memory_space<semaphore_mem>>
      %dma_start3A_93 = arith.constant 0 : i32
      %dma_start3A_94 = tpu.memref_slice %arg8[%add3A_80, %dma_start3A_93] : memref<10240x128xf32, #tpu.memory_space<vmem_shared>> -> memref<128x128xf32, #tpu.memory_space<vmem_shared>>
      %dma_start3A_95 = arith.constant 0 : i32
      %dma_start3A_96 = tpu.memref_slice %arg8[%add3A_80, %dma_start3A_95] : memref<10240x128xf32, #tpu.memory_space<vmem_shared>> -> memref<128x128xf32, #tpu.memory_space<vmem_shared>>
      tpu.enqueue_dma source(%dma_start3A_96 : memref<128x128xf32, #tpu.memory_space<vmem_shared>>) target(%arg6 : memref<128x128xf32, #tpu.memory_space<vmem>>) target_semaphore(%run_scoped3A : memref<!tpu.dma_semaphore, #tpu.memory_space<semaphore_mem>>)
      %dma_wait3A = arith.constant 0 : i32
      %dma_wait3A_97 = tpu.memref_slice %arg8[%add3A_80, %dma_wait3A] : memref<10240x128xf32, #tpu.memory_space<vmem_shared>> -> memref<128x128xf32, #tpu.memory_space<vmem_shared>>
      %dma_wait3A_98 = arith.constant 0 : i32
      %dma_wait3A_99 = tpu.memref_slice %arg8[%add3A_80, %dma_wait3A_98] : memref<10240x128xf32, #tpu.memory_space<vmem_shared>> -> memref<128x128xf32, #tpu.memory_space<vmem_shared>>
      tpu.wait_dma2 semaphore(%run_scoped3A : memref<!tpu.dma_semaphore, #tpu.memory_space<semaphore_mem>>) src(%dma_wait3A_99 : memref<128x128xf32, #tpu.memory_space<vmem_shared>>) dst(%arg6 : memref<128x128xf32, #tpu.memory_space<vmem>>)
      tpu.yield
    }) : () -> ()
    "tpu.region"() ({
      %run_scoped3A = tpu.sem_alloc : memref<!tpu.dma_semaphore, #tpu.memory_space<semaphore_mem>>
      %dma_start3A_93 = arith.constant 0 : i32
      %dma_start3A_94 = tpu.memref_slice %arg4[%arg0, %add3A_80, %dma_start3A_93] : memref<2x10240x128xf32, #tpu.memory_space<hbm>> -> memref<1x128x128xf32, #tpu.memory_space<hbm>>
      %dma_start3A_95 = tpu.memref_squeeze %dma_start3A_94 : memref<1x128x128xf32, #tpu.memory_space<hbm>> -> memref<128x128xf32, #tpu.memory_space<hbm>>
      %dma_start3A_96 = arith.constant 0 : i32
      %dma_start3A_97 = tpu.memref_slice %arg4[%arg0, %add3A_80, %dma_start3A_96] : memref<2x10240x128xf32, #tpu.memory_space<hbm>> -> memref<1x128x128xf32, #tpu.memory_space<hbm>>
      %dma_start3A_98 = tpu.memref_squeeze %dma_start3A_97 : memref<1x128x128xf32, #tpu.memory_space<hbm>> -> memref<128x128xf32, #tpu.memory_space<hbm>>
      tpu.enqueue_dma source(%arg6 : memref<128x128xf32, #tpu.memory_space<vmem>>) target(%dma_start3A_98 : memref<128x128xf32, #tpu.memory_space<hbm>>) target_semaphore(%run_scoped3A : memref<!tpu.dma_semaphore, #tpu.memory_space<semaphore_mem>>)
      %dma_wait3A = arith.constant 0 : i32
      %dma_wait3A_99 = tpu.memref_slice %arg4[%arg0, %add3A_80, %dma_wait3A] : memref<2x10240x128xf32, #tpu.memory_space<hbm>> -> memref<1x128x128xf32, #tpu.memory_space<hbm>>
      %dma_wait3A_100 = tpu.memref_squeeze %dma_wait3A_99 : memref<1x128x128xf32, #tpu.memory_space<hbm>> -> memref<128x128xf32, #tpu.memory_space<hbm>>
      %dma_wait3A_101 = arith.constant 0 : i32
      %dma_wait3A_102 = tpu.memref_slice %arg4[%arg0, %add3A_80, %dma_wait3A_101] : memref<2x10240x128xf32, #tpu.memory_space<hbm>> -> memref<1x128x128xf32, #tpu.memory_space<hbm>>
      %dma_wait3A_103 = tpu.memref_squeeze %dma_wait3A_102 : memref<1x128x128xf32, #tpu.memory_space<hbm>> -> memref<128x128xf32, #tpu.memory_space<hbm>>
      tpu.wait_dma2 semaphore(%run_scoped3A : memref<!tpu.dma_semaphore, #tpu.memory_space<semaphore_mem>>) src(%arg6 : memref<128x128xf32, #tpu.memory_space<vmem>>) dst(%dma_wait3A_103 : memref<128x128xf32, #tpu.memory_space<hbm>>)
      tpu.yield
    }) : () -> ()
    %mul3A_81 = arith.constant 640 : i32
    %mul3A_82 = arith.muli %arg1, %mul3A_81 : i32
    %add3A_83 = arith.constant 256 : i32
    %add3A_84 = arith.addi %mul3A_82, %add3A_83 : i32
    "tpu.region"() ({
      %run_scoped3A = tpu.sem_alloc : memref<!tpu.dma_semaphore, #tpu.memory_space<semaphore_mem>>
      %dma_start3A_93 = arith.constant 0 : i32
      %dma_start3A_94 = tpu.memref_slice %arg8[%add3A_84, %dma_start3A_93] : memref<10240x128xf32, #tpu.memory_space<vmem_shared>> -> memref<128x128xf32, #tpu.memory_space<vmem_shared>>
      %dma_start3A_95 = arith.constant 0 : i32
      %dma_start3A_96 = tpu.memref_slice %arg8[%add3A_84, %dma_start3A_95] : memref<10240x128xf32, #tpu.memory_space<vmem_shared>> -> memref<128x128xf32, #tpu.memory_space<vmem_shared>>
      tpu.enqueue_dma source(%dma_start3A_96 : memref<128x128xf32, #tpu.memory_space<vmem_shared>>) target(%arg6 : memref<128x128xf32, #tpu.memory_space<vmem>>) target_semaphore(%run_scoped3A : memref<!tpu.dma_semaphore, #tpu.memory_space<semaphore_mem>>)
      %dma_wait3A = arith.constant 0 : i32
      %dma_wait3A_97 = tpu.memref_slice %arg8[%add3A_84, %dma_wait3A] : memref<10240x128xf32, #tpu.memory_space<vmem_shared>> -> memref<128x128xf32, #tpu.memory_space<vmem_shared>>
      %dma_wait3A_98 = arith.constant 0 : i32
      %dma_wait3A_99 = tpu.memref_slice %arg8[%add3A_84, %dma_wait3A_98] : memref<10240x128xf32, #tpu.memory_space<vmem_shared>> -> memref<128x128xf32, #tpu.memory_space<vmem_shared>>
      tpu.wait_dma2 semaphore(%run_scoped3A : memref<!tpu.dma_semaphore, #tpu.memory_space<semaphore_mem>>) src(%dma_wait3A_99 : memref<128x128xf32, #tpu.memory_space<vmem_shared>>) dst(%arg6 : memref<128x128xf32, #tpu.memory_space<vmem>>)
      tpu.yield
    }) : () -> ()
    "tpu.region"() ({
      %run_scoped3A = tpu.sem_alloc : memref<!tpu.dma_semaphore, #tpu.memory_space<semaphore_mem>>
      %dma_start3A_93 = arith.constant 0 : i32
      %dma_start3A_94 = tpu.memref_slice %arg4[%arg0, %add3A_84, %dma_start3A_93] : memref<2x10240x128xf32, #tpu.memory_space<hbm>> -> memref<1x128x128xf32, #tpu.memory_space<hbm>>
      %dma_start3A_95 = tpu.memref_squeeze %dma_start3A_94 : memref<1x128x128xf32, #tpu.memory_space<hbm>> -> memref<128x128xf32, #tpu.memory_space<hbm>>
      %dma_start3A_96 = arith.constant 0 : i32
      %dma_start3A_97 = tpu.memref_slice %arg4[%arg0, %add3A_84, %dma_start3A_96] : memref<2x10240x128xf32, #tpu.memory_space<hbm>> -> memref<1x128x128xf32, #tpu.memory_space<hbm>>
      %dma_start3A_98 = tpu.memref_squeeze %dma_start3A_97 : memref<1x128x128xf32, #tpu.memory_space<hbm>> -> memref<128x128xf32, #tpu.memory_space<hbm>>
      tpu.enqueue_dma source(%arg6 : memref<128x128xf32, #tpu.memory_space<vmem>>) target(%dma_start3A_98 : memref<128x128xf32, #tpu.memory_space<hbm>>) target_semaphore(%run_scoped3A : memref<!tpu.dma_semaphore, #tpu.memory_space<semaphore_mem>>)
      %dma_wait3A = arith.constant 0 : i32
      %dma_wait3A_99 = tpu.memref_slice %arg4[%arg0, %add3A_84, %dma_wait3A] : memref<2x10240x128xf32, #tpu.memory_space<hbm>> -> memref<1x128x128xf32, #tpu.memory_space<hbm>>
      %dma_wait3A_100 = tpu.memref_squeeze %dma_wait3A_99 : memref<1x128x128xf32, #tpu.memory_space<hbm>> -> memref<128x128xf32, #tpu.memory_space<hbm>>
      %dma_wait3A_101 = arith.constant 0 : i32
      %dma_wait3A_102 = tpu.memref_slice %arg4[%arg0, %add3A_84, %dma_wait3A_101] : memref<2x10240x128xf32, #tpu.memory_space<hbm>> -> memref<1x128x128xf32, #tpu.memory_space<hbm>>
      %dma_wait3A_103 = tpu.memref_squeeze %dma_wait3A_102 : memref<1x128x128xf32, #tpu.memory_space<hbm>> -> memref<128x128xf32, #tpu.memory_space<hbm>>
      tpu.wait_dma2 semaphore(%run_scoped3A : memref<!tpu.dma_semaphore, #tpu.memory_space<semaphore_mem>>) src(%arg6 : memref<128x128xf32, #tpu.memory_space<vmem>>) dst(%dma_wait3A_103 : memref<128x128xf32, #tpu.memory_space<hbm>>)
      tpu.yield
    }) : () -> ()
    %mul3A_85 = arith.constant 640 : i32
    %mul3A_86 = arith.muli %arg1, %mul3A_85 : i32
    %add3A_87 = arith.constant 384 : i32
    %add3A_88 = arith.addi %mul3A_86, %add3A_87 : i32
    "tpu.region"() ({
      %run_scoped3A = tpu.sem_alloc : memref<!tpu.dma_semaphore, #tpu.memory_space<semaphore_mem>>
      %dma_start3A_93 = arith.constant 0 : i32
      %dma_start3A_94 = tpu.memref_slice %arg8[%add3A_88, %dma_start3A_93] : memref<10240x128xf32, #tpu.memory_space<vmem_shared>> -> memref<128x128xf32, #tpu.memory_space<vmem_shared>>
      %dma_start3A_95 = arith.constant 0 : i32
      %dma_start3A_96 = tpu.memref_slice %arg8[%add3A_88, %dma_start3A_95] : memref<10240x128xf32, #tpu.memory_space<vmem_shared>> -> memref<128x128xf32, #tpu.memory_space<vmem_shared>>
      tpu.enqueue_dma source(%dma_start3A_96 : memref<128x128xf32, #tpu.memory_space<vmem_shared>>) target(%arg6 : memref<128x128xf32, #tpu.memory_space<vmem>>) target_semaphore(%run_scoped3A : memref<!tpu.dma_semaphore, #tpu.memory_space<semaphore_mem>>)
      %dma_wait3A = arith.constant 0 : i32
      %dma_wait3A_97 = tpu.memref_slice %arg8[%add3A_88, %dma_wait3A] : memref<10240x128xf32, #tpu.memory_space<vmem_shared>> -> memref<128x128xf32, #tpu.memory_space<vmem_shared>>
      %dma_wait3A_98 = arith.constant 0 : i32
      %dma_wait3A_99 = tpu.memref_slice %arg8[%add3A_88, %dma_wait3A_98] : memref<10240x128xf32, #tpu.memory_space<vmem_shared>> -> memref<128x128xf32, #tpu.memory_space<vmem_shared>>
      tpu.wait_dma2 semaphore(%run_scoped3A : memref<!tpu.dma_semaphore, #tpu.memory_space<semaphore_mem>>) src(%dma_wait3A_99 : memref<128x128xf32, #tpu.memory_space<vmem_shared>>) dst(%arg6 : memref<128x128xf32, #tpu.memory_space<vmem>>)
      tpu.yield
    }) : () -> ()
    "tpu.region"() ({
      %run_scoped3A = tpu.sem_alloc : memref<!tpu.dma_semaphore, #tpu.memory_space<semaphore_mem>>
      %dma_start3A_93 = arith.constant 0 : i32
      %dma_start3A_94 = tpu.memref_slice %arg4[%arg0, %add3A_88, %dma_start3A_93] : memref<2x10240x128xf32, #tpu.memory_space<hbm>> -> memref<1x128x128xf32, #tpu.memory_space<hbm>>
      %dma_start3A_95 = tpu.memref_squeeze %dma_start3A_94 : memref<1x128x128xf32, #tpu.memory_space<hbm>> -> memref<128x128xf32, #tpu.memory_space<hbm>>
      %dma_start3A_96 = arith.constant 0 : i32
      %dma_start3A_97 = tpu.memref_slice %arg4[%arg0, %add3A_88, %dma_start3A_96] : memref<2x10240x128xf32, #tpu.memory_space<hbm>> -> memref<1x128x128xf32, #tpu.memory_space<hbm>>
      %dma_start3A_98 = tpu.memref_squeeze %dma_start3A_97 : memref<1x128x128xf32, #tpu.memory_space<hbm>> -> memref<128x128xf32, #tpu.memory_space<hbm>>
      tpu.enqueue_dma source(%arg6 : memref<128x128xf32, #tpu.memory_space<vmem>>) target(%dma_start3A_98 : memref<128x128xf32, #tpu.memory_space<hbm>>) target_semaphore(%run_scoped3A : memref<!tpu.dma_semaphore, #tpu.memory_space<semaphore_mem>>)
      %dma_wait3A = arith.constant 0 : i32
      %dma_wait3A_99 = tpu.memref_slice %arg4[%arg0, %add3A_88, %dma_wait3A] : memref<2x10240x128xf32, #tpu.memory_space<hbm>> -> memref<1x128x128xf32, #tpu.memory_space<hbm>>
      %dma_wait3A_100 = tpu.memref_squeeze %dma_wait3A_99 : memref<1x128x128xf32, #tpu.memory_space<hbm>> -> memref<128x128xf32, #tpu.memory_space<hbm>>
      %dma_wait3A_101 = arith.constant 0 : i32
      %dma_wait3A_102 = tpu.memref_slice %arg4[%arg0, %add3A_88, %dma_wait3A_101] : memref<2x10240x128xf32, #tpu.memory_space<hbm>> -> memref<1x128x128xf32, #tpu.memory_space<hbm>>
      %dma_wait3A_103 = tpu.memref_squeeze %dma_wait3A_102 : memref<1x128x128xf32, #tpu.memory_space<hbm>> -> memref<128x128xf32, #tpu.memory_space<hbm>>
      tpu.wait_dma2 semaphore(%run_scoped3A : memref<!tpu.dma_semaphore, #tpu.memory_space<semaphore_mem>>) src(%arg6 : memref<128x128xf32, #tpu.memory_space<vmem>>) dst(%dma_wait3A_103 : memref<128x128xf32, #tpu.memory_space<hbm>>)
      tpu.yield
    }) : () -> ()
    %mul3A_89 = arith.constant 640 : i32
    %mul3A_90 = arith.muli %arg1, %mul3A_89 : i32
    %add3A_91 = arith.constant 512 : i32
    %add3A_92 = arith.addi %mul3A_90, %add3A_91 : i32
    "tpu.region"() ({
      %run_scoped3A = tpu.sem_alloc : memref<!tpu.dma_semaphore, #tpu.memory_space<semaphore_mem>>
      %dma_start3A_93 = arith.constant 0 : i32
      %dma_start3A_94 = tpu.memref_slice %arg8[%add3A_92, %dma_start3A_93] : memref<10240x128xf32, #tpu.memory_space<vmem_shared>> -> memref<128x128xf32, #tpu.memory_space<vmem_shared>>
      %dma_start3A_95 = arith.constant 0 : i32
      %dma_start3A_96 = tpu.memref_slice %arg8[%add3A_92, %dma_start3A_95] : memref<10240x128xf32, #tpu.memory_space<vmem_shared>> -> memref<128x128xf32, #tpu.memory_space<vmem_shared>>
      tpu.enqueue_dma source(%dma_start3A_96 : memref<128x128xf32, #tpu.memory_space<vmem_shared>>) target(%arg6 : memref<128x128xf32, #tpu.memory_space<vmem>>) target_semaphore(%run_scoped3A : memref<!tpu.dma_semaphore, #tpu.memory_space<semaphore_mem>>)
      %dma_wait3A = arith.constant 0 : i32
      %dma_wait3A_97 = tpu.memref_slice %arg8[%add3A_92, %dma_wait3A] : memref<10240x128xf32, #tpu.memory_space<vmem_shared>> -> memref<128x128xf32, #tpu.memory_space<vmem_shared>>
      %dma_wait3A_98 = arith.constant 0 : i32
      %dma_wait3A_99 = tpu.memref_slice %arg8[%add3A_92, %dma_wait3A_98] : memref<10240x128xf32, #tpu.memory_space<vmem_shared>> -> memref<128x128xf32, #tpu.memory_space<vmem_shared>>
      tpu.wait_dma2 semaphore(%run_scoped3A : memref<!tpu.dma_semaphore, #tpu.memory_space<semaphore_mem>>) src(%dma_wait3A_99 : memref<128x128xf32, #tpu.memory_space<vmem_shared>>) dst(%arg6 : memref<128x128xf32, #tpu.memory_space<vmem>>)
      tpu.yield
    }) : () -> ()
    "tpu.region"() ({
      %run_scoped3A = tpu.sem_alloc : memref<!tpu.dma_semaphore, #tpu.memory_space<semaphore_mem>>
      %dma_start3A_93 = arith.constant 0 : i32
      %dma_start3A_94 = tpu.memref_slice %arg4[%arg0, %add3A_92, %dma_start3A_93] : memref<2x10240x128xf32, #tpu.memory_space<hbm>> -> memref<1x128x128xf32, #tpu.memory_space<hbm>>
      %dma_start3A_95 = tpu.memref_squeeze %dma_start3A_94 : memref<1x128x128xf32, #tpu.memory_space<hbm>> -> memref<128x128xf32, #tpu.memory_space<hbm>>
      %dma_start3A_96 = arith.constant 0 : i32
      %dma_start3A_97 = tpu.memref_slice %arg4[%arg0, %add3A_92, %dma_start3A_96] : memref<2x10240x128xf32, #tpu.memory_space<hbm>> -> memref<1x128x128xf32, #tpu.memory_space<hbm>>
      %dma_start3A_98 = tpu.memref_squeeze %dma_start3A_97 : memref<1x128x128xf32, #tpu.memory_space<hbm>> -> memref<128x128xf32, #tpu.memory_space<hbm>>
      tpu.enqueue_dma source(%arg6 : memref<128x128xf32, #tpu.memory_space<vmem>>) target(%dma_start3A_98 : memref<128x128xf32, #tpu.memory_space<hbm>>) target_semaphore(%run_scoped3A : memref<!tpu.dma_semaphore, #tpu.memory_space<semaphore_mem>>)
      %dma_wait3A = arith.constant 0 : i32
      %dma_wait3A_99 = tpu.memref_slice %arg4[%arg0, %add3A_92, %dma_wait3A] : memref<2x10240x128xf32, #tpu.memory_space<hbm>> -> memref<1x128x128xf32, #tpu.memory_space<hbm>>
      %dma_wait3A_100 = tpu.memref_squeeze %dma_wait3A_99 : memref<1x128x128xf32, #tpu.memory_space<hbm>> -> memref<128x128xf32, #tpu.memory_space<hbm>>
      %dma_wait3A_101 = arith.constant 0 : i32
      %dma_wait3A_102 = tpu.memref_slice %arg4[%arg0, %add3A_92, %dma_wait3A_101] : memref<2x10240x128xf32, #tpu.memory_space<hbm>> -> memref<1x128x128xf32, #tpu.memory_space<hbm>>
      %dma_wait3A_103 = tpu.memref_squeeze %dma_wait3A_102 : memref<1x128x128xf32, #tpu.memory_space<hbm>> -> memref<128x128xf32, #tpu.memory_space<hbm>>
      tpu.wait_dma2 semaphore(%run_scoped3A : memref<!tpu.dma_semaphore, #tpu.memory_space<semaphore_mem>>) src(%arg6 : memref<128x128xf32, #tpu.memory_space<vmem>>) dst(%dma_wait3A_103 : memref<128x128xf32, #tpu.memory_space<hbm>>)
      tpu.yield
    }) : () -> ()
    return
  }
}

#map = affine_map<(d0, d1) -> (0, 0)>
#map1 = affine_map<(d0, d1) -> (0, 0, 0)>
module attributes {stable_mosaic.version = 14 : i64} {
  func.func @body(%arg0: i32, %arg1: i32, %arg2: memref<40000x128xf32, #tpu.memory_space<hbm>>, %arg3: memref<2560x128xi32, #tpu.memory_space<hbm>>, %arg4: memref<2560x128xi32, #tpu.memory_space<hbm>>, %arg5: memref<2x10240x128xf32, #tpu.memory_space<hbm>>, %arg6: memref<40x128xi32, #tpu.memory_space<vmem>>, %arg7: memref<40x128xi32, #tpu.memory_space<vmem>>, %arg8: memref<128x128xf32, #tpu.memory_space<vmem>>, %arg9: memref<128x128xf32, #tpu.memory_space<vmem>>, %arg10: memref<10240x128xf32, #tpu.memory_space<vmem_shared>>, %arg11: memref<!tpu.dma_semaphore, #tpu.memory_space<semaphore_mem>>, %arg12: memref<!tpu.dma_semaphore, #tpu.memory_space<semaphore_mem>>) attributes {dimension_semantics = [#tpu.dimension_semantics<core_parallel>, #tpu.dimension_semantics<subcore_parallel>], iteration_bounds = array<i64: 2, 16>, scalar_prefetch = 0 : i64, scratch_operands = 7 : i64, tpu.core_type = #tpu.core_type<sc_vector_subcore>, window_params = [{transform_indices = #map}, {transform_indices = #map}, {transform_indices = #map}, {transform_indices = #map1}]} {
    %scan3A = arith.constant 0 : i32
    %scan3A_0 = arith.constant 0 : i32
    %scan3A_1 = arith.constant 128 : i32
    %scan3A_2 = arith.addi %scan3A_0, %scan3A_1 : i32
    %scan3A_3 = arith.constant 1 : i32
    scf.for %scan3A_51 = %scan3A_0 to %scan3A_2 step %scan3A_3  : i32 {
      %broadcast_in_dim3A = arith.constant 0.000000e+00 : f32
      %broadcast_in_dim3A_52 = vector.broadcast %broadcast_in_dim3A : f32 to vector<16xf32>
      %swap3A = arith.index_cast %scan3A_51 : i32 to index
      %swap3A_53 = arith.constant 0 : index
      %swap3A_54 = tpu.vector_load %arg8[%swap3A, %swap3A_53] {strides = array<i32>} : memref<128x128xf32, #tpu.memory_space<vmem>>, vector<1x16xf32>,
      %swap3A_55 = vector.shape_cast %swap3A_54 : vector<1x16xf32> to vector<16xf32>
      %swap3A_56 = vector.shape_cast %broadcast_in_dim3A_52 : vector<16xf32> to vector<1x16xf32>
      tpu.vector_store %arg8[%swap3A, %swap3A_53], %swap3A_56 {strides = array<i32>} : memref<128x128xf32, #tpu.memory_space<vmem>>, vector<1x16xf32>,
      %broadcast_in_dim3A_57 = arith.constant 0.000000e+00 : f32
      %broadcast_in_dim3A_58 = vector.broadcast %broadcast_in_dim3A_57 : f32 to vector<16xf32>
      %swap3A_59 = arith.index_cast %scan3A_51 : i32 to index
      %swap3A_60 = arith.constant 16 : index
      %swap3A_61 = tpu.vector_load %arg8[%swap3A_59, %swap3A_60] {strides = array<i32>} : memref<128x128xf32, #tpu.memory_space<vmem>>, vector<1x16xf32>,
      %swap3A_62 = vector.shape_cast %swap3A_61 : vector<1x16xf32> to vector<16xf32>
      %swap3A_63 = vector.shape_cast %broadcast_in_dim3A_58 : vector<16xf32> to vector<1x16xf32>
      tpu.vector_store %arg8[%swap3A_59, %swap3A_60], %swap3A_63 {strides = array<i32>} : memref<128x128xf32, #tpu.memory_space<vmem>>, vector<1x16xf32>,
      %broadcast_in_dim3A_64 = arith.constant 0.000000e+00 : f32
      %broadcast_in_dim3A_65 = vector.broadcast %broadcast_in_dim3A_64 : f32 to vector<16xf32>
      %swap3A_66 = arith.index_cast %scan3A_51 : i32 to index
      %swap3A_67 = arith.constant 32 : index
      %swap3A_68 = tpu.vector_load %arg8[%swap3A_66, %swap3A_67] {strides = array<i32>} : memref<128x128xf32, #tpu.memory_space<vmem>>, vector<1x16xf32>,
      %swap3A_69 = vector.shape_cast %swap3A_68 : vector<1x16xf32> to vector<16xf32>
      %swap3A_70 = vector.shape_cast %broadcast_in_dim3A_65 : vector<16xf32> to vector<1x16xf32>
      tpu.vector_store %arg8[%swap3A_66, %swap3A_67], %swap3A_70 {strides = array<i32>} : memref<128x128xf32, #tpu.memory_space<vmem>>, vector<1x16xf32>,
      %broadcast_in_dim3A_71 = arith.constant 0.000000e+00 : f32
      %broadcast_in_dim3A_72 = vector.broadcast %broadcast_in_dim3A_71 : f32 to vector<16xf32>
      %swap3A_73 = arith.index_cast %scan3A_51 : i32 to index
      %swap3A_74 = arith.constant 48 : index
      %swap3A_75 = tpu.vector_load %arg8[%swap3A_73, %swap3A_74] {strides = array<i32>} : memref<128x128xf32, #tpu.memory_space<vmem>>, vector<1x16xf32>,
      %swap3A_76 = vector.shape_cast %swap3A_75 : vector<1x16xf32> to vector<16xf32>
      %swap3A_77 = vector.shape_cast %broadcast_in_dim3A_72 : vector<16xf32> to vector<1x16xf32>
      tpu.vector_store %arg8[%swap3A_73, %swap3A_74], %swap3A_77 {strides = array<i32>} : memref<128x128xf32, #tpu.memory_space<vmem>>, vector<1x16xf32>,
      %broadcast_in_dim3A_78 = arith.constant 0.000000e+00 : f32
      %broadcast_in_dim3A_79 = vector.broadcast %broadcast_in_dim3A_78 : f32 to vector<16xf32>
      %swap3A_80 = arith.index_cast %scan3A_51 : i32 to index
      %swap3A_81 = arith.constant 64 : index
      %swap3A_82 = tpu.vector_load %arg8[%swap3A_80, %swap3A_81] {strides = array<i32>} : memref<128x128xf32, #tpu.memory_space<vmem>>, vector<1x16xf32>,
      %swap3A_83 = vector.shape_cast %swap3A_82 : vector<1x16xf32> to vector<16xf32>
      %swap3A_84 = vector.shape_cast %broadcast_in_dim3A_79 : vector<16xf32> to vector<1x16xf32>
      tpu.vector_store %arg8[%swap3A_80, %swap3A_81], %swap3A_84 {strides = array<i32>} : memref<128x128xf32, #tpu.memory_space<vmem>>, vector<1x16xf32>,
      %broadcast_in_dim3A_85 = arith.constant 0.000000e+00 : f32
      %broadcast_in_dim3A_86 = vector.broadcast %broadcast_in_dim3A_85 : f32 to vector<16xf32>
      %swap3A_87 = arith.index_cast %scan3A_51 : i32 to index
      %swap3A_88 = arith.constant 80 : index
      %swap3A_89 = tpu.vector_load %arg8[%swap3A_87, %swap3A_88] {strides = array<i32>} : memref<128x128xf32, #tpu.memory_space<vmem>>, vector<1x16xf32>,
      %swap3A_90 = vector.shape_cast %swap3A_89 : vector<1x16xf32> to vector<16xf32>
      %swap3A_91 = vector.shape_cast %broadcast_in_dim3A_86 : vector<16xf32> to vector<1x16xf32>
      tpu.vector_store %arg8[%swap3A_87, %swap3A_88], %swap3A_91 {strides = array<i32>} : memref<128x128xf32, #tpu.memory_space<vmem>>, vector<1x16xf32>,
      %broadcast_in_dim3A_92 = arith.constant 0.000000e+00 : f32
      %broadcast_in_dim3A_93 = vector.broadcast %broadcast_in_dim3A_92 : f32 to vector<16xf32>
      %swap3A_94 = arith.index_cast %scan3A_51 : i32 to index
      %swap3A_95 = arith.constant 96 : index
      %swap3A_96 = tpu.vector_load %arg8[%swap3A_94, %swap3A_95] {strides = array<i32>} : memref<128x128xf32, #tpu.memory_space<vmem>>, vector<1x16xf32>,
      %swap3A_97 = vector.shape_cast %swap3A_96 : vector<1x16xf32> to vector<16xf32>
      %swap3A_98 = vector.shape_cast %broadcast_in_dim3A_93 : vector<16xf32> to vector<1x16xf32>
      tpu.vector_store %arg8[%swap3A_94, %swap3A_95], %swap3A_98 {strides = array<i32>} : memref<128x128xf32, #tpu.memory_space<vmem>>, vector<1x16xf32>,
      %broadcast_in_dim3A_99 = arith.constant 0.000000e+00 : f32
      %broadcast_in_dim3A_100 = vector.broadcast %broadcast_in_dim3A_99 : f32 to vector<16xf32>
      %swap3A_101 = arith.index_cast %scan3A_51 : i32 to index
      %swap3A_102 = arith.constant 112 : index
      %swap3A_103 = tpu.vector_load %arg8[%swap3A_101, %swap3A_102] {strides = array<i32>} : memref<128x128xf32, #tpu.memory_space<vmem>>, vector<1x16xf32>,
      %swap3A_104 = vector.shape_cast %swap3A_103 : vector<1x16xf32> to vector<16xf32>
      %swap3A_105 = vector.shape_cast %broadcast_in_dim3A_100 : vector<16xf32> to vector<1x16xf32>
      tpu.vector_store %arg8[%swap3A_101, %swap3A_102], %swap3A_105 {strides = array<i32>} : memref<128x128xf32, #tpu.memory_space<vmem>>, vector<1x16xf32>,
    }
    %scan3A_4 = arith.constant 128 : i32
    %mul3A = arith.constant 640 : i32
    %mul3A_5 = arith.muli %arg1, %mul3A : i32
    %add3A = arith.constant 0 : i32
    %add3A_6 = arith.addi %mul3A_5, %add3A : i32
    "tpu.region"() ({
      %run_scoped3A = tpu.sem_alloc : memref<!tpu.dma_semaphore, #tpu.memory_space<semaphore_mem>>
      %dma_start3A = arith.constant 0 : i32
      %dma_start3A_51 = tpu.memref_slice %arg10[%add3A_6, %dma_start3A] : memref<10240x128xf32, #tpu.memory_space<vmem_shared>> -> memref<128x128xf32, #tpu.memory_space<vmem_shared>>
      %dma_start3A_52 = arith.constant 0 : i32
      %dma_start3A_53 = tpu.memref_slice %arg10[%add3A_6, %dma_start3A_52] : memref<10240x128xf32, #tpu.memory_space<vmem_shared>> -> memref<128x128xf32, #tpu.memory_space<vmem_shared>>
      tpu.enqueue_dma source(%arg8 : memref<128x128xf32, #tpu.memory_space<vmem>>) target(%dma_start3A_53 : memref<128x128xf32, #tpu.memory_space<vmem_shared>>) target_semaphore(%run_scoped3A : memref<!tpu.dma_semaphore, #tpu.memory_space<semaphore_mem>>)
      %dma_wait3A = arith.constant 0 : i32
      %dma_wait3A_54 = tpu.memref_slice %arg10[%add3A_6, %dma_wait3A] : memref<10240x128xf32, #tpu.memory_space<vmem_shared>> -> memref<128x128xf32, #tpu.memory_space<vmem_shared>>
      %dma_wait3A_55 = arith.constant 0 : i32
      %dma_wait3A_56 = tpu.memref_slice %arg10[%add3A_6, %dma_wait3A_55] : memref<10240x128xf32, #tpu.memory_space<vmem_shared>> -> memref<128x128xf32, #tpu.memory_space<vmem_shared>>
      tpu.wait_dma2 semaphore(%run_scoped3A : memref<!tpu.dma_semaphore, #tpu.memory_space<semaphore_mem>>) src(%arg8 : memref<128x128xf32, #tpu.memory_space<vmem>>) dst(%dma_wait3A_56 : memref<128x128xf32, #tpu.memory_space<vmem_shared>>)
      tpu.yield
    }) : () -> ()
    %mul3A_7 = arith.constant 640 : i32
    %mul3A_8 = arith.muli %arg1, %mul3A_7 : i32
    %add3A_9 = arith.constant 128 : i32
    %add3A_10 = arith.addi %mul3A_8, %add3A_9 : i32
    "tpu.region"() ({
      %run_scoped3A = tpu.sem_alloc : memref<!tpu.dma_semaphore, #tpu.memory_space<semaphore_mem>>
      %dma_start3A = arith.constant 0 : i32
      %dma_start3A_51 = tpu.memref_slice %arg10[%add3A_10, %dma_start3A] : memref<10240x128xf32, #tpu.memory_space<vmem_shared>> -> memref<128x128xf32, #tpu.memory_space<vmem_shared>>
      %dma_start3A_52 = arith.constant 0 : i32
      %dma_start3A_53 = tpu.memref_slice %arg10[%add3A_10, %dma_start3A_52] : memref<10240x128xf32, #tpu.memory_space<vmem_shared>> -> memref<128x128xf32, #tpu.memory_space<vmem_shared>>
      tpu.enqueue_dma source(%arg8 : memref<128x128xf32, #tpu.memory_space<vmem>>) target(%dma_start3A_53 : memref<128x128xf32, #tpu.memory_space<vmem_shared>>) target_semaphore(%run_scoped3A : memref<!tpu.dma_semaphore, #tpu.memory_space<semaphore_mem>>)
      %dma_wait3A = arith.constant 0 : i32
      %dma_wait3A_54 = tpu.memref_slice %arg10[%add3A_10, %dma_wait3A] : memref<10240x128xf32, #tpu.memory_space<vmem_shared>> -> memref<128x128xf32, #tpu.memory_space<vmem_shared>>
      %dma_wait3A_55 = arith.constant 0 : i32
      %dma_wait3A_56 = tpu.memref_slice %arg10[%add3A_10, %dma_wait3A_55] : memref<10240x128xf32, #tpu.memory_space<vmem_shared>> -> memref<128x128xf32, #tpu.memory_space<vmem_shared>>
      tpu.wait_dma2 semaphore(%run_scoped3A : memref<!tpu.dma_semaphore, #tpu.memory_space<semaphore_mem>>) src(%arg8 : memref<128x128xf32, #tpu.memory_space<vmem>>) dst(%dma_wait3A_56 : memref<128x128xf32, #tpu.memory_space<vmem_shared>>)
      tpu.yield
    }) : () -> ()
    %mul3A_11 = arith.constant 640 : i32
    %mul3A_12 = arith.muli %arg1, %mul3A_11 : i32
    %add3A_13 = arith.constant 256 : i32
    %add3A_14 = arith.addi %mul3A_12, %add3A_13 : i32
    "tpu.region"() ({
      %run_scoped3A = tpu.sem_alloc : memref<!tpu.dma_semaphore, #tpu.memory_space<semaphore_mem>>
      %dma_start3A = arith.constant 0 : i32
      %dma_start3A_51 = tpu.memref_slice %arg10[%add3A_14, %dma_start3A] : memref<10240x128xf32, #tpu.memory_space<vmem_shared>> -> memref<128x128xf32, #tpu.memory_space<vmem_shared>>
      %dma_start3A_52 = arith.constant 0 : i32
      %dma_start3A_53 = tpu.memref_slice %arg10[%add3A_14, %dma_start3A_52] : memref<10240x128xf32, #tpu.memory_space<vmem_shared>> -> memref<128x128xf32, #tpu.memory_space<vmem_shared>>
      tpu.enqueue_dma source(%arg8 : memref<128x128xf32, #tpu.memory_space<vmem>>) target(%dma_start3A_53 : memref<128x128xf32, #tpu.memory_space<vmem_shared>>) target_semaphore(%run_scoped3A : memref<!tpu.dma_semaphore, #tpu.memory_space<semaphore_mem>>)
      %dma_wait3A = arith.constant 0 : i32
      %dma_wait3A_54 = tpu.memref_slice %arg10[%add3A_14, %dma_wait3A] : memref<10240x128xf32, #tpu.memory_space<vmem_shared>> -> memref<128x128xf32, #tpu.memory_space<vmem_shared>>
      %dma_wait3A_55 = arith.constant 0 : i32
      %dma_wait3A_56 = tpu.memref_slice %arg10[%add3A_14, %dma_wait3A_55] : memref<10240x128xf32, #tpu.memory_space<vmem_shared>> -> memref<128x128xf32, #tpu.memory_space<vmem_shared>>
      tpu.wait_dma2 semaphore(%run_scoped3A : memref<!tpu.dma_semaphore, #tpu.memory_space<semaphore_mem>>) src(%arg8 : memref<128x128xf32, #tpu.memory_space<vmem>>) dst(%dma_wait3A_56 : memref<128x128xf32, #tpu.memory_space<vmem_shared>>)
      tpu.yield
    }) : () -> ()
    %mul3A_15 = arith.constant 640 : i32
    %mul3A_16 = arith.muli %arg1, %mul3A_15 : i32
    %add3A_17 = arith.constant 384 : i32
    %add3A_18 = arith.addi %mul3A_16, %add3A_17 : i32
    "tpu.region"() ({
      %run_scoped3A = tpu.sem_alloc : memref<!tpu.dma_semaphore, #tpu.memory_space<semaphore_mem>>
      %dma_start3A = arith.constant 0 : i32
      %dma_start3A_51 = tpu.memref_slice %arg10[%add3A_18, %dma_start3A] : memref<10240x128xf32, #tpu.memory_space<vmem_shared>> -> memref<128x128xf32, #tpu.memory_space<vmem_shared>>
      %dma_start3A_52 = arith.constant 0 : i32
      %dma_start3A_53 = tpu.memref_slice %arg10[%add3A_18, %dma_start3A_52] : memref<10240x128xf32, #tpu.memory_space<vmem_shared>> -> memref<128x128xf32, #tpu.memory_space<vmem_shared>>
      tpu.enqueue_dma source(%arg8 : memref<128x128xf32, #tpu.memory_space<vmem>>) target(%dma_start3A_53 : memref<128x128xf32, #tpu.memory_space<vmem_shared>>) target_semaphore(%run_scoped3A : memref<!tpu.dma_semaphore, #tpu.memory_space<semaphore_mem>>)
      %dma_wait3A = arith.constant 0 : i32
      %dma_wait3A_54 = tpu.memref_slice %arg10[%add3A_18, %dma_wait3A] : memref<10240x128xf32, #tpu.memory_space<vmem_shared>> -> memref<128x128xf32, #tpu.memory_space<vmem_shared>>
      %dma_wait3A_55 = arith.constant 0 : i32
      %dma_wait3A_56 = tpu.memref_slice %arg10[%add3A_18, %dma_wait3A_55] : memref<10240x128xf32, #tpu.memory_space<vmem_shared>> -> memref<128x128xf32, #tpu.memory_space<vmem_shared>>
      tpu.wait_dma2 semaphore(%run_scoped3A : memref<!tpu.dma_semaphore, #tpu.memory_space<semaphore_mem>>) src(%arg8 : memref<128x128xf32, #tpu.memory_space<vmem>>) dst(%dma_wait3A_56 : memref<128x128xf32, #tpu.memory_space<vmem_shared>>)
      tpu.yield
    }) : () -> ()
    %mul3A_19 = arith.constant 640 : i32
    %mul3A_20 = arith.muli %arg1, %mul3A_19 : i32
    %add3A_21 = arith.constant 512 : i32
    %add3A_22 = arith.addi %mul3A_20, %add3A_21 : i32
    "tpu.region"() ({
      %run_scoped3A = tpu.sem_alloc : memref<!tpu.dma_semaphore, #tpu.memory_space<semaphore_mem>>
      %dma_start3A = arith.constant 0 : i32
      %dma_start3A_51 = tpu.memref_slice %arg10[%add3A_22, %dma_start3A] : memref<10240x128xf32, #tpu.memory_space<vmem_shared>> -> memref<128x128xf32, #tpu.memory_space<vmem_shared>>
      %dma_start3A_52 = arith.constant 0 : i32
      %dma_start3A_53 = tpu.memref_slice %arg10[%add3A_22, %dma_start3A_52] : memref<10240x128xf32, #tpu.memory_space<vmem_shared>> -> memref<128x128xf32, #tpu.memory_space<vmem_shared>>
      tpu.enqueue_dma source(%arg8 : memref<128x128xf32, #tpu.memory_space<vmem>>) target(%dma_start3A_53 : memref<128x128xf32, #tpu.memory_space<vmem_shared>>) target_semaphore(%run_scoped3A : memref<!tpu.dma_semaphore, #tpu.memory_space<semaphore_mem>>)
      %dma_wait3A = arith.constant 0 : i32
      %dma_wait3A_54 = tpu.memref_slice %arg10[%add3A_22, %dma_wait3A] : memref<10240x128xf32, #tpu.memory_space<vmem_shared>> -> memref<128x128xf32, #tpu.memory_space<vmem_shared>>
      %dma_wait3A_55 = arith.constant 0 : i32
      %dma_wait3A_56 = tpu.memref_slice %arg10[%add3A_22, %dma_wait3A_55] : memref<10240x128xf32, #tpu.memory_space<vmem_shared>> -> memref<128x128xf32, #tpu.memory_space<vmem_shared>>
      tpu.wait_dma2 semaphore(%run_scoped3A : memref<!tpu.dma_semaphore, #tpu.memory_space<semaphore_mem>>) src(%arg8 : memref<128x128xf32, #tpu.memory_space<vmem>>) dst(%dma_wait3A_56 : memref<128x128xf32, #tpu.memory_space<vmem_shared>>)
      tpu.yield
    }) : () -> ()
    %barrier3A = arith.constant 0 : index
    tpu.barrier barrier_id(%barrier3A)
    %eq3A = arith.constant 0 : i32
    %eq3A_23 = arith.cmpi eq, %arg0, %eq3A : i32
    %convert_element_type3A = arith.extui %eq3A_23 : i1 to i32
    %cond3A = arith.constant 0 : i32
    %cond3A_24 = arith.cmpi ne, %convert_element_type3A, %cond3A : i32
    scf.if %cond3A_24 {
      %mul3A_51 = arith.constant 128 : i32
      %mul3A_52 = arith.muli %arg1, %mul3A_51 : i32
      %add3A_53 = arith.constant 0 : i32
      %add3A_54 = arith.addi %mul3A_52, %add3A_53 : i32
      "tpu.region"() ({
        %run_scoped3A = tpu.sem_alloc : memref<!tpu.dma_semaphore, #tpu.memory_space<semaphore_mem>>
        %dma_start3A_140 = arith.constant 0 : i32
        %dma_start3A_141 = arith.constant 0 : i32
        %dma_start3A_142 = tpu.memref_slice %arg6[%dma_start3A_140, %dma_start3A_141] : memref<40x128xi32, #tpu.memory_space<vmem>> -> memref<40x128xi32, #tpu.memory_space<vmem>>
        %dma_start3A_143 = arith.constant 0 : i32
        %dma_start3A_144 = tpu.memref_slice %arg3[%add3A_54, %dma_start3A_143] : memref<2560x128xi32, #tpu.memory_space<hbm>> -> memref<40x128xi32, #tpu.memory_space<hbm>>
        %dma_start3A_145 = arith.constant 0 : i32
        %dma_start3A_146 = arith.constant 0 : i32
        %dma_start3A_147 = tpu.memref_slice %arg6[%dma_start3A_145, %dma_start3A_146] : memref<40x128xi32, #tpu.memory_space<vmem>> -> memref<40x128xi32, #tpu.memory_space<vmem>>
        %dma_start3A_148 = arith.constant 0 : i32
        %dma_start3A_149 = tpu.memref_slice %arg3[%add3A_54, %dma_start3A_148] : memref<2560x128xi32, #tpu.memory_space<hbm>> -> memref<40x128xi32, #tpu.memory_space<hbm>>
        tpu.enqueue_dma source(%dma_start3A_149 : memref<40x128xi32, #tpu.memory_space<hbm>>) target(%dma_start3A_147 : memref<40x128xi32, #tpu.memory_space<vmem>>) target_semaphore(%run_scoped3A : memref<!tpu.dma_semaphore, #tpu.memory_space<semaphore_mem>>)
        %dma_wait3A = arith.constant 0 : i32
        %dma_wait3A_150 = arith.constant 0 : i32
        %dma_wait3A_151 = tpu.memref_slice %arg6[%dma_wait3A, %dma_wait3A_150] : memref<40x128xi32, #tpu.memory_space<vmem>> -> memref<40x128xi32, #tpu.memory_space<vmem>>
        %dma_wait3A_152 = arith.constant 0 : i32
        %dma_wait3A_153 = tpu.memref_slice %arg3[%add3A_54, %dma_wait3A_152] : memref<2560x128xi32, #tpu.memory_space<hbm>> -> memref<40x128xi32, #tpu.memory_space<hbm>>
        %dma_wait3A_154 = arith.constant 0 : i32
        %dma_wait3A_155 = arith.constant 0 : i32
        %dma_wait3A_156 = tpu.memref_slice %arg6[%dma_wait3A_154, %dma_wait3A_155] : memref<40x128xi32, #tpu.memory_space<vmem>> -> memref<40x128xi32, #tpu.memory_space<vmem>>
        %dma_wait3A_157 = arith.constant 0 : i32
        %dma_wait3A_158 = tpu.memref_slice %arg3[%add3A_54, %dma_wait3A_157] : memref<2560x128xi32, #tpu.memory_space<hbm>> -> memref<40x128xi32, #tpu.memory_space<hbm>>
        tpu.wait_dma2 semaphore(%run_scoped3A : memref<!tpu.dma_semaphore, #tpu.memory_space<semaphore_mem>>) src(%dma_wait3A_158 : memref<40x128xi32, #tpu.memory_space<hbm>>) dst(%dma_wait3A_156 : memref<40x128xi32, #tpu.memory_space<vmem>>)
        tpu.yield
      }) : () -> ()
      "tpu.region"() ({
        %run_scoped3A = tpu.sem_alloc : memref<!tpu.dma_semaphore, #tpu.memory_space<semaphore_mem>>
        %dma_start3A_140 = arith.constant 0 : i32
        %dma_start3A_141 = arith.constant 0 : i32
        %dma_start3A_142 = tpu.memref_slice %arg7[%dma_start3A_140, %dma_start3A_141] : memref<40x128xi32, #tpu.memory_space<vmem>> -> memref<40x128xi32, #tpu.memory_space<vmem>>
        %dma_start3A_143 = arith.constant 0 : i32
        %dma_start3A_144 = tpu.memref_slice %arg4[%add3A_54, %dma_start3A_143] : memref<2560x128xi32, #tpu.memory_space<hbm>> -> memref<40x128xi32, #tpu.memory_space<hbm>>
        %dma_start3A_145 = arith.constant 0 : i32
        %dma_start3A_146 = arith.constant 0 : i32
        %dma_start3A_147 = tpu.memref_slice %arg7[%dma_start3A_145, %dma_start3A_146] : memref<40x128xi32, #tpu.memory_space<vmem>> -> memref<40x128xi32, #tpu.memory_space<vmem>>
        %dma_start3A_148 = arith.constant 0 : i32
        %dma_start3A_149 = tpu.memref_slice %arg4[%add3A_54, %dma_start3A_148] : memref<2560x128xi32, #tpu.memory_space<hbm>> -> memref<40x128xi32, #tpu.memory_space<hbm>>
        tpu.enqueue_dma source(%dma_start3A_149 : memref<40x128xi32, #tpu.memory_space<hbm>>) target(%dma_start3A_147 : memref<40x128xi32, #tpu.memory_space<vmem>>) target_semaphore(%run_scoped3A : memref<!tpu.dma_semaphore, #tpu.memory_space<semaphore_mem>>)
        %dma_wait3A = arith.constant 0 : i32
        %dma_wait3A_150 = arith.constant 0 : i32
        %dma_wait3A_151 = tpu.memref_slice %arg7[%dma_wait3A, %dma_wait3A_150] : memref<40x128xi32, #tpu.memory_space<vmem>> -> memref<40x128xi32, #tpu.memory_space<vmem>>
        %dma_wait3A_152 = arith.constant 0 : i32
        %dma_wait3A_153 = tpu.memref_slice %arg4[%add3A_54, %dma_wait3A_152] : memref<2560x128xi32, #tpu.memory_space<hbm>> -> memref<40x128xi32, #tpu.memory_space<hbm>>
        %dma_wait3A_154 = arith.constant 0 : i32
        %dma_wait3A_155 = arith.constant 0 : i32
        %dma_wait3A_156 = tpu.memref_slice %arg7[%dma_wait3A_154, %dma_wait3A_155] : memref<40x128xi32, #tpu.memory_space<vmem>> -> memref<40x128xi32, #tpu.memory_space<vmem>>
        %dma_wait3A_157 = arith.constant 0 : i32
        %dma_wait3A_158 = tpu.memref_slice %arg4[%add3A_54, %dma_wait3A_157] : memref<2560x128xi32, #tpu.memory_space<hbm>> -> memref<40x128xi32, #tpu.memory_space<hbm>>
        tpu.wait_dma2 semaphore(%run_scoped3A : memref<!tpu.dma_semaphore, #tpu.memory_space<semaphore_mem>>) src(%dma_wait3A_158 : memref<40x128xi32, #tpu.memory_space<hbm>>) dst(%dma_wait3A_156 : memref<40x128xi32, #tpu.memory_space<vmem>>)
        tpu.yield
      }) : () -> ()
      %dma_start3A = arith.constant 0 : i32
      %dma_start3A_55 = arith.constant 0 : i32
      %dma_start3A_56 = tpu.memref_slice %arg6[%dma_start3A, %dma_start3A_55] : memref<40x128xi32, #tpu.memory_space<vmem>> -> memref<1x128xi32, #tpu.memory_space<vmem>>
      %dma_start3A_57 = tpu.memref_squeeze %dma_start3A_56 : memref<1x128xi32, #tpu.memory_space<vmem>> -> memref<128xi32, #tpu.memory_space<vmem>>
      %dma_start3A_58 = arith.constant 0 : i32
      %dma_start3A_59 = arith.constant 0 : i32
      %dma_start3A_60 = tpu.memref_slice %arg2[%dma_start3A_58, %dma_start3A_59] : memref<40000x128xf32, #tpu.memory_space<hbm>> -> memref<40000x128xf32, #tpu.memory_space<hbm>>
      tpu.enqueue_indirect_dma source(%dma_start3A_60 : memref<40000x128xf32, #tpu.memory_space<hbm>>) target(%arg8 : memref<128x128xf32, #tpu.memory_space<vmem>>) offsets(%dma_start3A_57 : memref<128xi32, #tpu.memory_space<vmem>>) semaphore(%arg11 : memref<!tpu.dma_semaphore, #tpu.memory_space<semaphore_mem>>)
      %dma_start3A_61 = arith.constant 1 : i32
      %dma_start3A_62 = arith.constant 0 : i32
      %dma_start3A_63 = tpu.memref_slice %arg6[%dma_start3A_61, %dma_start3A_62] : memref<40x128xi32, #tpu.memory_space<vmem>> -> memref<1x128xi32, #tpu.memory_space<vmem>>
      %dma_start3A_64 = tpu.memref_squeeze %dma_start3A_63 : memref<1x128xi32, #tpu.memory_space<vmem>> -> memref<128xi32, #tpu.memory_space<vmem>>
      %dma_start3A_65 = arith.constant 0 : i32
      %dma_start3A_66 = arith.constant 0 : i32
      %dma_start3A_67 = tpu.memref_slice %arg2[%dma_start3A_65, %dma_start3A_66] : memref<40000x128xf32, #tpu.memory_space<hbm>> -> memref<40000x128xf32, #tpu.memory_space<hbm>>
      tpu.enqueue_indirect_dma source(%dma_start3A_67 : memref<40000x128xf32, #tpu.memory_space<hbm>>) target(%arg9 : memref<128x128xf32, #tpu.memory_space<vmem>>) offsets(%dma_start3A_64 : memref<128xi32, #tpu.memory_space<vmem>>) semaphore(%arg12 : memref<!tpu.dma_semaphore, #tpu.memory_space<semaphore_mem>>)
      %scan3A_68 = arith.constant 0 : i32
      %scan3A_69 = arith.constant 0 : i32
      %scan3A_70 = arith.constant 20 : i32
      %scan3A_71 = arith.addi %scan3A_69, %scan3A_70 : i32
      %scan3A_72 = arith.constant 1 : i32
      scf.for %scan3A_140 = %scan3A_69 to %scan3A_71 step %scan3A_72  : i32 {
        %mul3A_141 = arith.constant 2 : i32
        %mul3A_142 = arith.muli %mul3A_141, %scan3A_140 : i32
        %add3A_143 = arith.constant 0 : i32
        %add3A_144 = arith.addi %mul3A_142, %add3A_143 : i32
        %dma_wait3A = arith.constant 0 : i32
        %dma_wait3A_145 = tpu.memref_slice %arg6[%add3A_144, %dma_wait3A] : memref<40x128xi32, #tpu.memory_space<vmem>> -> memref<1x128xi32, #tpu.memory_space<vmem>>
        %dma_wait3A_146 = tpu.memref_squeeze %dma_wait3A_145 : memref<1x128xi32, #tpu.memory_space<vmem>> -> memref<128xi32, #tpu.memory_space<vmem>>
        %dma_wait3A_147 = arith.constant 0 : i32
        %dma_wait3A_148 = arith.constant 0 : i32
        %dma_wait3A_149 = tpu.memref_slice %arg2[%dma_wait3A_147, %dma_wait3A_148] : memref<40000x128xf32, #tpu.memory_space<hbm>> -> memref<40000x128xf32, #tpu.memory_space<hbm>>
        tpu.wait_indirect_dma semaphore(%arg11 : memref<!tpu.dma_semaphore, #tpu.memory_space<semaphore_mem>>) src(%dma_wait3A_149 : memref<40000x128xf32, #tpu.memory_space<hbm>>) dst(%arg8 : memref<128x128xf32, #tpu.memory_space<vmem>>)
        "tpu.region"() ({
          %run_scoped3A = tpu.sem_alloc : memref<!tpu.dma_semaphore, #tpu.memory_space<semaphore_mem>>
          %dma_start3A_173 = arith.constant 0 : i32
          %dma_start3A_174 = tpu.memref_slice %arg7[%add3A_144, %dma_start3A_173] : memref<40x128xi32, #tpu.memory_space<vmem>> -> memref<1x128xi32, #tpu.memory_space<vmem>>
          %dma_start3A_175 = tpu.memref_squeeze %dma_start3A_174 : memref<1x128xi32, #tpu.memory_space<vmem>> -> memref<128xi32, #tpu.memory_space<vmem>>
          %dma_start3A_176 = arith.constant 0 : i32
          %dma_start3A_177 = arith.constant 0 : i32
          %dma_start3A_178 = tpu.memref_slice %arg10[%dma_start3A_176, %dma_start3A_177] : memref<10240x128xf32, #tpu.memory_space<vmem_shared>> -> memref<10240x128xf32, #tpu.memory_space<vmem_shared>>
          tpu.enqueue_indirect_dma source(%arg8 : memref<128x128xf32, #tpu.memory_space<vmem>>) target(%dma_start3A_178 : memref<10240x128xf32, #tpu.memory_space<vmem_shared>>) offsets(%dma_start3A_175 : memref<128xi32, #tpu.memory_space<vmem>>) semaphore(%run_scoped3A : memref<!tpu.dma_semaphore, #tpu.memory_space<semaphore_mem>>) {add = true}
          %dma_wait3A_179 = arith.constant 0 : i32
          %dma_wait3A_180 = tpu.memref_slice %arg7[%add3A_144, %dma_wait3A_179] : memref<40x128xi32, #tpu.memory_space<vmem>> -> memref<1x128xi32, #tpu.memory_space<vmem>>
          %dma_wait3A_181 = tpu.memref_squeeze %dma_wait3A_180 : memref<1x128xi32, #tpu.memory_space<vmem>> -> memref<128xi32, #tpu.memory_space<vmem>>
          %dma_wait3A_182 = arith.constant 0 : i32
          %dma_wait3A_183 = arith.constant 0 : i32
          %dma_wait3A_184 = tpu.memref_slice %arg10[%dma_wait3A_182, %dma_wait3A_183] : memref<10240x128xf32, #tpu.memory_space<vmem_shared>> -> memref<10240x128xf32, #tpu.memory_space<vmem_shared>>
          tpu.wait_indirect_dma semaphore(%run_scoped3A : memref<!tpu.dma_semaphore, #tpu.memory_space<semaphore_mem>>) src(%arg8 : memref<128x128xf32, #tpu.memory_space<vmem>>) dst(%dma_wait3A_184 : memref<10240x128xf32, #tpu.memory_space<vmem_shared>>)
          tpu.yield
        }) : () -> ()
        %add3A_150 = arith.constant 2 : i32
        %add3A_151 = arith.addi %add3A_144, %add3A_150 : i32
        %lt3A = arith.constant 40 : i32
        %lt3A_152 = arith.cmpi slt, %add3A_151, %lt3A : i32
        %convert_element_type3A_153 = arith.extui %lt3A_152 : i1 to i32
        %cond3A_154 = arith.constant 0 : i32
        %cond3A_155 = arith.cmpi ne, %convert_element_type3A_153, %cond3A_154 : i32
        scf.if %cond3A_155 {
          %add3A_173 = arith.constant 2 : i32
          %add3A_174 = arith.addi %add3A_144, %add3A_173 : i32
          %dma_start3A_175 = arith.constant 0 : i32
          %dma_start3A_176 = tpu.memref_slice %arg6[%add3A_174, %dma_start3A_175] : memref<40x128xi32, #tpu.memory_space<vmem>> -> memref<1x128xi32, #tpu.memory_space<vmem>>
          %dma_start3A_177 = tpu.memref_squeeze %dma_start3A_176 : memref<1x128xi32, #tpu.memory_space<vmem>> -> memref<128xi32, #tpu.memory_space<vmem>>
          %dma_start3A_178 = arith.constant 0 : i32
          %dma_start3A_179 = arith.constant 0 : i32
          %dma_start3A_180 = tpu.memref_slice %arg2[%dma_start3A_178, %dma_start3A_179] : memref<40000x128xf32, #tpu.memory_space<hbm>> -> memref<40000x128xf32, #tpu.memory_space<hbm>>
          tpu.enqueue_indirect_dma source(%dma_start3A_180 : memref<40000x128xf32, #tpu.memory_space<hbm>>) target(%arg8 : memref<128x128xf32, #tpu.memory_space<vmem>>) offsets(%dma_start3A_177 : memref<128xi32, #tpu.memory_space<vmem>>) semaphore(%arg11 : memref<!tpu.dma_semaphore, #tpu.memory_space<semaphore_mem>>)
        } else {
        }
        %mul3A_156 = arith.constant 2 : i32
        %mul3A_157 = arith.muli %mul3A_156, %scan3A_140 : i32
        %add3A_158 = arith.constant 1 : i32
        %add3A_159 = arith.addi %mul3A_157, %add3A_158 : i32
        %dma_wait3A_160 = arith.constant 0 : i32
        %dma_wait3A_161 = tpu.memref_slice %arg6[%add3A_159, %dma_wait3A_160] : memref<40x128xi32, #tpu.memory_space<vmem>> -> memref<1x128xi32, #tpu.memory_space<vmem>>
        %dma_wait3A_162 = tpu.memref_squeeze %dma_wait3A_161 : memref<1x128xi32, #tpu.memory_space<vmem>> -> memref<128xi32, #tpu.memory_space<vmem>>
        %dma_wait3A_163 = arith.constant 0 : i32
        %dma_wait3A_164 = arith.constant 0 : i32
        %dma_wait3A_165 = tpu.memref_slice %arg2[%dma_wait3A_163, %dma_wait3A_164] : memref<40000x128xf32, #tpu.memory_space<hbm>> -> memref<40000x128xf32, #tpu.memory_space<hbm>>
        tpu.wait_indirect_dma semaphore(%arg12 : memref<!tpu.dma_semaphore, #tpu.memory_space<semaphore_mem>>) src(%dma_wait3A_165 : memref<40000x128xf32, #tpu.memory_space<hbm>>) dst(%arg9 : memref<128x128xf32, #tpu.memory_space<vmem>>)
        "tpu.region"() ({
          %run_scoped3A = tpu.sem_alloc : memref<!tpu.dma_semaphore, #tpu.memory_space<semaphore_mem>>
          %dma_start3A_173 = arith.constant 0 : i32
          %dma_start3A_174 = tpu.memref_slice %arg7[%add3A_159, %dma_start3A_173] : memref<40x128xi32, #tpu.memory_space<vmem>> -> memref<1x128xi32, #tpu.memory_space<vmem>>
          %dma_start3A_175 = tpu.memref_squeeze %dma_start3A_174 : memref<1x128xi32, #tpu.memory_space<vmem>> -> memref<128xi32, #tpu.memory_space<vmem>>
          %dma_start3A_176 = arith.constant 0 : i32
          %dma_start3A_177 = arith.constant 0 : i32
          %dma_start3A_178 = tpu.memref_slice %arg10[%dma_start3A_176, %dma_start3A_177] : memref<10240x128xf32, #tpu.memory_space<vmem_shared>> -> memref<10240x128xf32, #tpu.memory_space<vmem_shared>>
          tpu.enqueue_indirect_dma source(%arg9 : memref<128x128xf32, #tpu.memory_space<vmem>>) target(%dma_start3A_178 : memref<10240x128xf32, #tpu.memory_space<vmem_shared>>) offsets(%dma_start3A_175 : memref<128xi32, #tpu.memory_space<vmem>>) semaphore(%run_scoped3A : memref<!tpu.dma_semaphore, #tpu.memory_space<semaphore_mem>>) {add = true}
          %dma_wait3A_179 = arith.constant 0 : i32
          %dma_wait3A_180 = tpu.memref_slice %arg7[%add3A_159, %dma_wait3A_179] : memref<40x128xi32, #tpu.memory_space<vmem>> -> memref<1x128xi32, #tpu.memory_space<vmem>>
          %dma_wait3A_181 = tpu.memref_squeeze %dma_wait3A_180 : memref<1x128xi32, #tpu.memory_space<vmem>> -> memref<128xi32, #tpu.memory_space<vmem>>
          %dma_wait3A_182 = arith.constant 0 : i32
          %dma_wait3A_183 = arith.constant 0 : i32
          %dma_wait3A_184 = tpu.memref_slice %arg10[%dma_wait3A_182, %dma_wait3A_183] : memref<10240x128xf32, #tpu.memory_space<vmem_shared>> -> memref<10240x128xf32, #tpu.memory_space<vmem_shared>>
          tpu.wait_indirect_dma semaphore(%run_scoped3A : memref<!tpu.dma_semaphore, #tpu.memory_space<semaphore_mem>>) src(%arg9 : memref<128x128xf32, #tpu.memory_space<vmem>>) dst(%dma_wait3A_184 : memref<10240x128xf32, #tpu.memory_space<vmem_shared>>)
          tpu.yield
        }) : () -> ()
        %add3A_166 = arith.constant 2 : i32
        %add3A_167 = arith.addi %add3A_159, %add3A_166 : i32
        %lt3A_168 = arith.constant 40 : i32
        %lt3A_169 = arith.cmpi slt, %add3A_167, %lt3A_168 : i32
        %convert_element_type3A_170 = arith.extui %lt3A_169 : i1 to i32
        %cond3A_171 = arith.constant 0 : i32
        %cond3A_172 = arith.cmpi ne, %convert_element_type3A_170, %cond3A_171 : i32
        scf.if %cond3A_172 {
          %add3A_173 = arith.constant 2 : i32
          %add3A_174 = arith.addi %add3A_159, %add3A_173 : i32
          %dma_start3A_175 = arith.constant 0 : i32
          %dma_start3A_176 = tpu.memref_slice %arg6[%add3A_174, %dma_start3A_175] : memref<40x128xi32, #tpu.memory_space<vmem>> -> memref<1x128xi32, #tpu.memory_space<vmem>>
          %dma_start3A_177 = tpu.memref_squeeze %dma_start3A_176 : memref<1x128xi32, #tpu.memory_space<vmem>> -> memref<128xi32, #tpu.memory_space<vmem>>
          %dma_start3A_178 = arith.constant 0 : i32
          %dma_start3A_179 = arith.constant 0 : i32
          %dma_start3A_180 = tpu.memref_slice %arg2[%dma_start3A_178, %dma_start3A_179] : memref<40000x128xf32, #tpu.memory_space<hbm>> -> memref<40000x128xf32, #tpu.memory_space<hbm>>
          tpu.enqueue_indirect_dma source(%dma_start3A_180 : memref<40000x128xf32, #tpu.memory_space<hbm>>) target(%arg9 : memref<128x128xf32, #tpu.memory_space<vmem>>) offsets(%dma_start3A_177 : memref<128xi32, #tpu.memory_space<vmem>>) semaphore(%arg12 : memref<!tpu.dma_semaphore, #tpu.memory_space<semaphore_mem>>)
        } else {
        }
      }
      %scan3A_73 = arith.constant 20 : i32
      %add3A_74 = arith.constant 40 : i32
      %add3A_75 = arith.addi %mul3A_52, %add3A_74 : i32
      "tpu.region"() ({
        %run_scoped3A = tpu.sem_alloc : memref<!tpu.dma_semaphore, #tpu.memory_space<semaphore_mem>>
        %dma_start3A_140 = arith.constant 0 : i32
        %dma_start3A_141 = arith.constant 0 : i32
        %dma_start3A_142 = tpu.memref_slice %arg6[%dma_start3A_140, %dma_start3A_141] : memref<40x128xi32, #tpu.memory_space<vmem>> -> memref<40x128xi32, #tpu.memory_space<vmem>>
        %dma_start3A_143 = arith.constant 0 : i32
        %dma_start3A_144 = tpu.memref_slice %arg3[%add3A_75, %dma_start3A_143] : memref<2560x128xi32, #tpu.memory_space<hbm>> -> memref<40x128xi32, #tpu.memory_space<hbm>>
        %dma_start3A_145 = arith.constant 0 : i32
        %dma_start3A_146 = arith.constant 0 : i32
        %dma_start3A_147 = tpu.memref_slice %arg6[%dma_start3A_145, %dma_start3A_146] : memref<40x128xi32, #tpu.memory_space<vmem>> -> memref<40x128xi32, #tpu.memory_space<vmem>>
        %dma_start3A_148 = arith.constant 0 : i32
        %dma_start3A_149 = tpu.memref_slice %arg3[%add3A_75, %dma_start3A_148] : memref<2560x128xi32, #tpu.memory_space<hbm>> -> memref<40x128xi32, #tpu.memory_space<hbm>>
        tpu.enqueue_dma source(%dma_start3A_149 : memref<40x128xi32, #tpu.memory_space<hbm>>) target(%dma_start3A_147 : memref<40x128xi32, #tpu.memory_space<vmem>>) target_semaphore(%run_scoped3A : memref<!tpu.dma_semaphore, #tpu.memory_space<semaphore_mem>>)
        %dma_wait3A = arith.constant 0 : i32
        %dma_wait3A_150 = arith.constant 0 : i32
        %dma_wait3A_151 = tpu.memref_slice %arg6[%dma_wait3A, %dma_wait3A_150] : memref<40x128xi32, #tpu.memory_space<vmem>> -> memref<40x128xi32, #tpu.memory_space<vmem>>
        %dma_wait3A_152 = arith.constant 0 : i32
        %dma_wait3A_153 = tpu.memref_slice %arg3[%add3A_75, %dma_wait3A_152] : memref<2560x128xi32, #tpu.memory_space<hbm>> -> memref<40x128xi32, #tpu.memory_space<hbm>>
        %dma_wait3A_154 = arith.constant 0 : i32
        %dma_wait3A_155 = arith.constant 0 : i32
        %dma_wait3A_156 = tpu.memref_slice %arg6[%dma_wait3A_154, %dma_wait3A_155] : memref<40x128xi32, #tpu.memory_space<vmem>> -> memref<40x128xi32, #tpu.memory_space<vmem>>
        %dma_wait3A_157 = arith.constant 0 : i32
        %dma_wait3A_158 = tpu.memref_slice %arg3[%add3A_75, %dma_wait3A_157] : memref<2560x128xi32, #tpu.memory_space<hbm>> -> memref<40x128xi32, #tpu.memory_space<hbm>>
        tpu.wait_dma2 semaphore(%run_scoped3A : memref<!tpu.dma_semaphore, #tpu.memory_space<semaphore_mem>>) src(%dma_wait3A_158 : memref<40x128xi32, #tpu.memory_space<hbm>>) dst(%dma_wait3A_156 : memref<40x128xi32, #tpu.memory_space<vmem>>)
        tpu.yield
      }) : () -> ()
      "tpu.region"() ({
        %run_scoped3A = tpu.sem_alloc : memref<!tpu.dma_semaphore, #tpu.memory_space<semaphore_mem>>
        %dma_start3A_140 = arith.constant 0 : i32
        %dma_start3A_141 = arith.constant 0 : i32
        %dma_start3A_142 = tpu.memref_slice %arg7[%dma_start3A_140, %dma_start3A_141] : memref<40x128xi32, #tpu.memory_space<vmem>> -> memref<40x128xi32, #tpu.memory_space<vmem>>
        %dma_start3A_143 = arith.constant 0 : i32
        %dma_start3A_144 = tpu.memref_slice %arg4[%add3A_75, %dma_start3A_143] : memref<2560x128xi32, #tpu.memory_space<hbm>> -> memref<40x128xi32, #tpu.memory_space<hbm>>
        %dma_start3A_145 = arith.constant 0 : i32
        %dma_start3A_146 = arith.constant 0 : i32
        %dma_start3A_147 = tpu.memref_slice %arg7[%dma_start3A_145, %dma_start3A_146] : memref<40x128xi32, #tpu.memory_space<vmem>> -> memref<40x128xi32, #tpu.memory_space<vmem>>
        %dma_start3A_148 = arith.constant 0 : i32
        %dma_start3A_149 = tpu.memref_slice %arg4[%add3A_75, %dma_start3A_148] : memref<2560x128xi32, #tpu.memory_space<hbm>> -> memref<40x128xi32, #tpu.memory_space<hbm>>
        tpu.enqueue_dma source(%dma_start3A_149 : memref<40x128xi32, #tpu.memory_space<hbm>>) target(%dma_start3A_147 : memref<40x128xi32, #tpu.memory_space<vmem>>) target_semaphore(%run_scoped3A : memref<!tpu.dma_semaphore, #tpu.memory_space<semaphore_mem>>)
        %dma_wait3A = arith.constant 0 : i32
        %dma_wait3A_150 = arith.constant 0 : i32
        %dma_wait3A_151 = tpu.memref_slice %arg7[%dma_wait3A, %dma_wait3A_150] : memref<40x128xi32, #tpu.memory_space<vmem>> -> memref<40x128xi32, #tpu.memory_space<vmem>>
        %dma_wait3A_152 = arith.constant 0 : i32
        %dma_wait3A_153 = tpu.memref_slice %arg4[%add3A_75, %dma_wait3A_152] : memref<2560x128xi32, #tpu.memory_space<hbm>> -> memref<40x128xi32, #tpu.memory_space<hbm>>
        %dma_wait3A_154 = arith.constant 0 : i32
        %dma_wait3A_155 = arith.constant 0 : i32
        %dma_wait3A_156 = tpu.memref_slice %arg7[%dma_wait3A_154, %dma_wait3A_155] : memref<40x128xi32, #tpu.memory_space<vmem>> -> memref<40x128xi32, #tpu.memory_space<vmem>>
        %dma_wait3A_157 = arith.constant 0 : i32
        %dma_wait3A_158 = tpu.memref_slice %arg4[%add3A_75, %dma_wait3A_157] : memref<2560x128xi32, #tpu.memory_space<hbm>> -> memref<40x128xi32, #tpu.memory_space<hbm>>
        tpu.wait_dma2 semaphore(%run_scoped3A : memref<!tpu.dma_semaphore, #tpu.memory_space<semaphore_mem>>) src(%dma_wait3A_158 : memref<40x128xi32, #tpu.memory_space<hbm>>) dst(%dma_wait3A_156 : memref<40x128xi32, #tpu.memory_space<vmem>>)
        tpu.yield
      }) : () -> ()
      %dma_start3A_76 = arith.constant 0 : i32
      %dma_start3A_77 = arith.constant 0 : i32
      %dma_start3A_78 = tpu.memref_slice %arg6[%dma_start3A_76, %dma_start3A_77] : memref<40x128xi32, #tpu.memory_space<vmem>> -> memref<1x128xi32, #tpu.memory_space<vmem>>
      %dma_start3A_79 = tpu.memref_squeeze %dma_start3A_78 : memref<1x128xi32, #tpu.memory_space<vmem>> -> memref<128xi32, #tpu.memory_space<vmem>>
      %dma_start3A_80 = arith.constant 0 : i32
      %dma_start3A_81 = arith.constant 0 : i32
      %dma_start3A_82 = tpu.memref_slice %arg2[%dma_start3A_80, %dma_start3A_81] : memref<40000x128xf32, #tpu.memory_space<hbm>> -> memref<40000x128xf32, #tpu.memory_space<hbm>>
      tpu.enqueue_indirect_dma source(%dma_start3A_82 : memref<40000x128xf32, #tpu.memory_space<hbm>>) target(%arg8 : memref<128x128xf32, #tpu.memory_space<vmem>>) offsets(%dma_start3A_79 : memref<128xi32, #tpu.memory_space<vmem>>) semaphore(%arg11 : memref<!tpu.dma_semaphore, #tpu.memory_space<semaphore_mem>>)
      %dma_start3A_83 = arith.constant 1 : i32
      %dma_start3A_84 = arith.constant 0 : i32
      %dma_start3A_85 = tpu.memref_slice %arg6[%dma_start3A_83, %dma_start3A_84] : memref<40x128xi32, #tpu.memory_space<vmem>> -> memref<1x128xi32, #tpu.memory_space<vmem>>
      %dma_start3A_86 = tpu.memref_squeeze %dma_start3A_85 : memref<1x128xi32, #tpu.memory_space<vmem>> -> memref<128xi32, #tpu.memory_space<vmem>>
      %dma_start3A_87 = arith.constant 0 : i32
      %dma_start3A_88 = arith.constant 0 : i32
      %dma_start3A_89 = tpu.memref_slice %arg2[%dma_start3A_87, %dma_start3A_88] : memref<40000x128xf32, #tpu.memory_space<hbm>> -> memref<40000x128xf32, #tpu.memory_space<hbm>>
      tpu.enqueue_indirect_dma source(%dma_start3A_89 : memref<40000x128xf32, #tpu.memory_space<hbm>>) target(%arg9 : memref<128x128xf32, #tpu.memory_space<vmem>>) offsets(%dma_start3A_86 : memref<128xi32, #tpu.memory_space<vmem>>) semaphore(%arg12 : memref<!tpu.dma_semaphore, #tpu.memory_space<semaphore_mem>>)
      %scan3A_90 = arith.constant 0 : i32
      %scan3A_91 = arith.constant 0 : i32
      %scan3A_92 = arith.constant 20 : i32
      %scan3A_93 = arith.addi %scan3A_91, %scan3A_92 : i32
      %scan3A_94 = arith.constant 1 : i32
      scf.for %scan3A_140 = %scan3A_91 to %scan3A_93 step %scan3A_94  : i32 {
        %mul3A_141 = arith.constant 2 : i32
        %mul3A_142 = arith.muli %mul3A_141, %scan3A_140 : i32
        %add3A_143 = arith.constant 0 : i32
        %add3A_144 = arith.addi %mul3A_142, %add3A_143 : i32
        %dma_wait3A = arith.constant 0 : i32
        %dma_wait3A_145 = tpu.memref_slice %arg6[%add3A_144, %dma_wait3A] : memref<40x128xi32, #tpu.memory_space<vmem>> -> memref<1x128xi32, #tpu.memory_space<vmem>>
        %dma_wait3A_146 = tpu.memref_squeeze %dma_wait3A_145 : memref<1x128xi32, #tpu.memory_space<vmem>> -> memref<128xi32, #tpu.memory_space<vmem>>
        %dma_wait3A_147 = arith.constant 0 : i32
        %dma_wait3A_148 = arith.constant 0 : i32
        %dma_wait3A_149 = tpu.memref_slice %arg2[%dma_wait3A_147, %dma_wait3A_148] : memref<40000x128xf32, #tpu.memory_space<hbm>> -> memref<40000x128xf32, #tpu.memory_space<hbm>>
        tpu.wait_indirect_dma semaphore(%arg11 : memref<!tpu.dma_semaphore, #tpu.memory_space<semaphore_mem>>) src(%dma_wait3A_149 : memref<40000x128xf32, #tpu.memory_space<hbm>>) dst(%arg8 : memref<128x128xf32, #tpu.memory_space<vmem>>)
        "tpu.region"() ({
          %run_scoped3A = tpu.sem_alloc : memref<!tpu.dma_semaphore, #tpu.memory_space<semaphore_mem>>
          %dma_start3A_173 = arith.constant 0 : i32
          %dma_start3A_174 = tpu.memref_slice %arg7[%add3A_144, %dma_start3A_173] : memref<40x128xi32, #tpu.memory_space<vmem>> -> memref<1x128xi32, #tpu.memory_space<vmem>>
          %dma_start3A_175 = tpu.memref_squeeze %dma_start3A_174 : memref<1x128xi32, #tpu.memory_space<vmem>> -> memref<128xi32, #tpu.memory_space<vmem>>
          %dma_start3A_176 = arith.constant 0 : i32
          %dma_start3A_177 = arith.constant 0 : i32
          %dma_start3A_178 = tpu.memref_slice %arg10[%dma_start3A_176, %dma_start3A_177] : memref<10240x128xf32, #tpu.memory_space<vmem_shared>> -> memref<10240x128xf32, #tpu.memory_space<vmem_shared>>
          tpu.enqueue_indirect_dma source(%arg8 : memref<128x128xf32, #tpu.memory_space<vmem>>) target(%dma_start3A_178 : memref<10240x128xf32, #tpu.memory_space<vmem_shared>>) offsets(%dma_start3A_175 : memref<128xi32, #tpu.memory_space<vmem>>) semaphore(%run_scoped3A : memref<!tpu.dma_semaphore, #tpu.memory_space<semaphore_mem>>) {add = true}
          %dma_wait3A_179 = arith.constant 0 : i32
          %dma_wait3A_180 = tpu.memref_slice %arg7[%add3A_144, %dma_wait3A_179] : memref<40x128xi32, #tpu.memory_space<vmem>> -> memref<1x128xi32, #tpu.memory_space<vmem>>
          %dma_wait3A_181 = tpu.memref_squeeze %dma_wait3A_180 : memref<1x128xi32, #tpu.memory_space<vmem>> -> memref<128xi32, #tpu.memory_space<vmem>>
          %dma_wait3A_182 = arith.constant 0 : i32
          %dma_wait3A_183 = arith.constant 0 : i32
          %dma_wait3A_184 = tpu.memref_slice %arg10[%dma_wait3A_182, %dma_wait3A_183] : memref<10240x128xf32, #tpu.memory_space<vmem_shared>> -> memref<10240x128xf32, #tpu.memory_space<vmem_shared>>
          tpu.wait_indirect_dma semaphore(%run_scoped3A : memref<!tpu.dma_semaphore, #tpu.memory_space<semaphore_mem>>) src(%arg8 : memref<128x128xf32, #tpu.memory_space<vmem>>) dst(%dma_wait3A_184 : memref<10240x128xf32, #tpu.memory_space<vmem_shared>>)
          tpu.yield
        }) : () -> ()
        %add3A_150 = arith.constant 2 : i32
        %add3A_151 = arith.addi %add3A_144, %add3A_150 : i32
        %lt3A = arith.constant 40 : i32
        %lt3A_152 = arith.cmpi slt, %add3A_151, %lt3A : i32
        %convert_element_type3A_153 = arith.extui %lt3A_152 : i1 to i32
        %cond3A_154 = arith.constant 0 : i32
        %cond3A_155 = arith.cmpi ne, %convert_element_type3A_153, %cond3A_154 : i32
        scf.if %cond3A_155 {
          %add3A_173 = arith.constant 2 : i32
          %add3A_174 = arith.addi %add3A_144, %add3A_173 : i32
          %dma_start3A_175 = arith.constant 0 : i32
          %dma_start3A_176 = tpu.memref_slice %arg6[%add3A_174, %dma_start3A_175] : memref<40x128xi32, #tpu.memory_space<vmem>> -> memref<1x128xi32, #tpu.memory_space<vmem>>
          %dma_start3A_177 = tpu.memref_squeeze %dma_start3A_176 : memref<1x128xi32, #tpu.memory_space<vmem>> -> memref<128xi32, #tpu.memory_space<vmem>>
          %dma_start3A_178 = arith.constant 0 : i32
          %dma_start3A_179 = arith.constant 0 : i32
          %dma_start3A_180 = tpu.memref_slice %arg2[%dma_start3A_178, %dma_start3A_179] : memref<40000x128xf32, #tpu.memory_space<hbm>> -> memref<40000x128xf32, #tpu.memory_space<hbm>>
          tpu.enqueue_indirect_dma source(%dma_start3A_180 : memref<40000x128xf32, #tpu.memory_space<hbm>>) target(%arg8 : memref<128x128xf32, #tpu.memory_space<vmem>>) offsets(%dma_start3A_177 : memref<128xi32, #tpu.memory_space<vmem>>) semaphore(%arg11 : memref<!tpu.dma_semaphore, #tpu.memory_space<semaphore_mem>>)
        } else {
        }
        %mul3A_156 = arith.constant 2 : i32
        %mul3A_157 = arith.muli %mul3A_156, %scan3A_140 : i32
        %add3A_158 = arith.constant 1 : i32
        %add3A_159 = arith.addi %mul3A_157, %add3A_158 : i32
        %dma_wait3A_160 = arith.constant 0 : i32
        %dma_wait3A_161 = tpu.memref_slice %arg6[%add3A_159, %dma_wait3A_160] : memref<40x128xi32, #tpu.memory_space<vmem>> -> memref<1x128xi32, #tpu.memory_space<vmem>>
        %dma_wait3A_162 = tpu.memref_squeeze %dma_wait3A_161 : memref<1x128xi32, #tpu.memory_space<vmem>> -> memref<128xi32, #tpu.memory_space<vmem>>
        %dma_wait3A_163 = arith.constant 0 : i32
        %dma_wait3A_164 = arith.constant 0 : i32
        %dma_wait3A_165 = tpu.memref_slice %arg2[%dma_wait3A_163, %dma_wait3A_164] : memref<40000x128xf32, #tpu.memory_space<hbm>> -> memref<40000x128xf32, #tpu.memory_space<hbm>>
        tpu.wait_indirect_dma semaphore(%arg12 : memref<!tpu.dma_semaphore, #tpu.memory_space<semaphore_mem>>) src(%dma_wait3A_165 : memref<40000x128xf32, #tpu.memory_space<hbm>>) dst(%arg9 : memref<128x128xf32, #tpu.memory_space<vmem>>)
        "tpu.region"() ({
          %run_scoped3A = tpu.sem_alloc : memref<!tpu.dma_semaphore, #tpu.memory_space<semaphore_mem>>
          %dma_start3A_173 = arith.constant 0 : i32
          %dma_start3A_174 = tpu.memref_slice %arg7[%add3A_159, %dma_start3A_173] : memref<40x128xi32, #tpu.memory_space<vmem>> -> memref<1x128xi32, #tpu.memory_space<vmem>>
          %dma_start3A_175 = tpu.memref_squeeze %dma_start3A_174 : memref<1x128xi32, #tpu.memory_space<vmem>> -> memref<128xi32, #tpu.memory_space<vmem>>
          %dma_start3A_176 = arith.constant 0 : i32
          %dma_start3A_177 = arith.constant 0 : i32
          %dma_start3A_178 = tpu.memref_slice %arg10[%dma_start3A_176, %dma_start3A_177] : memref<10240x128xf32, #tpu.memory_space<vmem_shared>> -> memref<10240x128xf32, #tpu.memory_space<vmem_shared>>
          tpu.enqueue_indirect_dma source(%arg9 : memref<128x128xf32, #tpu.memory_space<vmem>>) target(%dma_start3A_178 : memref<10240x128xf32, #tpu.memory_space<vmem_shared>>) offsets(%dma_start3A_175 : memref<128xi32, #tpu.memory_space<vmem>>) semaphore(%run_scoped3A : memref<!tpu.dma_semaphore, #tpu.memory_space<semaphore_mem>>) {add = true}
          %dma_wait3A_179 = arith.constant 0 : i32
          %dma_wait3A_180 = tpu.memref_slice %arg7[%add3A_159, %dma_wait3A_179] : memref<40x128xi32, #tpu.memory_space<vmem>> -> memref<1x128xi32, #tpu.memory_space<vmem>>
          %dma_wait3A_181 = tpu.memref_squeeze %dma_wait3A_180 : memref<1x128xi32, #tpu.memory_space<vmem>> -> memref<128xi32, #tpu.memory_space<vmem>>
          %dma_wait3A_182 = arith.constant 0 : i32
          %dma_wait3A_183 = arith.constant 0 : i32
          %dma_wait3A_184 = tpu.memref_slice %arg10[%dma_wait3A_182, %dma_wait3A_183] : memref<10240x128xf32, #tpu.memory_space<vmem_shared>> -> memref<10240x128xf32, #tpu.memory_space<vmem_shared>>
          tpu.wait_indirect_dma semaphore(%run_scoped3A : memref<!tpu.dma_semaphore, #tpu.memory_space<semaphore_mem>>) src(%arg9 : memref<128x128xf32, #tpu.memory_space<vmem>>) dst(%dma_wait3A_184 : memref<10240x128xf32, #tpu.memory_space<vmem_shared>>)
          tpu.yield
        }) : () -> ()
        %add3A_166 = arith.constant 2 : i32
        %add3A_167 = arith.addi %add3A_159, %add3A_166 : i32
        %lt3A_168 = arith.constant 40 : i32
        %lt3A_169 = arith.cmpi slt, %add3A_167, %lt3A_168 : i32
        %convert_element_type3A_170 = arith.extui %lt3A_169 : i1 to i32
        %cond3A_171 = arith.constant 0 : i32
        %cond3A_172 = arith.cmpi ne, %convert_element_type3A_170, %cond3A_171 : i32
        scf.if %cond3A_172 {
          %add3A_173 = arith.constant 2 : i32
          %add3A_174 = arith.addi %add3A_159, %add3A_173 : i32
          %dma_start3A_175 = arith.constant 0 : i32
          %dma_start3A_176 = tpu.memref_slice %arg6[%add3A_174, %dma_start3A_175] : memref<40x128xi32, #tpu.memory_space<vmem>> -> memref<1x128xi32, #tpu.memory_space<vmem>>
          %dma_start3A_177 = tpu.memref_squeeze %dma_start3A_176 : memref<1x128xi32, #tpu.memory_space<vmem>> -> memref<128xi32, #tpu.memory_space<vmem>>
          %dma_start3A_178 = arith.constant 0 : i32
          %dma_start3A_179 = arith.constant 0 : i32
          %dma_start3A_180 = tpu.memref_slice %arg2[%dma_start3A_178, %dma_start3A_179] : memref<40000x128xf32, #tpu.memory_space<hbm>> -> memref<40000x128xf32, #tpu.memory_space<hbm>>
          tpu.enqueue_indirect_dma source(%dma_start3A_180 : memref<40000x128xf32, #tpu.memory_space<hbm>>) target(%arg9 : memref<128x128xf32, #tpu.memory_space<vmem>>) offsets(%dma_start3A_177 : memref<128xi32, #tpu.memory_space<vmem>>) semaphore(%arg12 : memref<!tpu.dma_semaphore, #tpu.memory_space<semaphore_mem>>)
        } else {
        }
      }
      %scan3A_95 = arith.constant 20 : i32
      %add3A_96 = arith.constant 80 : i32
      %add3A_97 = arith.addi %mul3A_52, %add3A_96 : i32
      "tpu.region"() ({
        %run_scoped3A = tpu.sem_alloc : memref<!tpu.dma_semaphore, #tpu.memory_space<semaphore_mem>>
        %dma_start3A_140 = arith.constant 0 : i32
        %dma_start3A_141 = arith.constant 0 : i32
        %dma_start3A_142 = tpu.memref_slice %arg6[%dma_start3A_140, %dma_start3A_141] : memref<40x128xi32, #tpu.memory_space<vmem>> -> memref<40x128xi32, #tpu.memory_space<vmem>>
        %dma_start3A_143 = arith.constant 0 : i32
        %dma_start3A_144 = tpu.memref_slice %arg3[%add3A_97, %dma_start3A_143] : memref<2560x128xi32, #tpu.memory_space<hbm>> -> memref<40x128xi32, #tpu.memory_space<hbm>>
        %dma_start3A_145 = arith.constant 0 : i32
        %dma_start3A_146 = arith.constant 0 : i32
        %dma_start3A_147 = tpu.memref_slice %arg6[%dma_start3A_145, %dma_start3A_146] : memref<40x128xi32, #tpu.memory_space<vmem>> -> memref<40x128xi32, #tpu.memory_space<vmem>>
        %dma_start3A_148 = arith.constant 0 : i32
        %dma_start3A_149 = tpu.memref_slice %arg3[%add3A_97, %dma_start3A_148] : memref<2560x128xi32, #tpu.memory_space<hbm>> -> memref<40x128xi32, #tpu.memory_space<hbm>>
        tpu.enqueue_dma source(%dma_start3A_149 : memref<40x128xi32, #tpu.memory_space<hbm>>) target(%dma_start3A_147 : memref<40x128xi32, #tpu.memory_space<vmem>>) target_semaphore(%run_scoped3A : memref<!tpu.dma_semaphore, #tpu.memory_space<semaphore_mem>>)
        %dma_wait3A = arith.constant 0 : i32
        %dma_wait3A_150 = arith.constant 0 : i32
        %dma_wait3A_151 = tpu.memref_slice %arg6[%dma_wait3A, %dma_wait3A_150] : memref<40x128xi32, #tpu.memory_space<vmem>> -> memref<40x128xi32, #tpu.memory_space<vmem>>
        %dma_wait3A_152 = arith.constant 0 : i32
        %dma_wait3A_153 = tpu.memref_slice %arg3[%add3A_97, %dma_wait3A_152] : memref<2560x128xi32, #tpu.memory_space<hbm>> -> memref<40x128xi32, #tpu.memory_space<hbm>>
        %dma_wait3A_154 = arith.constant 0 : i32
        %dma_wait3A_155 = arith.constant 0 : i32
        %dma_wait3A_156 = tpu.memref_slice %arg6[%dma_wait3A_154, %dma_wait3A_155] : memref<40x128xi32, #tpu.memory_space<vmem>> -> memref<40x128xi32, #tpu.memory_space<vmem>>
        %dma_wait3A_157 = arith.constant 0 : i32
        %dma_wait3A_158 = tpu.memref_slice %arg3[%add3A_97, %dma_wait3A_157] : memref<2560x128xi32, #tpu.memory_space<hbm>> -> memref<40x128xi32, #tpu.memory_space<hbm>>
        tpu.wait_dma2 semaphore(%run_scoped3A : memref<!tpu.dma_semaphore, #tpu.memory_space<semaphore_mem>>) src(%dma_wait3A_158 : memref<40x128xi32, #tpu.memory_space<hbm>>) dst(%dma_wait3A_156 : memref<40x128xi32, #tpu.memory_space<vmem>>)
        tpu.yield
      }) : () -> ()
      "tpu.region"() ({
        %run_scoped3A = tpu.sem_alloc : memref<!tpu.dma_semaphore, #tpu.memory_space<semaphore_mem>>
        %dma_start3A_140 = arith.constant 0 : i32
        %dma_start3A_141 = arith.constant 0 : i32
        %dma_start3A_142 = tpu.memref_slice %arg7[%dma_start3A_140, %dma_start3A_141] : memref<40x128xi32, #tpu.memory_space<vmem>> -> memref<40x128xi32, #tpu.memory_space<vmem>>
        %dma_start3A_143 = arith.constant 0 : i32
        %dma_start3A_144 = tpu.memref_slice %arg4[%add3A_97, %dma_start3A_143] : memref<2560x128xi32, #tpu.memory_space<hbm>> -> memref<40x128xi32, #tpu.memory_space<hbm>>
        %dma_start3A_145 = arith.constant 0 : i32
        %dma_start3A_146 = arith.constant 0 : i32
        %dma_start3A_147 = tpu.memref_slice %arg7[%dma_start3A_145, %dma_start3A_146] : memref<40x128xi32, #tpu.memory_space<vmem>> -> memref<40x128xi32, #tpu.memory_space<vmem>>
        %dma_start3A_148 = arith.constant 0 : i32
        %dma_start3A_149 = tpu.memref_slice %arg4[%add3A_97, %dma_start3A_148] : memref<2560x128xi32, #tpu.memory_space<hbm>> -> memref<40x128xi32, #tpu.memory_space<hbm>>
        tpu.enqueue_dma source(%dma_start3A_149 : memref<40x128xi32, #tpu.memory_space<hbm>>) target(%dma_start3A_147 : memref<40x128xi32, #tpu.memory_space<vmem>>) target_semaphore(%run_scoped3A : memref<!tpu.dma_semaphore, #tpu.memory_space<semaphore_mem>>)
        %dma_wait3A = arith.constant 0 : i32
        %dma_wait3A_150 = arith.constant 0 : i32
        %dma_wait3A_151 = tpu.memref_slice %arg7[%dma_wait3A, %dma_wait3A_150] : memref<40x128xi32, #tpu.memory_space<vmem>> -> memref<40x128xi32, #tpu.memory_space<vmem>>
        %dma_wait3A_152 = arith.constant 0 : i32
        %dma_wait3A_153 = tpu.memref_slice %arg4[%add3A_97, %dma_wait3A_152] : memref<2560x128xi32, #tpu.memory_space<hbm>> -> memref<40x128xi32, #tpu.memory_space<hbm>>
        %dma_wait3A_154 = arith.constant 0 : i32
        %dma_wait3A_155 = arith.constant 0 : i32
        %dma_wait3A_156 = tpu.memref_slice %arg7[%dma_wait3A_154, %dma_wait3A_155] : memref<40x128xi32, #tpu.memory_space<vmem>> -> memref<40x128xi32, #tpu.memory_space<vmem>>
        %dma_wait3A_157 = arith.constant 0 : i32
        %dma_wait3A_158 = tpu.memref_slice %arg4[%add3A_97, %dma_wait3A_157] : memref<2560x128xi32, #tpu.memory_space<hbm>> -> memref<40x128xi32, #tpu.memory_space<hbm>>
        tpu.wait_dma2 semaphore(%run_scoped3A : memref<!tpu.dma_semaphore, #tpu.memory_space<semaphore_mem>>) src(%dma_wait3A_158 : memref<40x128xi32, #tpu.memory_space<hbm>>) dst(%dma_wait3A_156 : memref<40x128xi32, #tpu.memory_space<vmem>>)
        tpu.yield
      }) : () -> ()
      %dma_start3A_98 = arith.constant 0 : i32
      %dma_start3A_99 = arith.constant 0 : i32
      %dma_start3A_100 = tpu.memref_slice %arg6[%dma_start3A_98, %dma_start3A_99] : memref<40x128xi32, #tpu.memory_space<vmem>> -> memref<1x128xi32, #tpu.memory_space<vmem>>
      %dma_start3A_101 = tpu.memref_squeeze %dma_start3A_100 : memref<1x128xi32, #tpu.memory_space<vmem>> -> memref<128xi32, #tpu.memory_space<vmem>>
      %dma_start3A_102 = arith.constant 0 : i32
      %dma_start3A_103 = arith.constant 0 : i32
      %dma_start3A_104 = tpu.memref_slice %arg2[%dma_start3A_102, %dma_start3A_103] : memref<40000x128xf32, #tpu.memory_space<hbm>> -> memref<40000x128xf32, #tpu.memory_space<hbm>>
      tpu.enqueue_indirect_dma source(%dma_start3A_104 : memref<40000x128xf32, #tpu.memory_space<hbm>>) target(%arg8 : memref<128x128xf32, #tpu.memory_space<vmem>>) offsets(%dma_start3A_101 : memref<128xi32, #tpu.memory_space<vmem>>) semaphore(%arg11 : memref<!tpu.dma_semaphore, #tpu.memory_space<semaphore_mem>>)
      %dma_start3A_105 = arith.constant 1 : i32
      %dma_start3A_106 = arith.constant 0 : i32
      %dma_start3A_107 = tpu.memref_slice %arg6[%dma_start3A_105, %dma_start3A_106] : memref<40x128xi32, #tpu.memory_space<vmem>> -> memref<1x128xi32, #tpu.memory_space<vmem>>
      %dma_start3A_108 = tpu.memref_squeeze %dma_start3A_107 : memref<1x128xi32, #tpu.memory_space<vmem>> -> memref<128xi32, #tpu.memory_space<vmem>>
      %dma_start3A_109 = arith.constant 0 : i32
      %dma_start3A_110 = arith.constant 0 : i32
      %dma_start3A_111 = tpu.memref_slice %arg2[%dma_start3A_109, %dma_start3A_110] : memref<40000x128xf32, #tpu.memory_space<hbm>> -> memref<40000x128xf32, #tpu.memory_space<hbm>>
      tpu.enqueue_indirect_dma source(%dma_start3A_111 : memref<40000x128xf32, #tpu.memory_space<hbm>>) target(%arg9 : memref<128x128xf32, #tpu.memory_space<vmem>>) offsets(%dma_start3A_108 : memref<128xi32, #tpu.memory_space<vmem>>) semaphore(%arg12 : memref<!tpu.dma_semaphore, #tpu.memory_space<semaphore_mem>>)
      %scan3A_112 = arith.constant 0 : i32
      %scan3A_113 = arith.constant 0 : i32
      %scan3A_114 = arith.constant 20 : i32
      %scan3A_115 = arith.addi %scan3A_113, %scan3A_114 : i32
      %scan3A_116 = arith.constant 1 : i32
      scf.for %scan3A_140 = %scan3A_113 to %scan3A_115 step %scan3A_116  : i32 {
        %mul3A_141 = arith.constant 2 : i32
        %mul3A_142 = arith.muli %mul3A_141, %scan3A_140 : i32
        %add3A_143 = arith.constant 0 : i32
        %add3A_144 = arith.addi %mul3A_142, %add3A_143 : i32
        %dma_wait3A = arith.constant 0 : i32
        %dma_wait3A_145 = tpu.memref_slice %arg6[%add3A_144, %dma_wait3A] : memref<40x128xi32, #tpu.memory_space<vmem>> -> memref<1x128xi32, #tpu.memory_space<vmem>>
        %dma_wait3A_146 = tpu.memref_squeeze %dma_wait3A_145 : memref<1x128xi32, #tpu.memory_space<vmem>> -> memref<128xi32, #tpu.memory_space<vmem>>
        %dma_wait3A_147 = arith.constant 0 : i32
        %dma_wait3A_148 = arith.constant 0 : i32
        %dma_wait3A_149 = tpu.memref_slice %arg2[%dma_wait3A_147, %dma_wait3A_148] : memref<40000x128xf32, #tpu.memory_space<hbm>> -> memref<40000x128xf32, #tpu.memory_space<hbm>>
        tpu.wait_indirect_dma semaphore(%arg11 : memref<!tpu.dma_semaphore, #tpu.memory_space<semaphore_mem>>) src(%dma_wait3A_149 : memref<40000x128xf32, #tpu.memory_space<hbm>>) dst(%arg8 : memref<128x128xf32, #tpu.memory_space<vmem>>)
        "tpu.region"() ({
          %run_scoped3A = tpu.sem_alloc : memref<!tpu.dma_semaphore, #tpu.memory_space<semaphore_mem>>
          %dma_start3A_173 = arith.constant 0 : i32
          %dma_start3A_174 = tpu.memref_slice %arg7[%add3A_144, %dma_start3A_173] : memref<40x128xi32, #tpu.memory_space<vmem>> -> memref<1x128xi32, #tpu.memory_space<vmem>>
          %dma_start3A_175 = tpu.memref_squeeze %dma_start3A_174 : memref<1x128xi32, #tpu.memory_space<vmem>> -> memref<128xi32, #tpu.memory_space<vmem>>
          %dma_start3A_176 = arith.constant 0 : i32
          %dma_start3A_177 = arith.constant 0 : i32
          %dma_start3A_178 = tpu.memref_slice %arg10[%dma_start3A_176, %dma_start3A_177] : memref<10240x128xf32, #tpu.memory_space<vmem_shared>> -> memref<10240x128xf32, #tpu.memory_space<vmem_shared>>
          tpu.enqueue_indirect_dma source(%arg8 : memref<128x128xf32, #tpu.memory_space<vmem>>) target(%dma_start3A_178 : memref<10240x128xf32, #tpu.memory_space<vmem_shared>>) offsets(%dma_start3A_175 : memref<128xi32, #tpu.memory_space<vmem>>) semaphore(%run_scoped3A : memref<!tpu.dma_semaphore, #tpu.memory_space<semaphore_mem>>) {add = true}
          %dma_wait3A_179 = arith.constant 0 : i32
          %dma_wait3A_180 = tpu.memref_slice %arg7[%add3A_144, %dma_wait3A_179] : memref<40x128xi32, #tpu.memory_space<vmem>> -> memref<1x128xi32, #tpu.memory_space<vmem>>
          %dma_wait3A_181 = tpu.memref_squeeze %dma_wait3A_180 : memref<1x128xi32, #tpu.memory_space<vmem>> -> memref<128xi32, #tpu.memory_space<vmem>>
          %dma_wait3A_182 = arith.constant 0 : i32
          %dma_wait3A_183 = arith.constant 0 : i32
          %dma_wait3A_184 = tpu.memref_slice %arg10[%dma_wait3A_182, %dma_wait3A_183] : memref<10240x128xf32, #tpu.memory_space<vmem_shared>> -> memref<10240x128xf32, #tpu.memory_space<vmem_shared>>
          tpu.wait_indirect_dma semaphore(%run_scoped3A : memref<!tpu.dma_semaphore, #tpu.memory_space<semaphore_mem>>) src(%arg8 : memref<128x128xf32, #tpu.memory_space<vmem>>) dst(%dma_wait3A_184 : memref<10240x128xf32, #tpu.memory_space<vmem_shared>>)
          tpu.yield
        }) : () -> ()
        %add3A_150 = arith.constant 2 : i32
        %add3A_151 = arith.addi %add3A_144, %add3A_150 : i32
        %lt3A = arith.constant 40 : i32
        %lt3A_152 = arith.cmpi slt, %add3A_151, %lt3A : i32
        %convert_element_type3A_153 = arith.extui %lt3A_152 : i1 to i32
        %cond3A_154 = arith.constant 0 : i32
        %cond3A_155 = arith.cmpi ne, %convert_element_type3A_153, %cond3A_154 : i32
        scf.if %cond3A_155 {
          %add3A_173 = arith.constant 2 : i32
          %add3A_174 = arith.addi %add3A_144, %add3A_173 : i32
          %dma_start3A_175 = arith.constant 0 : i32
          %dma_start3A_176 = tpu.memref_slice %arg6[%add3A_174, %dma_start3A_175] : memref<40x128xi32, #tpu.memory_space<vmem>> -> memref<1x128xi32, #tpu.memory_space<vmem>>
          %dma_start3A_177 = tpu.memref_squeeze %dma_start3A_176 : memref<1x128xi32, #tpu.memory_space<vmem>> -> memref<128xi32, #tpu.memory_space<vmem>>
          %dma_start3A_178 = arith.constant 0 : i32
          %dma_start3A_179 = arith.constant 0 : i32
          %dma_start3A_180 = tpu.memref_slice %arg2[%dma_start3A_178, %dma_start3A_179] : memref<40000x128xf32, #tpu.memory_space<hbm>> -> memref<40000x128xf32, #tpu.memory_space<hbm>>
          tpu.enqueue_indirect_dma source(%dma_start3A_180 : memref<40000x128xf32, #tpu.memory_space<hbm>>) target(%arg8 : memref<128x128xf32, #tpu.memory_space<vmem>>) offsets(%dma_start3A_177 : memref<128xi32, #tpu.memory_space<vmem>>) semaphore(%arg11 : memref<!tpu.dma_semaphore, #tpu.memory_space<semaphore_mem>>)
        } else {
        }
        %mul3A_156 = arith.constant 2 : i32
        %mul3A_157 = arith.muli %mul3A_156, %scan3A_140 : i32
        %add3A_158 = arith.constant 1 : i32
        %add3A_159 = arith.addi %mul3A_157, %add3A_158 : i32
        %dma_wait3A_160 = arith.constant 0 : i32
        %dma_wait3A_161 = tpu.memref_slice %arg6[%add3A_159, %dma_wait3A_160] : memref<40x128xi32, #tpu.memory_space<vmem>> -> memref<1x128xi32, #tpu.memory_space<vmem>>
        %dma_wait3A_162 = tpu.memref_squeeze %dma_wait3A_161 : memref<1x128xi32, #tpu.memory_space<vmem>> -> memref<128xi32, #tpu.memory_space<vmem>>
        %dma_wait3A_163 = arith.constant 0 : i32
        %dma_wait3A_164 = arith.constant 0 : i32
        %dma_wait3A_165 = tpu.memref_slice %arg2[%dma_wait3A_163, %dma_wait3A_164] : memref<40000x128xf32, #tpu.memory_space<hbm>> -> memref<40000x128xf32, #tpu.memory_space<hbm>>
        tpu.wait_indirect_dma semaphore(%arg12 : memref<!tpu.dma_semaphore, #tpu.memory_space<semaphore_mem>>) src(%dma_wait3A_165 : memref<40000x128xf32, #tpu.memory_space<hbm>>) dst(%arg9 : memref<128x128xf32, #tpu.memory_space<vmem>>)
        "tpu.region"() ({
          %run_scoped3A = tpu.sem_alloc : memref<!tpu.dma_semaphore, #tpu.memory_space<semaphore_mem>>
          %dma_start3A_173 = arith.constant 0 : i32
          %dma_start3A_174 = tpu.memref_slice %arg7[%add3A_159, %dma_start3A_173] : memref<40x128xi32, #tpu.memory_space<vmem>> -> memref<1x128xi32, #tpu.memory_space<vmem>>
          %dma_start3A_175 = tpu.memref_squeeze %dma_start3A_174 : memref<1x128xi32, #tpu.memory_space<vmem>> -> memref<128xi32, #tpu.memory_space<vmem>>
          %dma_start3A_176 = arith.constant 0 : i32
          %dma_start3A_177 = arith.constant 0 : i32
          %dma_start3A_178 = tpu.memref_slice %arg10[%dma_start3A_176, %dma_start3A_177] : memref<10240x128xf32, #tpu.memory_space<vmem_shared>> -> memref<10240x128xf32, #tpu.memory_space<vmem_shared>>
          tpu.enqueue_indirect_dma source(%arg9 : memref<128x128xf32, #tpu.memory_space<vmem>>) target(%dma_start3A_178 : memref<10240x128xf32, #tpu.memory_space<vmem_shared>>) offsets(%dma_start3A_175 : memref<128xi32, #tpu.memory_space<vmem>>) semaphore(%run_scoped3A : memref<!tpu.dma_semaphore, #tpu.memory_space<semaphore_mem>>) {add = true}
          %dma_wait3A_179 = arith.constant 0 : i32
          %dma_wait3A_180 = tpu.memref_slice %arg7[%add3A_159, %dma_wait3A_179] : memref<40x128xi32, #tpu.memory_space<vmem>> -> memref<1x128xi32, #tpu.memory_space<vmem>>
          %dma_wait3A_181 = tpu.memref_squeeze %dma_wait3A_180 : memref<1x128xi32, #tpu.memory_space<vmem>> -> memref<128xi32, #tpu.memory_space<vmem>>
          %dma_wait3A_182 = arith.constant 0 : i32
          %dma_wait3A_183 = arith.constant 0 : i32
          %dma_wait3A_184 = tpu.memref_slice %arg10[%dma_wait3A_182, %dma_wait3A_183] : memref<10240x128xf32, #tpu.memory_space<vmem_shared>> -> memref<10240x128xf32, #tpu.memory_space<vmem_shared>>
          tpu.wait_indirect_dma semaphore(%run_scoped3A : memref<!tpu.dma_semaphore, #tpu.memory_space<semaphore_mem>>) src(%arg9 : memref<128x128xf32, #tpu.memory_space<vmem>>) dst(%dma_wait3A_184 : memref<10240x128xf32, #tpu.memory_space<vmem_shared>>)
          tpu.yield
        }) : () -> ()
        %add3A_166 = arith.constant 2 : i32
        %add3A_167 = arith.addi %add3A_159, %add3A_166 : i32
        %lt3A_168 = arith.constant 40 : i32
        %lt3A_169 = arith.cmpi slt, %add3A_167, %lt3A_168 : i32
        %convert_element_type3A_170 = arith.extui %lt3A_169 : i1 to i32
        %cond3A_171 = arith.constant 0 : i32
        %cond3A_172 = arith.cmpi ne, %convert_element_type3A_170, %cond3A_171 : i32
        scf.if %cond3A_172 {
          %add3A_173 = arith.constant 2 : i32
          %add3A_174 = arith.addi %add3A_159, %add3A_173 : i32
          %dma_start3A_175 = arith.constant 0 : i32
          %dma_start3A_176 = tpu.memref_slice %arg6[%add3A_174, %dma_start3A_175] : memref<40x128xi32, #tpu.memory_space<vmem>> -> memref<1x128xi32, #tpu.memory_space<vmem>>
          %dma_start3A_177 = tpu.memref_squeeze %dma_start3A_176 : memref<1x128xi32, #tpu.memory_space<vmem>> -> memref<128xi32, #tpu.memory_space<vmem>>
          %dma_start3A_178 = arith.constant 0 : i32
          %dma_start3A_179 = arith.constant 0 : i32
          %dma_start3A_180 = tpu.memref_slice %arg2[%dma_start3A_178, %dma_start3A_179] : memref<40000x128xf32, #tpu.memory_space<hbm>> -> memref<40000x128xf32, #tpu.memory_space<hbm>>
          tpu.enqueue_indirect_dma source(%dma_start3A_180 : memref<40000x128xf32, #tpu.memory_space<hbm>>) target(%arg9 : memref<128x128xf32, #tpu.memory_space<vmem>>) offsets(%dma_start3A_177 : memref<128xi32, #tpu.memory_space<vmem>>) semaphore(%arg12 : memref<!tpu.dma_semaphore, #tpu.memory_space<semaphore_mem>>)
        } else {
        }
      }
      %scan3A_117 = arith.constant 20 : i32
      %add3A_118 = arith.constant 120 : i32
      %add3A_119 = arith.addi %mul3A_52, %add3A_118 : i32
      "tpu.region"() ({
        %run_scoped3A = tpu.sem_alloc : memref<!tpu.dma_semaphore, #tpu.memory_space<semaphore_mem>>
        %dma_start3A_140 = arith.constant 0 : i32
        %dma_start3A_141 = arith.constant 0 : i32
        %dma_start3A_142 = tpu.memref_slice %arg6[%dma_start3A_140, %dma_start3A_141] : memref<40x128xi32, #tpu.memory_space<vmem>> -> memref<8x128xi32, #tpu.memory_space<vmem>>
        %dma_start3A_143 = arith.constant 0 : i32
        %dma_start3A_144 = tpu.memref_slice %arg3[%add3A_119, %dma_start3A_143] : memref<2560x128xi32, #tpu.memory_space<hbm>> -> memref<8x128xi32, #tpu.memory_space<hbm>>
        %dma_start3A_145 = arith.constant 0 : i32
        %dma_start3A_146 = arith.constant 0 : i32
        %dma_start3A_147 = tpu.memref_slice %arg6[%dma_start3A_145, %dma_start3A_146] : memref<40x128xi32, #tpu.memory_space<vmem>> -> memref<8x128xi32, #tpu.memory_space<vmem>>
        %dma_start3A_148 = arith.constant 0 : i32
        %dma_start3A_149 = tpu.memref_slice %arg3[%add3A_119, %dma_start3A_148] : memref<2560x128xi32, #tpu.memory_space<hbm>> -> memref<8x128xi32, #tpu.memory_space<hbm>>
        tpu.enqueue_dma source(%dma_start3A_149 : memref<8x128xi32, #tpu.memory_space<hbm>>) target(%dma_start3A_147 : memref<8x128xi32, #tpu.memory_space<vmem>>) target_semaphore(%run_scoped3A : memref<!tpu.dma_semaphore, #tpu.memory_space<semaphore_mem>>)
        %dma_wait3A = arith.constant 0 : i32
        %dma_wait3A_150 = arith.constant 0 : i32
        %dma_wait3A_151 = tpu.memref_slice %arg6[%dma_wait3A, %dma_wait3A_150] : memref<40x128xi32, #tpu.memory_space<vmem>> -> memref<8x128xi32, #tpu.memory_space<vmem>>
        %dma_wait3A_152 = arith.constant 0 : i32
        %dma_wait3A_153 = tpu.memref_slice %arg3[%add3A_119, %dma_wait3A_152] : memref<2560x128xi32, #tpu.memory_space<hbm>> -> memref<8x128xi32, #tpu.memory_space<hbm>>
        %dma_wait3A_154 = arith.constant 0 : i32
        %dma_wait3A_155 = arith.constant 0 : i32
        %dma_wait3A_156 = tpu.memref_slice %arg6[%dma_wait3A_154, %dma_wait3A_155] : memref<40x128xi32, #tpu.memory_space<vmem>> -> memref<8x128xi32, #tpu.memory_space<vmem>>
        %dma_wait3A_157 = arith.constant 0 : i32
        %dma_wait3A_158 = tpu.memref_slice %arg3[%add3A_119, %dma_wait3A_157] : memref<2560x128xi32, #tpu.memory_space<hbm>> -> memref<8x128xi32, #tpu.memory_space<hbm>>
        tpu.wait_dma2 semaphore(%run_scoped3A : memref<!tpu.dma_semaphore, #tpu.memory_space<semaphore_mem>>) src(%dma_wait3A_158 : memref<8x128xi32, #tpu.memory_space<hbm>>) dst(%dma_wait3A_156 : memref<8x128xi32, #tpu.memory_space<vmem>>)
        tpu.yield
      }) : () -> ()
      "tpu.region"() ({
        %run_scoped3A = tpu.sem_alloc : memref<!tpu.dma_semaphore, #tpu.memory_space<semaphore_mem>>
        %dma_start3A_140 = arith.constant 0 : i32
        %dma_start3A_141 = arith.constant 0 : i32
        %dma_start3A_142 = tpu.memref_slice %arg7[%dma_start3A_140, %dma_start3A_141] : memref<40x128xi32, #tpu.memory_space<vmem>> -> memref<8x128xi32, #tpu.memory_space<vmem>>
        %dma_start3A_143 = arith.constant 0 : i32
        %dma_start3A_144 = tpu.memref_slice %arg4[%add3A_119, %dma_start3A_143] : memref<2560x128xi32, #tpu.memory_space<hbm>> -> memref<8x128xi32, #tpu.memory_space<hbm>>
        %dma_start3A_145 = arith.constant 0 : i32
        %dma_start3A_146 = arith.constant 0 : i32
        %dma_start3A_147 = tpu.memref_slice %arg7[%dma_start3A_145, %dma_start3A_146] : memref<40x128xi32, #tpu.memory_space<vmem>> -> memref<8x128xi32, #tpu.memory_space<vmem>>
        %dma_start3A_148 = arith.constant 0 : i32
        %dma_start3A_149 = tpu.memref_slice %arg4[%add3A_119, %dma_start3A_148] : memref<2560x128xi32, #tpu.memory_space<hbm>> -> memref<8x128xi32, #tpu.memory_space<hbm>>
        tpu.enqueue_dma source(%dma_start3A_149 : memref<8x128xi32, #tpu.memory_space<hbm>>) target(%dma_start3A_147 : memref<8x128xi32, #tpu.memory_space<vmem>>) target_semaphore(%run_scoped3A : memref<!tpu.dma_semaphore, #tpu.memory_space<semaphore_mem>>)
        %dma_wait3A = arith.constant 0 : i32
        %dma_wait3A_150 = arith.constant 0 : i32
        %dma_wait3A_151 = tpu.memref_slice %arg7[%dma_wait3A, %dma_wait3A_150] : memref<40x128xi32, #tpu.memory_space<vmem>> -> memref<8x128xi32, #tpu.memory_space<vmem>>
        %dma_wait3A_152 = arith.constant 0 : i32
        %dma_wait3A_153 = tpu.memref_slice %arg4[%add3A_119, %dma_wait3A_152] : memref<2560x128xi32, #tpu.memory_space<hbm>> -> memref<8x128xi32, #tpu.memory_space<hbm>>
        %dma_wait3A_154 = arith.constant 0 : i32
        %dma_wait3A_155 = arith.constant 0 : i32
        %dma_wait3A_156 = tpu.memref_slice %arg7[%dma_wait3A_154, %dma_wait3A_155] : memref<40x128xi32, #tpu.memory_space<vmem>> -> memref<8x128xi32, #tpu.memory_space<vmem>>
        %dma_wait3A_157 = arith.constant 0 : i32
        %dma_wait3A_158 = tpu.memref_slice %arg4[%add3A_119, %dma_wait3A_157] : memref<2560x128xi32, #tpu.memory_space<hbm>> -> memref<8x128xi32, #tpu.memory_space<hbm>>
        tpu.wait_dma2 semaphore(%run_scoped3A : memref<!tpu.dma_semaphore, #tpu.memory_space<semaphore_mem>>) src(%dma_wait3A_158 : memref<8x128xi32, #tpu.memory_space<hbm>>) dst(%dma_wait3A_156 : memref<8x128xi32, #tpu.memory_space<vmem>>)
        tpu.yield
      }) : () -> ()
      %dma_start3A_120 = arith.constant 0 : i32
      %dma_start3A_121 = arith.constant 0 : i32
      %dma_start3A_122 = tpu.memref_slice %arg6[%dma_start3A_120, %dma_start3A_121] : memref<40x128xi32, #tpu.memory_space<vmem>> -> memref<1x128xi32, #tpu.memory_space<vmem>>
      %dma_start3A_123 = tpu.memref_squeeze %dma_start3A_122 : memref<1x128xi32, #tpu.memory_space<vmem>> -> memref<128xi32, #tpu.memory_space<vmem>>
      %dma_start3A_124 = arith.constant 0 : i32
      %dma_start3A_125 = arith.constant 0 : i32
      %dma_start3A_126 = tpu.memref_slice %arg2[%dma_start3A_124, %dma_start3A_125] : memref<40000x128xf32, #tpu.memory_space<hbm>> -> memref<40000x128xf32, #tpu.memory_space<hbm>>
      tpu.enqueue_indirect_dma source(%dma_start3A_126 : memref<40000x128xf32, #tpu.memory_space<hbm>>) target(%arg8 : memref<128x128xf32, #tpu.memory_space<vmem>>) offsets(%dma_start3A_123 : memref<128xi32, #tpu.memory_space<vmem>>) semaphore(%arg11 : memref<!tpu.dma_semaphore, #tpu.memory_space<semaphore_mem>>)
      %dma_start3A_127 = arith.constant 1 : i32
      %dma_start3A_128 = arith.constant 0 : i32
      %dma_start3A_129 = tpu.memref_slice %arg6[%dma_start3A_127, %dma_start3A_128] : memref<40x128xi32, #tpu.memory_space<vmem>> -> memref<1x128xi32, #tpu.memory_space<vmem>>
      %dma_start3A_130 = tpu.memref_squeeze %dma_start3A_129 : memref<1x128xi32, #tpu.memory_space<vmem>> -> memref<128xi32, #tpu.memory_space<vmem>>
      %dma_start3A_131 = arith.constant 0 : i32
      %dma_start3A_132 = arith.constant 0 : i32
      %dma_start3A_133 = tpu.memref_slice %arg2[%dma_start3A_131, %dma_start3A_132] : memref<40000x128xf32, #tpu.memory_space<hbm>> -> memref<40000x128xf32, #tpu.memory_space<hbm>>
      tpu.enqueue_indirect_dma source(%dma_start3A_133 : memref<40000x128xf32, #tpu.memory_space<hbm>>) target(%arg9 : memref<128x128xf32, #tpu.memory_space<vmem>>) offsets(%dma_start3A_130 : memref<128xi32, #tpu.memory_space<vmem>>) semaphore(%arg12 : memref<!tpu.dma_semaphore, #tpu.memory_space<semaphore_mem>>)
      %scan3A_134 = arith.constant 0 : i32
      %scan3A_135 = arith.constant 0 : i32
      %scan3A_136 = arith.constant 4 : i32
      %scan3A_137 = arith.addi %scan3A_135, %scan3A_136 : i32
      %scan3A_138 = arith.constant 1 : i32
      scf.for %scan3A_140 = %scan3A_135 to %scan3A_137 step %scan3A_138  : i32 {
        %mul3A_141 = arith.constant 2 : i32
        %mul3A_142 = arith.muli %mul3A_141, %scan3A_140 : i32
        %add3A_143 = arith.constant 0 : i32
        %add3A_144 = arith.addi %mul3A_142, %add3A_143 : i32
        %dma_wait3A = arith.constant 0 : i32
        %dma_wait3A_145 = tpu.memref_slice %arg6[%add3A_144, %dma_wait3A] : memref<40x128xi32, #tpu.memory_space<vmem>> -> memref<1x128xi32, #tpu.memory_space<vmem>>
        %dma_wait3A_146 = tpu.memref_squeeze %dma_wait3A_145 : memref<1x128xi32, #tpu.memory_space<vmem>> -> memref<128xi32, #tpu.memory_space<vmem>>
        %dma_wait3A_147 = arith.constant 0 : i32
        %dma_wait3A_148 = arith.constant 0 : i32
        %dma_wait3A_149 = tpu.memref_slice %arg2[%dma_wait3A_147, %dma_wait3A_148] : memref<40000x128xf32, #tpu.memory_space<hbm>> -> memref<40000x128xf32, #tpu.memory_space<hbm>>
        tpu.wait_indirect_dma semaphore(%arg11 : memref<!tpu.dma_semaphore, #tpu.memory_space<semaphore_mem>>) src(%dma_wait3A_149 : memref<40000x128xf32, #tpu.memory_space<hbm>>) dst(%arg8 : memref<128x128xf32, #tpu.memory_space<vmem>>)
        "tpu.region"() ({
          %run_scoped3A = tpu.sem_alloc : memref<!tpu.dma_semaphore, #tpu.memory_space<semaphore_mem>>
          %dma_start3A_173 = arith.constant 0 : i32
          %dma_start3A_174 = tpu.memref_slice %arg7[%add3A_144, %dma_start3A_173] : memref<40x128xi32, #tpu.memory_space<vmem>> -> memref<1x128xi32, #tpu.memory_space<vmem>>
          %dma_start3A_175 = tpu.memref_squeeze %dma_start3A_174 : memref<1x128xi32, #tpu.memory_space<vmem>> -> memref<128xi32, #tpu.memory_space<vmem>>
          %dma_start3A_176 = arith.constant 0 : i32
          %dma_start3A_177 = arith.constant 0 : i32
          %dma_start3A_178 = tpu.memref_slice %arg10[%dma_start3A_176, %dma_start3A_177] : memref<10240x128xf32, #tpu.memory_space<vmem_shared>> -> memref<10240x128xf32, #tpu.memory_space<vmem_shared>>
          tpu.enqueue_indirect_dma source(%arg8 : memref<128x128xf32, #tpu.memory_space<vmem>>) target(%dma_start3A_178 : memref<10240x128xf32, #tpu.memory_space<vmem_shared>>) offsets(%dma_start3A_175 : memref<128xi32, #tpu.memory_space<vmem>>) semaphore(%run_scoped3A : memref<!tpu.dma_semaphore, #tpu.memory_space<semaphore_mem>>) {add = true}
          %dma_wait3A_179 = arith.constant 0 : i32
          %dma_wait3A_180 = tpu.memref_slice %arg7[%add3A_144, %dma_wait3A_179] : memref<40x128xi32, #tpu.memory_space<vmem>> -> memref<1x128xi32, #tpu.memory_space<vmem>>
          %dma_wait3A_181 = tpu.memref_squeeze %dma_wait3A_180 : memref<1x128xi32, #tpu.memory_space<vmem>> -> memref<128xi32, #tpu.memory_space<vmem>>
          %dma_wait3A_182 = arith.constant 0 : i32
          %dma_wait3A_183 = arith.constant 0 : i32
          %dma_wait3A_184 = tpu.memref_slice %arg10[%dma_wait3A_182, %dma_wait3A_183] : memref<10240x128xf32, #tpu.memory_space<vmem_shared>> -> memref<10240x128xf32, #tpu.memory_space<vmem_shared>>
          tpu.wait_indirect_dma semaphore(%run_scoped3A : memref<!tpu.dma_semaphore, #tpu.memory_space<semaphore_mem>>) src(%arg8 : memref<128x128xf32, #tpu.memory_space<vmem>>) dst(%dma_wait3A_184 : memref<10240x128xf32, #tpu.memory_space<vmem_shared>>)
          tpu.yield
        }) : () -> ()
        %add3A_150 = arith.constant 2 : i32
        %add3A_151 = arith.addi %add3A_144, %add3A_150 : i32
        %lt3A = arith.constant 8 : i32
        %lt3A_152 = arith.cmpi slt, %add3A_151, %lt3A : i32
        %convert_element_type3A_153 = arith.extui %lt3A_152 : i1 to i32
        %cond3A_154 = arith.constant 0 : i32
        %cond3A_155 = arith.cmpi ne, %convert_element_type3A_153, %cond3A_154 : i32
        scf.if %cond3A_155 {
          %add3A_173 = arith.constant 2 : i32
          %add3A_174 = arith.addi %add3A_144, %add3A_173 : i32
          %dma_start3A_175 = arith.constant 0 : i32
          %dma_start3A_176 = tpu.memref_slice %arg6[%add3A_174, %dma_start3A_175] : memref<40x128xi32, #tpu.memory_space<vmem>> -> memref<1x128xi32, #tpu.memory_space<vmem>>
          %dma_start3A_177 = tpu.memref_squeeze %dma_start3A_176 : memref<1x128xi32, #tpu.memory_space<vmem>> -> memref<128xi32, #tpu.memory_space<vmem>>
          %dma_start3A_178 = arith.constant 0 : i32
          %dma_start3A_179 = arith.constant 0 : i32
          %dma_start3A_180 = tpu.memref_slice %arg2[%dma_start3A_178, %dma_start3A_179] : memref<40000x128xf32, #tpu.memory_space<hbm>> -> memref<40000x128xf32, #tpu.memory_space<hbm>>
          tpu.enqueue_indirect_dma source(%dma_start3A_180 : memref<40000x128xf32, #tpu.memory_space<hbm>>) target(%arg8 : memref<128x128xf32, #tpu.memory_space<vmem>>) offsets(%dma_start3A_177 : memref<128xi32, #tpu.memory_space<vmem>>) semaphore(%arg11 : memref<!tpu.dma_semaphore, #tpu.memory_space<semaphore_mem>>)
        } else {
        }
        %mul3A_156 = arith.constant 2 : i32
        %mul3A_157 = arith.muli %mul3A_156, %scan3A_140 : i32
        %add3A_158 = arith.constant 1 : i32
        %add3A_159 = arith.addi %mul3A_157, %add3A_158 : i32
        %dma_wait3A_160 = arith.constant 0 : i32
        %dma_wait3A_161 = tpu.memref_slice %arg6[%add3A_159, %dma_wait3A_160] : memref<40x128xi32, #tpu.memory_space<vmem>> -> memref<1x128xi32, #tpu.memory_space<vmem>>
        %dma_wait3A_162 = tpu.memref_squeeze %dma_wait3A_161 : memref<1x128xi32, #tpu.memory_space<vmem>> -> memref<128xi32, #tpu.memory_space<vmem>>
        %dma_wait3A_163 = arith.constant 0 : i32
        %dma_wait3A_164 = arith.constant 0 : i32
        %dma_wait3A_165 = tpu.memref_slice %arg2[%dma_wait3A_163, %dma_wait3A_164] : memref<40000x128xf32, #tpu.memory_space<hbm>> -> memref<40000x128xf32, #tpu.memory_space<hbm>>
        tpu.wait_indirect_dma semaphore(%arg12 : memref<!tpu.dma_semaphore, #tpu.memory_space<semaphore_mem>>) src(%dma_wait3A_165 : memref<40000x128xf32, #tpu.memory_space<hbm>>) dst(%arg9 : memref<128x128xf32, #tpu.memory_space<vmem>>)
        "tpu.region"() ({
          %run_scoped3A = tpu.sem_alloc : memref<!tpu.dma_semaphore, #tpu.memory_space<semaphore_mem>>
          %dma_start3A_173 = arith.constant 0 : i32
          %dma_start3A_174 = tpu.memref_slice %arg7[%add3A_159, %dma_start3A_173] : memref<40x128xi32, #tpu.memory_space<vmem>> -> memref<1x128xi32, #tpu.memory_space<vmem>>
          %dma_start3A_175 = tpu.memref_squeeze %dma_start3A_174 : memref<1x128xi32, #tpu.memory_space<vmem>> -> memref<128xi32, #tpu.memory_space<vmem>>
          %dma_start3A_176 = arith.constant 0 : i32
          %dma_start3A_177 = arith.constant 0 : i32
          %dma_start3A_178 = tpu.memref_slice %arg10[%dma_start3A_176, %dma_start3A_177] : memref<10240x128xf32, #tpu.memory_space<vmem_shared>> -> memref<10240x128xf32, #tpu.memory_space<vmem_shared>>
          tpu.enqueue_indirect_dma source(%arg9 : memref<128x128xf32, #tpu.memory_space<vmem>>) target(%dma_start3A_178 : memref<10240x128xf32, #tpu.memory_space<vmem_shared>>) offsets(%dma_start3A_175 : memref<128xi32, #tpu.memory_space<vmem>>) semaphore(%run_scoped3A : memref<!tpu.dma_semaphore, #tpu.memory_space<semaphore_mem>>) {add = true}
          %dma_wait3A_179 = arith.constant 0 : i32
          %dma_wait3A_180 = tpu.memref_slice %arg7[%add3A_159, %dma_wait3A_179] : memref<40x128xi32, #tpu.memory_space<vmem>> -> memref<1x128xi32, #tpu.memory_space<vmem>>
          %dma_wait3A_181 = tpu.memref_squeeze %dma_wait3A_180 : memref<1x128xi32, #tpu.memory_space<vmem>> -> memref<128xi32, #tpu.memory_space<vmem>>
          %dma_wait3A_182 = arith.constant 0 : i32
          %dma_wait3A_183 = arith.constant 0 : i32
          %dma_wait3A_184 = tpu.memref_slice %arg10[%dma_wait3A_182, %dma_wait3A_183] : memref<10240x128xf32, #tpu.memory_space<vmem_shared>> -> memref<10240x128xf32, #tpu.memory_space<vmem_shared>>
          tpu.wait_indirect_dma semaphore(%run_scoped3A : memref<!tpu.dma_semaphore, #tpu.memory_space<semaphore_mem>>) src(%arg9 : memref<128x128xf32, #tpu.memory_space<vmem>>) dst(%dma_wait3A_184 : memref<10240x128xf32, #tpu.memory_space<vmem_shared>>)
          tpu.yield
        }) : () -> ()
        %add3A_166 = arith.constant 2 : i32
        %add3A_167 = arith.addi %add3A_159, %add3A_166 : i32
        %lt3A_168 = arith.constant 8 : i32
        %lt3A_169 = arith.cmpi slt, %add3A_167, %lt3A_168 : i32
        %convert_element_type3A_170 = arith.extui %lt3A_169 : i1 to i32
        %cond3A_171 = arith.constant 0 : i32
        %cond3A_172 = arith.cmpi ne, %convert_element_type3A_170, %cond3A_171 : i32
        scf.if %cond3A_172 {
          %add3A_173 = arith.constant 2 : i32
          %add3A_174 = arith.addi %add3A_159, %add3A_173 : i32
          %dma_start3A_175 = arith.constant 0 : i32
          %dma_start3A_176 = tpu.memref_slice %arg6[%add3A_174, %dma_start3A_175] : memref<40x128xi32, #tpu.memory_space<vmem>> -> memref<1x128xi32, #tpu.memory_space<vmem>>
          %dma_start3A_177 = tpu.memref_squeeze %dma_start3A_176 : memref<1x128xi32, #tpu.memory_space<vmem>> -> memref<128xi32, #tpu.memory_space<vmem>>
          %dma_start3A_178 = arith.constant 0 : i32
          %dma_start3A_179 = arith.constant 0 : i32
          %dma_start3A_180 = tpu.memref_slice %arg2[%dma_start3A_178, %dma_start3A_179] : memref<40000x128xf32, #tpu.memory_space<hbm>> -> memref<40000x128xf32, #tpu.memory_space<hbm>>
          tpu.enqueue_indirect_dma source(%dma_start3A_180 : memref<40000x128xf32, #tpu.memory_space<hbm>>) target(%arg9 : memref<128x128xf32, #tpu.memory_space<vmem>>) offsets(%dma_start3A_177 : memref<128xi32, #tpu.memory_space<vmem>>) semaphore(%arg12 : memref<!tpu.dma_semaphore, #tpu.memory_space<semaphore_mem>>)
        } else {
        }
      }
      %scan3A_139 = arith.constant 4 : i32
    } else {
    }
    %eq3A_25 = arith.constant 1 : i32
    %eq3A_26 = arith.cmpi eq, %arg0, %eq3A_25 : i32
    %convert_element_type3A_27 = arith.extui %eq3A_26 : i1 to i32
    %cond3A_28 = arith.constant 0 : i32
    %cond3A_29 = arith.cmpi ne, %convert_element_type3A_27, %cond3A_28 : i32
    scf.if %cond3A_29 {
      %mul3A_51 = arith.constant 32 : i32
      %mul3A_52 = arith.muli %arg1, %mul3A_51 : i32
      %add3A_53 = arith.constant 2048 : i32
      %add3A_54 = arith.addi %add3A_53, %mul3A_52 : i32
      %add3A_55 = arith.constant 0 : i32
      %add3A_56 = arith.addi %add3A_54, %add3A_55 : i32
      "tpu.region"() ({
        %run_scoped3A = tpu.sem_alloc : memref<!tpu.dma_semaphore, #tpu.memory_space<semaphore_mem>>
        %dma_start3A_76 = arith.constant 0 : i32
        %dma_start3A_77 = arith.constant 0 : i32
        %dma_start3A_78 = tpu.memref_slice %arg6[%dma_start3A_76, %dma_start3A_77] : memref<40x128xi32, #tpu.memory_space<vmem>> -> memref<32x128xi32, #tpu.memory_space<vmem>>
        %dma_start3A_79 = arith.constant 0 : i32
        %dma_start3A_80 = tpu.memref_slice %arg3[%add3A_56, %dma_start3A_79] : memref<2560x128xi32, #tpu.memory_space<hbm>> -> memref<32x128xi32, #tpu.memory_space<hbm>>
        %dma_start3A_81 = arith.constant 0 : i32
        %dma_start3A_82 = arith.constant 0 : i32
        %dma_start3A_83 = tpu.memref_slice %arg6[%dma_start3A_81, %dma_start3A_82] : memref<40x128xi32, #tpu.memory_space<vmem>> -> memref<32x128xi32, #tpu.memory_space<vmem>>
        %dma_start3A_84 = arith.constant 0 : i32
        %dma_start3A_85 = tpu.memref_slice %arg3[%add3A_56, %dma_start3A_84] : memref<2560x128xi32, #tpu.memory_space<hbm>> -> memref<32x128xi32, #tpu.memory_space<hbm>>
        tpu.enqueue_dma source(%dma_start3A_85 : memref<32x128xi32, #tpu.memory_space<hbm>>) target(%dma_start3A_83 : memref<32x128xi32, #tpu.memory_space<vmem>>) target_semaphore(%run_scoped3A : memref<!tpu.dma_semaphore, #tpu.memory_space<semaphore_mem>>)
        %dma_wait3A = arith.constant 0 : i32
        %dma_wait3A_86 = arith.constant 0 : i32
        %dma_wait3A_87 = tpu.memref_slice %arg6[%dma_wait3A, %dma_wait3A_86] : memref<40x128xi32, #tpu.memory_space<vmem>> -> memref<32x128xi32, #tpu.memory_space<vmem>>
        %dma_wait3A_88 = arith.constant 0 : i32
        %dma_wait3A_89 = tpu.memref_slice %arg3[%add3A_56, %dma_wait3A_88] : memref<2560x128xi32, #tpu.memory_space<hbm>> -> memref<32x128xi32, #tpu.memory_space<hbm>>
        %dma_wait3A_90 = arith.constant 0 : i32
        %dma_wait3A_91 = arith.constant 0 : i32
        %dma_wait3A_92 = tpu.memref_slice %arg6[%dma_wait3A_90, %dma_wait3A_91] : memref<40x128xi32, #tpu.memory_space<vmem>> -> memref<32x128xi32, #tpu.memory_space<vmem>>
        %dma_wait3A_93 = arith.constant 0 : i32
        %dma_wait3A_94 = tpu.memref_slice %arg3[%add3A_56, %dma_wait3A_93] : memref<2560x128xi32, #tpu.memory_space<hbm>> -> memref<32x128xi32, #tpu.memory_space<hbm>>
        tpu.wait_dma2 semaphore(%run_scoped3A : memref<!tpu.dma_semaphore, #tpu.memory_space<semaphore_mem>>) src(%dma_wait3A_94 : memref<32x128xi32, #tpu.memory_space<hbm>>) dst(%dma_wait3A_92 : memref<32x128xi32, #tpu.memory_space<vmem>>)
        tpu.yield
      }) : () -> ()
      "tpu.region"() ({
        %run_scoped3A = tpu.sem_alloc : memref<!tpu.dma_semaphore, #tpu.memory_space<semaphore_mem>>
        %dma_start3A_76 = arith.constant 0 : i32
        %dma_start3A_77 = arith.constant 0 : i32
        %dma_start3A_78 = tpu.memref_slice %arg7[%dma_start3A_76, %dma_start3A_77] : memref<40x128xi32, #tpu.memory_space<vmem>> -> memref<32x128xi32, #tpu.memory_space<vmem>>
        %dma_start3A_79 = arith.constant 0 : i32
        %dma_start3A_80 = tpu.memref_slice %arg4[%add3A_56, %dma_start3A_79] : memref<2560x128xi32, #tpu.memory_space<hbm>> -> memref<32x128xi32, #tpu.memory_space<hbm>>
        %dma_start3A_81 = arith.constant 0 : i32
        %dma_start3A_82 = arith.constant 0 : i32
        %dma_start3A_83 = tpu.memref_slice %arg7[%dma_start3A_81, %dma_start3A_82] : memref<40x128xi32, #tpu.memory_space<vmem>> -> memref<32x128xi32, #tpu.memory_space<vmem>>
        %dma_start3A_84 = arith.constant 0 : i32
        %dma_start3A_85 = tpu.memref_slice %arg4[%add3A_56, %dma_start3A_84] : memref<2560x128xi32, #tpu.memory_space<hbm>> -> memref<32x128xi32, #tpu.memory_space<hbm>>
        tpu.enqueue_dma source(%dma_start3A_85 : memref<32x128xi32, #tpu.memory_space<hbm>>) target(%dma_start3A_83 : memref<32x128xi32, #tpu.memory_space<vmem>>) target_semaphore(%run_scoped3A : memref<!tpu.dma_semaphore, #tpu.memory_space<semaphore_mem>>)
        %dma_wait3A = arith.constant 0 : i32
        %dma_wait3A_86 = arith.constant 0 : i32
        %dma_wait3A_87 = tpu.memref_slice %arg7[%dma_wait3A, %dma_wait3A_86] : memref<40x128xi32, #tpu.memory_space<vmem>> -> memref<32x128xi32, #tpu.memory_space<vmem>>
        %dma_wait3A_88 = arith.constant 0 : i32
        %dma_wait3A_89 = tpu.memref_slice %arg4[%add3A_56, %dma_wait3A_88] : memref<2560x128xi32, #tpu.memory_space<hbm>> -> memref<32x128xi32, #tpu.memory_space<hbm>>
        %dma_wait3A_90 = arith.constant 0 : i32
        %dma_wait3A_91 = arith.constant 0 : i32
        %dma_wait3A_92 = tpu.memref_slice %arg7[%dma_wait3A_90, %dma_wait3A_91] : memref<40x128xi32, #tpu.memory_space<vmem>> -> memref<32x128xi32, #tpu.memory_space<vmem>>
        %dma_wait3A_93 = arith.constant 0 : i32
        %dma_wait3A_94 = tpu.memref_slice %arg4[%add3A_56, %dma_wait3A_93] : memref<2560x128xi32, #tpu.memory_space<hbm>> -> memref<32x128xi32, #tpu.memory_space<hbm>>
        tpu.wait_dma2 semaphore(%run_scoped3A : memref<!tpu.dma_semaphore, #tpu.memory_space<semaphore_mem>>) src(%dma_wait3A_94 : memref<32x128xi32, #tpu.memory_space<hbm>>) dst(%dma_wait3A_92 : memref<32x128xi32, #tpu.memory_space<vmem>>)
        tpu.yield
      }) : () -> ()
      %dma_start3A = arith.constant 0 : i32
      %dma_start3A_57 = arith.constant 0 : i32
      %dma_start3A_58 = tpu.memref_slice %arg6[%dma_start3A, %dma_start3A_57] : memref<40x128xi32, #tpu.memory_space<vmem>> -> memref<1x128xi32, #tpu.memory_space<vmem>>
      %dma_start3A_59 = tpu.memref_squeeze %dma_start3A_58 : memref<1x128xi32, #tpu.memory_space<vmem>> -> memref<128xi32, #tpu.memory_space<vmem>>
      %dma_start3A_60 = arith.constant 0 : i32
      %dma_start3A_61 = arith.constant 0 : i32
      %dma_start3A_62 = tpu.memref_slice %arg2[%dma_start3A_60, %dma_start3A_61] : memref<40000x128xf32, #tpu.memory_space<hbm>> -> memref<40000x128xf32, #tpu.memory_space<hbm>>
      tpu.enqueue_indirect_dma source(%dma_start3A_62 : memref<40000x128xf32, #tpu.memory_space<hbm>>) target(%arg8 : memref<128x128xf32, #tpu.memory_space<vmem>>) offsets(%dma_start3A_59 : memref<128xi32, #tpu.memory_space<vmem>>) semaphore(%arg11 : memref<!tpu.dma_semaphore, #tpu.memory_space<semaphore_mem>>)
      %dma_start3A_63 = arith.constant 1 : i32
      %dma_start3A_64 = arith.constant 0 : i32
      %dma_start3A_65 = tpu.memref_slice %arg6[%dma_start3A_63, %dma_start3A_64] : memref<40x128xi32, #tpu.memory_space<vmem>> -> memref<1x128xi32, #tpu.memory_space<vmem>>
      %dma_start3A_66 = tpu.memref_squeeze %dma_start3A_65 : memref<1x128xi32, #tpu.memory_space<vmem>> -> memref<128xi32, #tpu.memory_space<vmem>>
      %dma_start3A_67 = arith.constant 0 : i32
      %dma_start3A_68 = arith.constant 0 : i32
      %dma_start3A_69 = tpu.memref_slice %arg2[%dma_start3A_67, %dma_start3A_68] : memref<40000x128xf32, #tpu.memory_space<hbm>> -> memref<40000x128xf32, #tpu.memory_space<hbm>>
      tpu.enqueue_indirect_dma source(%dma_start3A_69 : memref<40000x128xf32, #tpu.memory_space<hbm>>) target(%arg9 : memref<128x128xf32, #tpu.memory_space<vmem>>) offsets(%dma_start3A_66 : memref<128xi32, #tpu.memory_space<vmem>>) semaphore(%arg12 : memref<!tpu.dma_semaphore, #tpu.memory_space<semaphore_mem>>)
      %scan3A_70 = arith.constant 0 : i32
      %scan3A_71 = arith.constant 0 : i32
      %scan3A_72 = arith.constant 16 : i32
      %scan3A_73 = arith.addi %scan3A_71, %scan3A_72 : i32
      %scan3A_74 = arith.constant 1 : i32
      scf.for %scan3A_76 = %scan3A_71 to %scan3A_73 step %scan3A_74  : i32 {
        %mul3A_77 = arith.constant 2 : i32
        %mul3A_78 = arith.muli %mul3A_77, %scan3A_76 : i32
        %add3A_79 = arith.constant 0 : i32
        %add3A_80 = arith.addi %mul3A_78, %add3A_79 : i32
        %dma_wait3A = arith.constant 0 : i32
        %dma_wait3A_81 = tpu.memref_slice %arg6[%add3A_80, %dma_wait3A] : memref<40x128xi32, #tpu.memory_space<vmem>> -> memref<1x128xi32, #tpu.memory_space<vmem>>
        %dma_wait3A_82 = tpu.memref_squeeze %dma_wait3A_81 : memref<1x128xi32, #tpu.memory_space<vmem>> -> memref<128xi32, #tpu.memory_space<vmem>>
        %dma_wait3A_83 = arith.constant 0 : i32
        %dma_wait3A_84 = arith.constant 0 : i32
        %dma_wait3A_85 = tpu.memref_slice %arg2[%dma_wait3A_83, %dma_wait3A_84] : memref<40000x128xf32, #tpu.memory_space<hbm>> -> memref<40000x128xf32, #tpu.memory_space<hbm>>
        tpu.wait_indirect_dma semaphore(%arg11 : memref<!tpu.dma_semaphore, #tpu.memory_space<semaphore_mem>>) src(%dma_wait3A_85 : memref<40000x128xf32, #tpu.memory_space<hbm>>) dst(%arg8 : memref<128x128xf32, #tpu.memory_space<vmem>>)
        "tpu.region"() ({
          %run_scoped3A = tpu.sem_alloc : memref<!tpu.dma_semaphore, #tpu.memory_space<semaphore_mem>>
          %dma_start3A_109 = arith.constant 0 : i32
          %dma_start3A_110 = tpu.memref_slice %arg7[%add3A_80, %dma_start3A_109] : memref<40x128xi32, #tpu.memory_space<vmem>> -> memref<1x128xi32, #tpu.memory_space<vmem>>
          %dma_start3A_111 = tpu.memref_squeeze %dma_start3A_110 : memref<1x128xi32, #tpu.memory_space<vmem>> -> memref<128xi32, #tpu.memory_space<vmem>>
          %dma_start3A_112 = arith.constant 0 : i32
          %dma_start3A_113 = arith.constant 0 : i32
          %dma_start3A_114 = tpu.memref_slice %arg10[%dma_start3A_112, %dma_start3A_113] : memref<10240x128xf32, #tpu.memory_space<vmem_shared>> -> memref<10240x128xf32, #tpu.memory_space<vmem_shared>>
          tpu.enqueue_indirect_dma source(%arg8 : memref<128x128xf32, #tpu.memory_space<vmem>>) target(%dma_start3A_114 : memref<10240x128xf32, #tpu.memory_space<vmem_shared>>) offsets(%dma_start3A_111 : memref<128xi32, #tpu.memory_space<vmem>>) semaphore(%run_scoped3A : memref<!tpu.dma_semaphore, #tpu.memory_space<semaphore_mem>>) {add = true}
          %dma_wait3A_115 = arith.constant 0 : i32
          %dma_wait3A_116 = tpu.memref_slice %arg7[%add3A_80, %dma_wait3A_115] : memref<40x128xi32, #tpu.memory_space<vmem>> -> memref<1x128xi32, #tpu.memory_space<vmem>>
          %dma_wait3A_117 = tpu.memref_squeeze %dma_wait3A_116 : memref<1x128xi32, #tpu.memory_space<vmem>> -> memref<128xi32, #tpu.memory_space<vmem>>
          %dma_wait3A_118 = arith.constant 0 : i32
          %dma_wait3A_119 = arith.constant 0 : i32
          %dma_wait3A_120 = tpu.memref_slice %arg10[%dma_wait3A_118, %dma_wait3A_119] : memref<10240x128xf32, #tpu.memory_space<vmem_shared>> -> memref<10240x128xf32, #tpu.memory_space<vmem_shared>>
          tpu.wait_indirect_dma semaphore(%run_scoped3A : memref<!tpu.dma_semaphore, #tpu.memory_space<semaphore_mem>>) src(%arg8 : memref<128x128xf32, #tpu.memory_space<vmem>>) dst(%dma_wait3A_120 : memref<10240x128xf32, #tpu.memory_space<vmem_shared>>)
          tpu.yield
        }) : () -> ()
        %add3A_86 = arith.constant 2 : i32
        %add3A_87 = arith.addi %add3A_80, %add3A_86 : i32
        %lt3A = arith.constant 32 : i32
        %lt3A_88 = arith.cmpi slt, %add3A_87, %lt3A : i32
        %convert_element_type3A_89 = arith.extui %lt3A_88 : i1 to i32
        %cond3A_90 = arith.constant 0 : i32
        %cond3A_91 = arith.cmpi ne, %convert_element_type3A_89, %cond3A_90 : i32
        scf.if %cond3A_91 {
          %add3A_109 = arith.constant 2 : i32
          %add3A_110 = arith.addi %add3A_80, %add3A_109 : i32
          %dma_start3A_111 = arith.constant 0 : i32
          %dma_start3A_112 = tpu.memref_slice %arg6[%add3A_110, %dma_start3A_111] : memref<40x128xi32, #tpu.memory_space<vmem>> -> memref<1x128xi32, #tpu.memory_space<vmem>>
          %dma_start3A_113 = tpu.memref_squeeze %dma_start3A_112 : memref<1x128xi32, #tpu.memory_space<vmem>> -> memref<128xi32, #tpu.memory_space<vmem>>
          %dma_start3A_114 = arith.constant 0 : i32
          %dma_start3A_115 = arith.constant 0 : i32
          %dma_start3A_116 = tpu.memref_slice %arg2[%dma_start3A_114, %dma_start3A_115] : memref<40000x128xf32, #tpu.memory_space<hbm>> -> memref<40000x128xf32, #tpu.memory_space<hbm>>
          tpu.enqueue_indirect_dma source(%dma_start3A_116 : memref<40000x128xf32, #tpu.memory_space<hbm>>) target(%arg8 : memref<128x128xf32, #tpu.memory_space<vmem>>) offsets(%dma_start3A_113 : memref<128xi32, #tpu.memory_space<vmem>>) semaphore(%arg11 : memref<!tpu.dma_semaphore, #tpu.memory_space<semaphore_mem>>)
        } else {
        }
        %mul3A_92 = arith.constant 2 : i32
        %mul3A_93 = arith.muli %mul3A_92, %scan3A_76 : i32
        %add3A_94 = arith.constant 1 : i32
        %add3A_95 = arith.addi %mul3A_93, %add3A_94 : i32
        %dma_wait3A_96 = arith.constant 0 : i32
        %dma_wait3A_97 = tpu.memref_slice %arg6[%add3A_95, %dma_wait3A_96] : memref<40x128xi32, #tpu.memory_space<vmem>> -> memref<1x128xi32, #tpu.memory_space<vmem>>
        %dma_wait3A_98 = tpu.memref_squeeze %dma_wait3A_97 : memref<1x128xi32, #tpu.memory_space<vmem>> -> memref<128xi32, #tpu.memory_space<vmem>>
        %dma_wait3A_99 = arith.constant 0 : i32
        %dma_wait3A_100 = arith.constant 0 : i32
        %dma_wait3A_101 = tpu.memref_slice %arg2[%dma_wait3A_99, %dma_wait3A_100] : memref<40000x128xf32, #tpu.memory_space<hbm>> -> memref<40000x128xf32, #tpu.memory_space<hbm>>
        tpu.wait_indirect_dma semaphore(%arg12 : memref<!tpu.dma_semaphore, #tpu.memory_space<semaphore_mem>>) src(%dma_wait3A_101 : memref<40000x128xf32, #tpu.memory_space<hbm>>) dst(%arg9 : memref<128x128xf32, #tpu.memory_space<vmem>>)
        "tpu.region"() ({
          %run_scoped3A = tpu.sem_alloc : memref<!tpu.dma_semaphore, #tpu.memory_space<semaphore_mem>>
          %dma_start3A_109 = arith.constant 0 : i32
          %dma_start3A_110 = tpu.memref_slice %arg7[%add3A_95, %dma_start3A_109] : memref<40x128xi32, #tpu.memory_space<vmem>> -> memref<1x128xi32, #tpu.memory_space<vmem>>
          %dma_start3A_111 = tpu.memref_squeeze %dma_start3A_110 : memref<1x128xi32, #tpu.memory_space<vmem>> -> memref<128xi32, #tpu.memory_space<vmem>>
          %dma_start3A_112 = arith.constant 0 : i32
          %dma_start3A_113 = arith.constant 0 : i32
          %dma_start3A_114 = tpu.memref_slice %arg10[%dma_start3A_112, %dma_start3A_113] : memref<10240x128xf32, #tpu.memory_space<vmem_shared>> -> memref<10240x128xf32, #tpu.memory_space<vmem_shared>>
          tpu.enqueue_indirect_dma source(%arg9 : memref<128x128xf32, #tpu.memory_space<vmem>>) target(%dma_start3A_114 : memref<10240x128xf32, #tpu.memory_space<vmem_shared>>) offsets(%dma_start3A_111 : memref<128xi32, #tpu.memory_space<vmem>>) semaphore(%run_scoped3A : memref<!tpu.dma_semaphore, #tpu.memory_space<semaphore_mem>>) {add = true}
          %dma_wait3A_115 = arith.constant 0 : i32
          %dma_wait3A_116 = tpu.memref_slice %arg7[%add3A_95, %dma_wait3A_115] : memref<40x128xi32, #tpu.memory_space<vmem>> -> memref<1x128xi32, #tpu.memory_space<vmem>>
          %dma_wait3A_117 = tpu.memref_squeeze %dma_wait3A_116 : memref<1x128xi32, #tpu.memory_space<vmem>> -> memref<128xi32, #tpu.memory_space<vmem>>
          %dma_wait3A_118 = arith.constant 0 : i32
          %dma_wait3A_119 = arith.constant 0 : i32
          %dma_wait3A_120 = tpu.memref_slice %arg10[%dma_wait3A_118, %dma_wait3A_119] : memref<10240x128xf32, #tpu.memory_space<vmem_shared>> -> memref<10240x128xf32, #tpu.memory_space<vmem_shared>>
          tpu.wait_indirect_dma semaphore(%run_scoped3A : memref<!tpu.dma_semaphore, #tpu.memory_space<semaphore_mem>>) src(%arg9 : memref<128x128xf32, #tpu.memory_space<vmem>>) dst(%dma_wait3A_120 : memref<10240x128xf32, #tpu.memory_space<vmem_shared>>)
          tpu.yield
        }) : () -> ()
        %add3A_102 = arith.constant 2 : i32
        %add3A_103 = arith.addi %add3A_95, %add3A_102 : i32
        %lt3A_104 = arith.constant 32 : i32
        %lt3A_105 = arith.cmpi slt, %add3A_103, %lt3A_104 : i32
        %convert_element_type3A_106 = arith.extui %lt3A_105 : i1 to i32
        %cond3A_107 = arith.constant 0 : i32
        %cond3A_108 = arith.cmpi ne, %convert_element_type3A_106, %cond3A_107 : i32
        scf.if %cond3A_108 {
          %add3A_109 = arith.constant 2 : i32
          %add3A_110 = arith.addi %add3A_95, %add3A_109 : i32
          %dma_start3A_111 = arith.constant 0 : i32
          %dma_start3A_112 = tpu.memref_slice %arg6[%add3A_110, %dma_start3A_111] : memref<40x128xi32, #tpu.memory_space<vmem>> -> memref<1x128xi32, #tpu.memory_space<vmem>>
          %dma_start3A_113 = tpu.memref_squeeze %dma_start3A_112 : memref<1x128xi32, #tpu.memory_space<vmem>> -> memref<128xi32, #tpu.memory_space<vmem>>
          %dma_start3A_114 = arith.constant 0 : i32
          %dma_start3A_115 = arith.constant 0 : i32
          %dma_start3A_116 = tpu.memref_slice %arg2[%dma_start3A_114, %dma_start3A_115] : memref<40000x128xf32, #tpu.memory_space<hbm>> -> memref<40000x128xf32, #tpu.memory_space<hbm>>
          tpu.enqueue_indirect_dma source(%dma_start3A_116 : memref<40000x128xf32, #tpu.memory_space<hbm>>) target(%arg9 : memref<128x128xf32, #tpu.memory_space<vmem>>) offsets(%dma_start3A_113 : memref<128xi32, #tpu.memory_space<vmem>>) semaphore(%arg12 : memref<!tpu.dma_semaphore, #tpu.memory_space<semaphore_mem>>)
        } else {
        }
      }
      %scan3A_75 = arith.constant 16 : i32
    } else {
    }
    %barrier3A_30 = arith.constant 0 : index
    tpu.barrier barrier_id(%barrier3A_30)
    %mul3A_31 = arith.constant 640 : i32
    %mul3A_32 = arith.muli %arg1, %mul3A_31 : i32
    %add3A_33 = arith.constant 0 : i32
    %add3A_34 = arith.addi %mul3A_32, %add3A_33 : i32
    "tpu.region"() ({
      %run_scoped3A = tpu.sem_alloc : memref<!tpu.dma_semaphore, #tpu.memory_space<semaphore_mem>>
      %dma_start3A = arith.constant 0 : i32
      %dma_start3A_51 = tpu.memref_slice %arg10[%add3A_34, %dma_start3A] : memref<10240x128xf32, #tpu.memory_space<vmem_shared>> -> memref<128x128xf32, #tpu.memory_space<vmem_shared>>
      %dma_start3A_52 = arith.constant 0 : i32
      %dma_start3A_53 = tpu.memref_slice %arg10[%add3A_34, %dma_start3A_52] : memref<10240x128xf32, #tpu.memory_space<vmem_shared>> -> memref<128x128xf32, #tpu.memory_space<vmem_shared>>
      tpu.enqueue_dma source(%dma_start3A_53 : memref<128x128xf32, #tpu.memory_space<vmem_shared>>) target(%arg8 : memref<128x128xf32, #tpu.memory_space<vmem>>) target_semaphore(%run_scoped3A : memref<!tpu.dma_semaphore, #tpu.memory_space<semaphore_mem>>)
      %dma_wait3A = arith.constant 0 : i32
      %dma_wait3A_54 = tpu.memref_slice %arg10[%add3A_34, %dma_wait3A] : memref<10240x128xf32, #tpu.memory_space<vmem_shared>> -> memref<128x128xf32, #tpu.memory_space<vmem_shared>>
      %dma_wait3A_55 = arith.constant 0 : i32
      %dma_wait3A_56 = tpu.memref_slice %arg10[%add3A_34, %dma_wait3A_55] : memref<10240x128xf32, #tpu.memory_space<vmem_shared>> -> memref<128x128xf32, #tpu.memory_space<vmem_shared>>
      tpu.wait_dma2 semaphore(%run_scoped3A : memref<!tpu.dma_semaphore, #tpu.memory_space<semaphore_mem>>) src(%dma_wait3A_56 : memref<128x128xf32, #tpu.memory_space<vmem_shared>>) dst(%arg8 : memref<128x128xf32, #tpu.memory_space<vmem>>)
      tpu.yield
    }) : () -> ()
    "tpu.region"() ({
      %run_scoped3A = tpu.sem_alloc : memref<!tpu.dma_semaphore, #tpu.memory_space<semaphore_mem>>
      %dma_start3A = arith.constant 0 : i32
      %dma_start3A_51 = tpu.memref_slice %arg5[%arg0, %add3A_34, %dma_start3A] : memref<2x10240x128xf32, #tpu.memory_space<hbm>> -> memref<1x128x128xf32, #tpu.memory_space<hbm>>
      %dma_start3A_52 = tpu.memref_squeeze %dma_start3A_51 : memref<1x128x128xf32, #tpu.memory_space<hbm>> -> memref<128x128xf32, #tpu.memory_space<hbm>>
      %dma_start3A_53 = arith.constant 0 : i32
      %dma_start3A_54 = tpu.memref_slice %arg5[%arg0, %add3A_34, %dma_start3A_53] : memref<2x10240x128xf32, #tpu.memory_space<hbm>> -> memref<1x128x128xf32, #tpu.memory_space<hbm>>
      %dma_start3A_55 = tpu.memref_squeeze %dma_start3A_54 : memref<1x128x128xf32, #tpu.memory_space<hbm>> -> memref<128x128xf32, #tpu.memory_space<hbm>>
      tpu.enqueue_dma source(%arg8 : memref<128x128xf32, #tpu.memory_space<vmem>>) target(%dma_start3A_55 : memref<128x128xf32, #tpu.memory_space<hbm>>) target_semaphore(%run_scoped3A : memref<!tpu.dma_semaphore, #tpu.memory_space<semaphore_mem>>)
      %dma_wait3A = arith.constant 0 : i32
      %dma_wait3A_56 = tpu.memref_slice %arg5[%arg0, %add3A_34, %dma_wait3A] : memref<2x10240x128xf32, #tpu.memory_space<hbm>> -> memref<1x128x128xf32, #tpu.memory_space<hbm>>
      %dma_wait3A_57 = tpu.memref_squeeze %dma_wait3A_56 : memref<1x128x128xf32, #tpu.memory_space<hbm>> -> memref<128x128xf32, #tpu.memory_space<hbm>>
      %dma_wait3A_58 = arith.constant 0 : i32
      %dma_wait3A_59 = tpu.memref_slice %arg5[%arg0, %add3A_34, %dma_wait3A_58] : memref<2x10240x128xf32, #tpu.memory_space<hbm>> -> memref<1x128x128xf32, #tpu.memory_space<hbm>>
      %dma_wait3A_60 = tpu.memref_squeeze %dma_wait3A_59 : memref<1x128x128xf32, #tpu.memory_space<hbm>> -> memref<128x128xf32, #tpu.memory_space<hbm>>
      tpu.wait_dma2 semaphore(%run_scoped3A : memref<!tpu.dma_semaphore, #tpu.memory_space<semaphore_mem>>) src(%arg8 : memref<128x128xf32, #tpu.memory_space<vmem>>) dst(%dma_wait3A_60 : memref<128x128xf32, #tpu.memory_space<hbm>>)
      tpu.yield
    }) : () -> ()
    %mul3A_35 = arith.constant 640 : i32
    %mul3A_36 = arith.muli %arg1, %mul3A_35 : i32
    %add3A_37 = arith.constant 128 : i32
    %add3A_38 = arith.addi %mul3A_36, %add3A_37 : i32
    "tpu.region"() ({
      %run_scoped3A = tpu.sem_alloc : memref<!tpu.dma_semaphore, #tpu.memory_space<semaphore_mem>>
      %dma_start3A = arith.constant 0 : i32
      %dma_start3A_51 = tpu.memref_slice %arg10[%add3A_38, %dma_start3A] : memref<10240x128xf32, #tpu.memory_space<vmem_shared>> -> memref<128x128xf32, #tpu.memory_space<vmem_shared>>
      %dma_start3A_52 = arith.constant 0 : i32
      %dma_start3A_53 = tpu.memref_slice %arg10[%add3A_38, %dma_start3A_52] : memref<10240x128xf32, #tpu.memory_space<vmem_shared>> -> memref<128x128xf32, #tpu.memory_space<vmem_shared>>
      tpu.enqueue_dma source(%dma_start3A_53 : memref<128x128xf32, #tpu.memory_space<vmem_shared>>) target(%arg8 : memref<128x128xf32, #tpu.memory_space<vmem>>) target_semaphore(%run_scoped3A : memref<!tpu.dma_semaphore, #tpu.memory_space<semaphore_mem>>)
      %dma_wait3A = arith.constant 0 : i32
      %dma_wait3A_54 = tpu.memref_slice %arg10[%add3A_38, %dma_wait3A] : memref<10240x128xf32, #tpu.memory_space<vmem_shared>> -> memref<128x128xf32, #tpu.memory_space<vmem_shared>>
      %dma_wait3A_55 = arith.constant 0 : i32
      %dma_wait3A_56 = tpu.memref_slice %arg10[%add3A_38, %dma_wait3A_55] : memref<10240x128xf32, #tpu.memory_space<vmem_shared>> -> memref<128x128xf32, #tpu.memory_space<vmem_shared>>
      tpu.wait_dma2 semaphore(%run_scoped3A : memref<!tpu.dma_semaphore, #tpu.memory_space<semaphore_mem>>) src(%dma_wait3A_56 : memref<128x128xf32, #tpu.memory_space<vmem_shared>>) dst(%arg8 : memref<128x128xf32, #tpu.memory_space<vmem>>)
      tpu.yield
    }) : () -> ()
    "tpu.region"() ({
      %run_scoped3A = tpu.sem_alloc : memref<!tpu.dma_semaphore, #tpu.memory_space<semaphore_mem>>
      %dma_start3A = arith.constant 0 : i32
      %dma_start3A_51 = tpu.memref_slice %arg5[%arg0, %add3A_38, %dma_start3A] : memref<2x10240x128xf32, #tpu.memory_space<hbm>> -> memref<1x128x128xf32, #tpu.memory_space<hbm>>
      %dma_start3A_52 = tpu.memref_squeeze %dma_start3A_51 : memref<1x128x128xf32, #tpu.memory_space<hbm>> -> memref<128x128xf32, #tpu.memory_space<hbm>>
      %dma_start3A_53 = arith.constant 0 : i32
      %dma_start3A_54 = tpu.memref_slice %arg5[%arg0, %add3A_38, %dma_start3A_53] : memref<2x10240x128xf32, #tpu.memory_space<hbm>> -> memref<1x128x128xf32, #tpu.memory_space<hbm>>
      %dma_start3A_55 = tpu.memref_squeeze %dma_start3A_54 : memref<1x128x128xf32, #tpu.memory_space<hbm>> -> memref<128x128xf32, #tpu.memory_space<hbm>>
      tpu.enqueue_dma source(%arg8 : memref<128x128xf32, #tpu.memory_space<vmem>>) target(%dma_start3A_55 : memref<128x128xf32, #tpu.memory_space<hbm>>) target_semaphore(%run_scoped3A : memref<!tpu.dma_semaphore, #tpu.memory_space<semaphore_mem>>)
      %dma_wait3A = arith.constant 0 : i32
      %dma_wait3A_56 = tpu.memref_slice %arg5[%arg0, %add3A_38, %dma_wait3A] : memref<2x10240x128xf32, #tpu.memory_space<hbm>> -> memref<1x128x128xf32, #tpu.memory_space<hbm>>
      %dma_wait3A_57 = tpu.memref_squeeze %dma_wait3A_56 : memref<1x128x128xf32, #tpu.memory_space<hbm>> -> memref<128x128xf32, #tpu.memory_space<hbm>>
      %dma_wait3A_58 = arith.constant 0 : i32
      %dma_wait3A_59 = tpu.memref_slice %arg5[%arg0, %add3A_38, %dma_wait3A_58] : memref<2x10240x128xf32, #tpu.memory_space<hbm>> -> memref<1x128x128xf32, #tpu.memory_space<hbm>>
      %dma_wait3A_60 = tpu.memref_squeeze %dma_wait3A_59 : memref<1x128x128xf32, #tpu.memory_space<hbm>> -> memref<128x128xf32, #tpu.memory_space<hbm>>
      tpu.wait_dma2 semaphore(%run_scoped3A : memref<!tpu.dma_semaphore, #tpu.memory_space<semaphore_mem>>) src(%arg8 : memref<128x128xf32, #tpu.memory_space<vmem>>) dst(%dma_wait3A_60 : memref<128x128xf32, #tpu.memory_space<hbm>>)
      tpu.yield
    }) : () -> ()
    %mul3A_39 = arith.constant 640 : i32
    %mul3A_40 = arith.muli %arg1, %mul3A_39 : i32
    %add3A_41 = arith.constant 256 : i32
    %add3A_42 = arith.addi %mul3A_40, %add3A_41 : i32
    "tpu.region"() ({
      %run_scoped3A = tpu.sem_alloc : memref<!tpu.dma_semaphore, #tpu.memory_space<semaphore_mem>>
      %dma_start3A = arith.constant 0 : i32
      %dma_start3A_51 = tpu.memref_slice %arg10[%add3A_42, %dma_start3A] : memref<10240x128xf32, #tpu.memory_space<vmem_shared>> -> memref<128x128xf32, #tpu.memory_space<vmem_shared>>
      %dma_start3A_52 = arith.constant 0 : i32
      %dma_start3A_53 = tpu.memref_slice %arg10[%add3A_42, %dma_start3A_52] : memref<10240x128xf32, #tpu.memory_space<vmem_shared>> -> memref<128x128xf32, #tpu.memory_space<vmem_shared>>
      tpu.enqueue_dma source(%dma_start3A_53 : memref<128x128xf32, #tpu.memory_space<vmem_shared>>) target(%arg8 : memref<128x128xf32, #tpu.memory_space<vmem>>) target_semaphore(%run_scoped3A : memref<!tpu.dma_semaphore, #tpu.memory_space<semaphore_mem>>)
      %dma_wait3A = arith.constant 0 : i32
      %dma_wait3A_54 = tpu.memref_slice %arg10[%add3A_42, %dma_wait3A] : memref<10240x128xf32, #tpu.memory_space<vmem_shared>> -> memref<128x128xf32, #tpu.memory_space<vmem_shared>>
      %dma_wait3A_55 = arith.constant 0 : i32
      %dma_wait3A_56 = tpu.memref_slice %arg10[%add3A_42, %dma_wait3A_55] : memref<10240x128xf32, #tpu.memory_space<vmem_shared>> -> memref<128x128xf32, #tpu.memory_space<vmem_shared>>
      tpu.wait_dma2 semaphore(%run_scoped3A : memref<!tpu.dma_semaphore, #tpu.memory_space<semaphore_mem>>) src(%dma_wait3A_56 : memref<128x128xf32, #tpu.memory_space<vmem_shared>>) dst(%arg8 : memref<128x128xf32, #tpu.memory_space<vmem>>)
      tpu.yield
    }) : () -> ()
    "tpu.region"() ({
      %run_scoped3A = tpu.sem_alloc : memref<!tpu.dma_semaphore, #tpu.memory_space<semaphore_mem>>
      %dma_start3A = arith.constant 0 : i32
      %dma_start3A_51 = tpu.memref_slice %arg5[%arg0, %add3A_42, %dma_start3A] : memref<2x10240x128xf32, #tpu.memory_space<hbm>> -> memref<1x128x128xf32, #tpu.memory_space<hbm>>
      %dma_start3A_52 = tpu.memref_squeeze %dma_start3A_51 : memref<1x128x128xf32, #tpu.memory_space<hbm>> -> memref<128x128xf32, #tpu.memory_space<hbm>>
      %dma_start3A_53 = arith.constant 0 : i32
      %dma_start3A_54 = tpu.memref_slice %arg5[%arg0, %add3A_42, %dma_start3A_53] : memref<2x10240x128xf32, #tpu.memory_space<hbm>> -> memref<1x128x128xf32, #tpu.memory_space<hbm>>
      %dma_start3A_55 = tpu.memref_squeeze %dma_start3A_54 : memref<1x128x128xf32, #tpu.memory_space<hbm>> -> memref<128x128xf32, #tpu.memory_space<hbm>>
      tpu.enqueue_dma source(%arg8 : memref<128x128xf32, #tpu.memory_space<vmem>>) target(%dma_start3A_55 : memref<128x128xf32, #tpu.memory_space<hbm>>) target_semaphore(%run_scoped3A : memref<!tpu.dma_semaphore, #tpu.memory_space<semaphore_mem>>)
      %dma_wait3A = arith.constant 0 : i32
      %dma_wait3A_56 = tpu.memref_slice %arg5[%arg0, %add3A_42, %dma_wait3A] : memref<2x10240x128xf32, #tpu.memory_space<hbm>> -> memref<1x128x128xf32, #tpu.memory_space<hbm>>
      %dma_wait3A_57 = tpu.memref_squeeze %dma_wait3A_56 : memref<1x128x128xf32, #tpu.memory_space<hbm>> -> memref<128x128xf32, #tpu.memory_space<hbm>>
      %dma_wait3A_58 = arith.constant 0 : i32
      %dma_wait3A_59 = tpu.memref_slice %arg5[%arg0, %add3A_42, %dma_wait3A_58] : memref<2x10240x128xf32, #tpu.memory_space<hbm>> -> memref<1x128x128xf32, #tpu.memory_space<hbm>>
      %dma_wait3A_60 = tpu.memref_squeeze %dma_wait3A_59 : memref<1x128x128xf32, #tpu.memory_space<hbm>> -> memref<128x128xf32, #tpu.memory_space<hbm>>
      tpu.wait_dma2 semaphore(%run_scoped3A : memref<!tpu.dma_semaphore, #tpu.memory_space<semaphore_mem>>) src(%arg8 : memref<128x128xf32, #tpu.memory_space<vmem>>) dst(%dma_wait3A_60 : memref<128x128xf32, #tpu.memory_space<hbm>>)
      tpu.yield
    }) : () -> ()
    %mul3A_43 = arith.constant 640 : i32
    %mul3A_44 = arith.muli %arg1, %mul3A_43 : i32
    %add3A_45 = arith.constant 384 : i32
    %add3A_46 = arith.addi %mul3A_44, %add3A_45 : i32
    "tpu.region"() ({
      %run_scoped3A = tpu.sem_alloc : memref<!tpu.dma_semaphore, #tpu.memory_space<semaphore_mem>>
      %dma_start3A = arith.constant 0 : i32
      %dma_start3A_51 = tpu.memref_slice %arg10[%add3A_46, %dma_start3A] : memref<10240x128xf32, #tpu.memory_space<vmem_shared>> -> memref<128x128xf32, #tpu.memory_space<vmem_shared>>
      %dma_start3A_52 = arith.constant 0 : i32
      %dma_start3A_53 = tpu.memref_slice %arg10[%add3A_46, %dma_start3A_52] : memref<10240x128xf32, #tpu.memory_space<vmem_shared>> -> memref<128x128xf32, #tpu.memory_space<vmem_shared>>
      tpu.enqueue_dma source(%dma_start3A_53 : memref<128x128xf32, #tpu.memory_space<vmem_shared>>) target(%arg8 : memref<128x128xf32, #tpu.memory_space<vmem>>) target_semaphore(%run_scoped3A : memref<!tpu.dma_semaphore, #tpu.memory_space<semaphore_mem>>)
      %dma_wait3A = arith.constant 0 : i32
      %dma_wait3A_54 = tpu.memref_slice %arg10[%add3A_46, %dma_wait3A] : memref<10240x128xf32, #tpu.memory_space<vmem_shared>> -> memref<128x128xf32, #tpu.memory_space<vmem_shared>>
      %dma_wait3A_55 = arith.constant 0 : i32
      %dma_wait3A_56 = tpu.memref_slice %arg10[%add3A_46, %dma_wait3A_55] : memref<10240x128xf32, #tpu.memory_space<vmem_shared>> -> memref<128x128xf32, #tpu.memory_space<vmem_shared>>
      tpu.wait_dma2 semaphore(%run_scoped3A : memref<!tpu.dma_semaphore, #tpu.memory_space<semaphore_mem>>) src(%dma_wait3A_56 : memref<128x128xf32, #tpu.memory_space<vmem_shared>>) dst(%arg8 : memref<128x128xf32, #tpu.memory_space<vmem>>)
      tpu.yield
    }) : () -> ()
    "tpu.region"() ({
      %run_scoped3A = tpu.sem_alloc : memref<!tpu.dma_semaphore, #tpu.memory_space<semaphore_mem>>
      %dma_start3A = arith.constant 0 : i32
      %dma_start3A_51 = tpu.memref_slice %arg5[%arg0, %add3A_46, %dma_start3A] : memref<2x10240x128xf32, #tpu.memory_space<hbm>> -> memref<1x128x128xf32, #tpu.memory_space<hbm>>
      %dma_start3A_52 = tpu.memref_squeeze %dma_start3A_51 : memref<1x128x128xf32, #tpu.memory_space<hbm>> -> memref<128x128xf32, #tpu.memory_space<hbm>>
      %dma_start3A_53 = arith.constant 0 : i32
      %dma_start3A_54 = tpu.memref_slice %arg5[%arg0, %add3A_46, %dma_start3A_53] : memref<2x10240x128xf32, #tpu.memory_space<hbm>> -> memref<1x128x128xf32, #tpu.memory_space<hbm>>
      %dma_start3A_55 = tpu.memref_squeeze %dma_start3A_54 : memref<1x128x128xf32, #tpu.memory_space<hbm>> -> memref<128x128xf32, #tpu.memory_space<hbm>>
      tpu.enqueue_dma source(%arg8 : memref<128x128xf32, #tpu.memory_space<vmem>>) target(%dma_start3A_55 : memref<128x128xf32, #tpu.memory_space<hbm>>) target_semaphore(%run_scoped3A : memref<!tpu.dma_semaphore, #tpu.memory_space<semaphore_mem>>)
      %dma_wait3A = arith.constant 0 : i32
      %dma_wait3A_56 = tpu.memref_slice %arg5[%arg0, %add3A_46, %dma_wait3A] : memref<2x10240x128xf32, #tpu.memory_space<hbm>> -> memref<1x128x128xf32, #tpu.memory_space<hbm>>
      %dma_wait3A_57 = tpu.memref_squeeze %dma_wait3A_56 : memref<1x128x128xf32, #tpu.memory_space<hbm>> -> memref<128x128xf32, #tpu.memory_space<hbm>>
      %dma_wait3A_58 = arith.constant 0 : i32
      %dma_wait3A_59 = tpu.memref_slice %arg5[%arg0, %add3A_46, %dma_wait3A_58] : memref<2x10240x128xf32, #tpu.memory_space<hbm>> -> memref<1x128x128xf32, #tpu.memory_space<hbm>>
      %dma_wait3A_60 = tpu.memref_squeeze %dma_wait3A_59 : memref<1x128x128xf32, #tpu.memory_space<hbm>> -> memref<128x128xf32, #tpu.memory_space<hbm>>
      tpu.wait_dma2 semaphore(%run_scoped3A : memref<!tpu.dma_semaphore, #tpu.memory_space<semaphore_mem>>) src(%arg8 : memref<128x128xf32, #tpu.memory_space<vmem>>) dst(%dma_wait3A_60 : memref<128x128xf32, #tpu.memory_space<hbm>>)
      tpu.yield
    }) : () -> ()
    %mul3A_47 = arith.constant 640 : i32
    %mul3A_48 = arith.muli %arg1, %mul3A_47 : i32
    %add3A_49 = arith.constant 512 : i32
    %add3A_50 = arith.addi %mul3A_48, %add3A_49 : i32
    "tpu.region"() ({
      %run_scoped3A = tpu.sem_alloc : memref<!tpu.dma_semaphore, #tpu.memory_space<semaphore_mem>>
      %dma_start3A = arith.constant 0 : i32
      %dma_start3A_51 = tpu.memref_slice %arg10[%add3A_50, %dma_start3A] : memref<10240x128xf32, #tpu.memory_space<vmem_shared>> -> memref<128x128xf32, #tpu.memory_space<vmem_shared>>
      %dma_start3A_52 = arith.constant 0 : i32
      %dma_start3A_53 = tpu.memref_slice %arg10[%add3A_50, %dma_start3A_52] : memref<10240x128xf32, #tpu.memory_space<vmem_shared>> -> memref<128x128xf32, #tpu.memory_space<vmem_shared>>
      tpu.enqueue_dma source(%dma_start3A_53 : memref<128x128xf32, #tpu.memory_space<vmem_shared>>) target(%arg8 : memref<128x128xf32, #tpu.memory_space<vmem>>) target_semaphore(%run_scoped3A : memref<!tpu.dma_semaphore, #tpu.memory_space<semaphore_mem>>)
      %dma_wait3A = arith.constant 0 : i32
      %dma_wait3A_54 = tpu.memref_slice %arg10[%add3A_50, %dma_wait3A] : memref<10240x128xf32, #tpu.memory_space<vmem_shared>> -> memref<128x128xf32, #tpu.memory_space<vmem_shared>>
      %dma_wait3A_55 = arith.constant 0 : i32
      %dma_wait3A_56 = tpu.memref_slice %arg10[%add3A_50, %dma_wait3A_55] : memref<10240x128xf32, #tpu.memory_space<vmem_shared>> -> memref<128x128xf32, #tpu.memory_space<vmem_shared>>
      tpu.wait_dma2 semaphore(%run_scoped3A : memref<!tpu.dma_semaphore, #tpu.memory_space<semaphore_mem>>) src(%dma_wait3A_56 : memref<128x128xf32, #tpu.memory_space<vmem_shared>>) dst(%arg8 : memref<128x128xf32, #tpu.memory_space<vmem>>)
      tpu.yield
    }) : () -> ()
    "tpu.region"() ({
      %run_scoped3A = tpu.sem_alloc : memref<!tpu.dma_semaphore, #tpu.memory_space<semaphore_mem>>
      %dma_start3A = arith.constant 0 : i32
      %dma_start3A_51 = tpu.memref_slice %arg5[%arg0, %add3A_50, %dma_start3A] : memref<2x10240x128xf32, #tpu.memory_space<hbm>> -> memref<1x128x128xf32, #tpu.memory_space<hbm>>
      %dma_start3A_52 = tpu.memref_squeeze %dma_start3A_51 : memref<1x128x128xf32, #tpu.memory_space<hbm>> -> memref<128x128xf32, #tpu.memory_space<hbm>>
      %dma_start3A_53 = arith.constant 0 : i32
      %dma_start3A_54 = tpu.memref_slice %arg5[%arg0, %add3A_50, %dma_start3A_53] : memref<2x10240x128xf32, #tpu.memory_space<hbm>> -> memref<1x128x128xf32, #tpu.memory_space<hbm>>
      %dma_start3A_55 = tpu.memref_squeeze %dma_start3A_54 : memref<1x128x128xf32, #tpu.memory_space<hbm>> -> memref<128x128xf32, #tpu.memory_space<hbm>>
      tpu.enqueue_dma source(%arg8 : memref<128x128xf32, #tpu.memory_space<vmem>>) target(%dma_start3A_55 : memref<128x128xf32, #tpu.memory_space<hbm>>) target_semaphore(%run_scoped3A : memref<!tpu.dma_semaphore, #tpu.memory_space<semaphore_mem>>)
      %dma_wait3A = arith.constant 0 : i32
      %dma_wait3A_56 = tpu.memref_slice %arg5[%arg0, %add3A_50, %dma_wait3A] : memref<2x10240x128xf32, #tpu.memory_space<hbm>> -> memref<1x128x128xf32, #tpu.memory_space<hbm>>
      %dma_wait3A_57 = tpu.memref_squeeze %dma_wait3A_56 : memref<1x128x128xf32, #tpu.memory_space<hbm>> -> memref<128x128xf32, #tpu.memory_space<hbm>>
      %dma_wait3A_58 = arith.constant 0 : i32
      %dma_wait3A_59 = tpu.memref_slice %arg5[%arg0, %add3A_50, %dma_wait3A_58] : memref<2x10240x128xf32, #tpu.memory_space<hbm>> -> memref<1x128x128xf32, #tpu.memory_space<hbm>>
      %dma_wait3A_60 = tpu.memref_squeeze %dma_wait3A_59 : memref<1x128x128xf32, #tpu.memory_space<hbm>> -> memref<128x128xf32, #tpu.memory_space<hbm>>
      tpu.wait_dma2 semaphore(%run_scoped3A : memref<!tpu.dma_semaphore, #tpu.memory_space<semaphore_mem>>) src(%arg8 : memref<128x128xf32, #tpu.memory_space<vmem>>) dst(%dma_wait3A_60 : memref<128x128xf32, #tpu.memory_space<hbm>>)
      tpu.yield
    }) : () -> ()
    return
  }
}

module attributes {stable_mosaic.version = 14 : i64} {
  func.func @_mlp_v_body_rep(%arg0: i32, %arg1: i32, %arg2: memref<1000x128xf32, #tpu.memory_space<vmem>>, %arg3: memref<128x128xf32, #tpu.memory_space<vmem>>, %arg4: memref<1x128xf32, #tpu.memory_space<vmem>>, %arg5: memref<128x128xf32, #tpu.memory_space<vmem>>, %arg6: memref<1x128xf32, #tpu.memory_space<vmem>>, %arg7: memref<1x1000x128xf32, #tpu.memory_space<vmem>>) attributes {dimension_semantics = [#tpu.dimension_semantics<arbitrary>, #tpu.dimension_semantics<arbitrary>], iteration_bounds = array<i64: 4, 10>, scalar_prefetch = 0 : i64, scratch_operands = 0 : i64, tpu.core_type = #tpu.core_type<tc>, window_params = [{transform_indices = @transform_0, window_bounds = array<i64: 1000, 128>}, {pipeline_mode = #tpu.pipeline_mode<synchronous>, transform_indices = @transform_1, window_bounds = array<i64: 128, 128>}, {pipeline_mode = #tpu.pipeline_mode<synchronous>, transform_indices = @transform_2, window_bounds = array<i64: 1, 128>}, {pipeline_mode = #tpu.pipeline_mode<synchronous>, transform_indices = @transform_3, window_bounds = array<i64: 128, 128>}, {pipeline_mode = #tpu.pipeline_mode<synchronous>, transform_indices = @transform_4, window_bounds = array<i64: 1, 128>}, {transform_indices = @transform_5, window_bounds = array<i64: 1, 1000, 128>}]} {
    %get3A = arith.constant 0 : index
    %get3A_0 = arith.constant 0 : index
    %get3A_1 = vector.load %arg2[%get3A, %get3A_0] : memref<1000x128xf32, #tpu.memory_space<vmem>>, vector<1000x128xf32>
    %get3A_2 = arith.constant 0 : index
    %get3A_3 = arith.constant 0 : index
    %get3A_4 = vector.load %arg3[%get3A_2, %get3A_3] : memref<128x128xf32, #tpu.memory_space<vmem>>, vector<128x128xf32>
    %dot_general3A = arith.constant dense<0.000000e+00> : vector<1000x128xf32>
    %dot_general3A_5 = tpu.matmul %get3A_1, %get3A_4, %dot_general3A {dimension_numbers = #tpu.dot_dimension_numbers<[1], [0], [0], [1], [0, 0, 1, 1], [], []>, transpose_lhs_hint = false} : vector<1000x128xf32>, vector<128x128xf32>, vector<1000x128xf32> -> vector<1000x128xf32>
    %get3A_6 = arith.constant 0 : index
    %get3A_7 = arith.constant 0 : index
    %get3A_8 = vector.load %arg4[%get3A_6, %get3A_7] : memref<1x128xf32, #tpu.memory_space<vmem>>, vector<1x128xf32>
    %add3A = vector.broadcast %get3A_8 : vector<1x128xf32> to vector<1000x128xf32>
    %add3A_9 = arith.addf %dot_general3A_5, %add3A : vector<1000x128xf32>
    %max3A = arith.constant 0.000000e+00 : f32
    %max3A_10 = vector.broadcast %max3A : f32 to vector<1000x128xf32>
    %max3A_11 = arith.maximumf %add3A_9, %max3A_10 : vector<1000x128xf32>
    %get3A_12 = arith.constant 0 : index
    %get3A_13 = arith.constant 0 : index
    %get3A_14 = vector.load %arg5[%get3A_12, %get3A_13] : memref<128x128xf32, #tpu.memory_space<vmem>>, vector<128x128xf32>
    %dot_general3A_15 = arith.constant dense<0.000000e+00> : vector<1000x128xf32>
    %dot_general3A_16 = tpu.matmul %max3A_11, %get3A_14, %dot_general3A_15 {dimension_numbers = #tpu.dot_dimension_numbers<[1], [0], [0], [1], [0, 0, 1, 1], [], []>, transpose_lhs_hint = false} : vector<1000x128xf32>, vector<128x128xf32>, vector<1000x128xf32> -> vector<1000x128xf32>
    %get3A_17 = arith.constant 0 : index
    %get3A_18 = arith.constant 0 : index
    %get3A_19 = vector.load %arg6[%get3A_17, %get3A_18] : memref<1x128xf32, #tpu.memory_space<vmem>>, vector<1x128xf32>
    %add3A_20 = vector.broadcast %get3A_19 : vector<1x128xf32> to vector<1000x128xf32>
    %add3A_21 = arith.addf %dot_general3A_16, %add3A_20 : vector<1000x128xf32>
    %broadcast_in_dim3A = vector.shape_cast %add3A_21 : vector<1000x128xf32> to vector<1x1000x128xf32>
    %swap3A = arith.constant 0 : index
    %swap3A_22 = arith.constant 0 : index
    %swap3A_23 = arith.constant 0 : index
    %swap3A_24 = vector.load %arg7[%swap3A, %swap3A_22, %swap3A_23] : memref<1x1000x128xf32, #tpu.memory_space<vmem>>, vector<1x1000x128xf32>
    tpu.vector_store %arg7[%swap3A, %swap3A_22, %swap3A_23], %broadcast_in_dim3A {strides = array<i32>} : memref<1x1000x128xf32, #tpu.memory_space<vmem>>, vector<1x1000x128xf32>,
    return
  }
  func.func @transform_0(%arg0: i32, %arg1: i32) -> (i32, i32) {
    %c0_i32 = arith.constant 0 : i32
    %c0_i32_0 = arith.constant 0 : i32
    return %arg1, %c0_i32 : i32, i32
  }
  func.func @transform_1(%arg0: i32, %arg1: i32) -> (i32, i32) {
    %c0_i32 = arith.constant 0 : i32
    %c0_i32_0 = arith.constant 0 : i32
    %c0_i32_1 = arith.constant 0 : i32
    return %c0_i32, %c0_i32_0 : i32, i32
  }
  func.func @transform_2(%arg0: i32, %arg1: i32) -> (i32, i32) {
    %c0_i32 = arith.constant 0 : i32
    %c0_i32_0 = arith.constant 0 : i32
    %c0_i32_1 = arith.constant 0 : i32
    return %c0_i32, %c0_i32_0 : i32, i32
  }
  func.func @transform_3(%arg0: i32, %arg1: i32) -> (i32, i32) {
    %c0_i32 = arith.constant 0 : i32
    %c0_i32_0 = arith.constant 0 : i32
    %c0_i32_1 = arith.constant 0 : i32
    return %c0_i32, %c0_i32_0 : i32, i32
  }
  func.func @transform_4(%arg0: i32, %arg1: i32) -> (i32, i32) {
    %c0_i32 = arith.constant 0 : i32
    %c0_i32_0 = arith.constant 0 : i32
    %c0_i32_1 = arith.constant 0 : i32
    return %c0_i32, %c0_i32_0 : i32, i32
  }
  func.func @transform_5(%arg0: i32, %arg1: i32) -> (i32, i32, i32) {
    %c0_i32 = arith.constant 0 : i32
    %c0_i32_0 = arith.constant 0 : i32
    return %arg0, %arg1, %c0_i32 : i32, i32, i32
  }
}

module attributes {stable_mosaic.version = 14 : i64} {
  func.func @_mlp_c_body(%arg0: i32, %arg1: memref<16x1280xf32, #tpu.memory_space<vmem>>, %arg2: memref<16x128xf32, #tpu.memory_space<vmem>>, %arg3: memref<1x128xf32, #tpu.memory_space<vmem>>, %arg4: memref<128x128xbf16, #tpu.memory_space<vmem>>, %arg5: memref<1x128xf32, #tpu.memory_space<vmem>>, %arg6: memref<1280x128xf32, #tpu.memory_space<vmem>>) attributes {dimension_semantics = [#tpu.dimension_semantics<arbitrary>], iteration_bounds = array<i64: 256>, scalar_prefetch = 0 : i64, scratch_operands = 0 : i64, tpu.core_type = #tpu.core_type<tc>, window_params = [{transform_indices = @transform_0, window_bounds = array<i64: 16, 1280>}, {pipeline_mode = #tpu.pipeline_mode<synchronous>, transform_indices = @transform_1, window_bounds = array<i64: 16, 128>}, {pipeline_mode = #tpu.pipeline_mode<synchronous>, transform_indices = @transform_2, window_bounds = array<i64: 1, 128>}, {pipeline_mode = #tpu.pipeline_mode<synchronous>, transform_indices = @transform_3, window_bounds = array<i64: 128, 128>}, {pipeline_mode = #tpu.pipeline_mode<synchronous>, transform_indices = @transform_4, window_bounds = array<i64: 1, 128>}, {transform_indices = @transform_5, window_bounds = array<i64: 1280, 128>}]} {
    %get3A = arith.constant 0 : index
    %get3A_0 = arith.constant 0 : index
    %get3A_1 = vector.load %arg1[%get3A, %get3A_0] : memref<16x1280xf32, #tpu.memory_space<vmem>>, vector<16x1280xf32>
    %convert_element_type3A = arith.truncf %get3A_1 : vector<16x1280xf32> to vector<16x1280xbf16>
    %get3A_2 = arith.constant 0 : index
    %get3A_3 = arith.constant 0 : index
    %get3A_4 = vector.load %arg2[%get3A_2, %get3A_3] : memref<16x128xf32, #tpu.memory_space<vmem>>, vector<16x128xf32>
    %convert_element_type3A_5 = arith.truncf %get3A_4 : vector<16x128xf32> to vector<16x128xbf16>
    %dot_general3A = arith.constant dense<0.000000e+00> : vector<1280x128xf32>
    %dot_general3A_6 = tpu.matmul %convert_element_type3A, %convert_element_type3A_5, %dot_general3A {dimension_numbers = #tpu.dot_dimension_numbers<[0], [0], [1], [1], [0, 1, 1, 1], [], []>, transpose_lhs_hint = false} : vector<16x1280xbf16>, vector<16x128xbf16>, vector<1280x128xf32> -> vector<1280x128xf32>
    %get3A_7 = arith.constant 0 : index
    %get3A_8 = arith.constant 0 : index
    %get3A_9 = vector.load %arg3[%get3A_7, %get3A_8] : memref<1x128xf32, #tpu.memory_space<vmem>>, vector<1x128xf32>
    %add3A = vector.broadcast %get3A_9 : vector<1x128xf32> to vector<1280x128xf32>
    %add3A_10 = arith.addf %dot_general3A_6, %add3A : vector<1280x128xf32>
    %max3A = arith.constant 0.000000e+00 : f32
    %max3A_11 = vector.broadcast %max3A : f32 to vector<1280x128xf32>
    %max3A_12 = arith.maximumf %add3A_10, %max3A_11 : vector<1280x128xf32>
    %convert_element_type3A_13 = arith.truncf %max3A_12 : vector<1280x128xf32> to vector<1280x128xbf16>
    %get3A_14 = arith.constant 0 : index
    %get3A_15 = arith.constant 0 : index
    %get3A_16 = vector.load %arg4[%get3A_14, %get3A_15] : memref<128x128xbf16, #tpu.memory_space<vmem>>, vector<128x128xbf16>
    %dot_general3A_17 = arith.constant dense<0.000000e+00> : vector<1280x128xf32>
    %dot_general3A_18 = tpu.matmul %convert_element_type3A_13, %get3A_16, %dot_general3A_17 {dimension_numbers = #tpu.dot_dimension_numbers<[1], [0], [0], [1], [0, 0, 1, 1], [], []>, transpose_lhs_hint = false} : vector<1280x128xbf16>, vector<128x128xbf16>, vector<1280x128xf32> -> vector<1280x128xf32>
    %get3A_19 = arith.constant 0 : index
    %get3A_20 = arith.constant 0 : index
    %get3A_21 = vector.load %arg5[%get3A_19, %get3A_20] : memref<1x128xf32, #tpu.memory_space<vmem>>, vector<1x128xf32>
    %add3A_22 = vector.broadcast %get3A_21 : vector<1x128xf32> to vector<1280x128xf32>
    %add3A_23 = arith.addf %dot_general3A_18, %add3A_22 : vector<1280x128xf32>
    %swap3A = arith.constant 0 : index
    %swap3A_24 = arith.constant 0 : index
    %swap3A_25 = vector.load %arg6[%swap3A, %swap3A_24] : memref<1280x128xf32, #tpu.memory_space<vmem>>, vector<1280x128xf32>
    tpu.vector_store %arg6[%swap3A, %swap3A_24], %add3A_23 {strides = array<i32>} : memref<1280x128xf32, #tpu.memory_space<vmem>>, vector<1280x128xf32>,
    return
  }
  func.func @transform_0(%arg0: i32) -> (i32, i32) {
    %min3A = arith.constant 249 : i32
    %min3A_0 = arith.minsi %arg0, %min3A : i32
    %c0_i32 = arith.constant 0 : i32
    %c0_i32_1 = arith.constant 0 : i32
    return %c0_i32, %min3A_0 : i32, i32
  }
  func.func @transform_1(%arg0: i32) -> (i32, i32) {
    %c0_i32 = arith.constant 0 : i32
    %c0_i32_0 = arith.constant 0 : i32
    %c0_i32_1 = arith.constant 0 : i32
    return %c0_i32, %c0_i32_0 : i32, i32
  }
  func.func @transform_2(%arg0: i32) -> (i32, i32) {
    %c0_i32 = arith.constant 0 : i32
    %c0_i32_0 = arith.constant 0 : i32
    %c0_i32_1 = arith.constant 0 : i32
    return %c0_i32, %c0_i32_0 : i32, i32
  }
  func.func @transform_3(%arg0: i32) -> (i32, i32) {
    %c0_i32 = arith.constant 0 : i32
    %c0_i32_0 = arith.constant 0 : i32
    %c0_i32_1 = arith.constant 0 : i32
    return %c0_i32, %c0_i32_0 : i32, i32
  }
  func.func @transform_4(%arg0: i32) -> (i32, i32) {
    %c0_i32 = arith.constant 0 : i32
    %c0_i32_0 = arith.constant 0 : i32
    %c0_i32_1 = arith.constant 0 : i32
    return %c0_i32, %c0_i32_0 : i32, i32
  }
  func.func @transform_5(%arg0: i32) -> (i32, i32) {
    %c0_i32 = arith.constant 0 : i32
    %c0_i32_0 = arith.constant 0 : i32
    return %arg0, %c0_i32 : i32, i32
  }
}

module attributes {stable_mosaic.version = 14 : i64} {
  func.func @_combine_body(%arg0: i32, %arg1: memref<1x1000x128xf32, #tpu.memory_space<vmem>>, %arg2: memref<1x1000x128xf32, #tpu.memory_space<vmem>>, %arg3: memref<1x1000x128xf32, #tpu.memory_space<vmem>>, %arg4: memref<1x1000x128xf32, #tpu.memory_space<vmem>>, %arg5: memref<1000x128xf32, #tpu.memory_space<vmem>>) attributes {dimension_semantics = [#tpu.dimension_semantics<arbitrary>], iteration_bounds = array<i64: 10>, scalar_prefetch = 0 : i64, scratch_operands = 0 : i64, tpu.core_type = #tpu.core_type<tc>, window_params = [{transform_indices = @transform_0, window_bounds = array<i64: 1, 1000, 128>}, {transform_indices = @transform_1, window_bounds = array<i64: 1, 1000, 128>}, {transform_indices = @transform_2, window_bounds = array<i64: 1, 1000, 128>}, {transform_indices = @transform_3, window_bounds = array<i64: 1, 1000, 128>}, {transform_indices = @transform_4, window_bounds = array<i64: 1000, 128>}]} {
    %get3A = arith.constant 0 : index
    %get3A_0 = arith.constant 0 : index
    %get3A_1 = arith.constant 0 : index
    %get3A_2 = vector.load %arg1[%get3A, %get3A_0, %get3A_1] : memref<1x1000x128xf32, #tpu.memory_space<vmem>>, vector<1x1000x128xf32>
    %get3A_3 = vector.shape_cast %get3A_2 : vector<1x1000x128xf32> to vector<1000x128xf32>
    %get3A_4 = arith.constant 0 : index
    %get3A_5 = arith.constant 0 : index
    %get3A_6 = arith.constant 0 : index
    %get3A_7 = vector.load %arg2[%get3A_4, %get3A_5, %get3A_6] : memref<1x1000x128xf32, #tpu.memory_space<vmem>>, vector<1x1000x128xf32>
    %get3A_8 = vector.shape_cast %get3A_7 : vector<1x1000x128xf32> to vector<1000x128xf32>
    %add3A = arith.addf %get3A_3, %get3A_8 : vector<1000x128xf32>
    %get3A_9 = arith.constant 0 : index
    %get3A_10 = arith.constant 0 : index
    %get3A_11 = arith.constant 0 : index
    %get3A_12 = vector.load %arg3[%get3A_9, %get3A_10, %get3A_11] : memref<1x1000x128xf32, #tpu.memory_space<vmem>>, vector<1x1000x128xf32>
    %get3A_13 = vector.shape_cast %get3A_12 : vector<1x1000x128xf32> to vector<1000x128xf32>
    %get3A_14 = arith.constant 0 : index
    %get3A_15 = arith.constant 0 : index
    %get3A_16 = arith.constant 0 : index
    %get3A_17 = vector.load %arg4[%get3A_14, %get3A_15, %get3A_16] : memref<1x1000x128xf32, #tpu.memory_space<vmem>>, vector<1x1000x128xf32>
    %get3A_18 = vector.shape_cast %get3A_17 : vector<1x1000x128xf32> to vector<1000x128xf32>
    %add3A_19 = arith.addf %get3A_13, %get3A_18 : vector<1000x128xf32>
    %add3A_20 = arith.addf %add3A, %add3A_19 : vector<1000x128xf32>
    %swap3A = arith.constant 0 : index
    %swap3A_21 = arith.constant 0 : index
    %swap3A_22 = vector.load %arg5[%swap3A, %swap3A_21] : memref<1000x128xf32, #tpu.memory_space<vmem>>, vector<1000x128xf32>
    tpu.vector_store %arg5[%swap3A, %swap3A_21], %add3A_20 {strides = array<i32>} : memref<1000x128xf32, #tpu.memory_space<vmem>>, vector<1000x128xf32>,
    return
  }
  func.func @transform_0(%arg0: i32) -> (i32, i32, i32) {
    %c0_i32 = arith.constant 0 : i32
    %c0_i32_0 = arith.constant 0 : i32
    %c0_i32_1 = arith.constant 0 : i32
    return %c0_i32, %arg0, %c0_i32_0 : i32, i32, i32
  }
  func.func @transform_1(%arg0: i32) -> (i32, i32, i32) {
    %c1_i32 = arith.constant 1 : i32
    %c0_i32 = arith.constant 0 : i32
    %c0_i32_0 = arith.constant 0 : i32
    return %c1_i32, %arg0, %c0_i32 : i32, i32, i32
  }
  func.func @transform_2(%arg0: i32) -> (i32, i32, i32) {
    %c0_i32 = arith.constant 0 : i32
    %c0_i32_0 = arith.constant 0 : i32
    %c0_i32_1 = arith.constant 0 : i32
    return %c0_i32, %arg0, %c0_i32_0 : i32, i32, i32
  }
  func.func @transform_3(%arg0: i32) -> (i32, i32, i32) {
    %c1_i32 = arith.constant 1 : i32
    %c0_i32 = arith.constant 0 : i32
    %c0_i32_0 = arith.constant 0 : i32
    return %c1_i32, %arg0, %c0_i32 : i32, i32, i32
  }
  func.func @transform_4(%arg0: i32) -> (i32, i32) {
    %c0_i32 = arith.constant 0 : i32
    %c0_i32_0 = arith.constant 0 : i32
    return %arg0, %c0_i32 : i32, i32
  }
}

</mosaic_0001>

<sc_bundles>
// kernel: kernel.10.cloned.1.call-start
scs
__scs_entry_jumppad:
0x0: {  	(pc) =	sbr.rel $0x88, $3  }
0x1: {  	(tag) =	ssettag $0x0;
	lr =	simm.s32 $0x1  }
0x2: {  	[smem:$0x3F96] =	sst lr;
	_ =	strace $0xD0000000  }
0x3: {  	_ = 	snop  }
0x4: {  	_ = 	snop  }
0x5: {  	_ = 	snop  }
0x6: {  	_ = 	snop  }
0x7: {  	_ = 	snop  }
__scs_overlays_trampoline_lowered:
0x8: {  	[smem:$0x3FA5] =	sst s0  }
0x9: {  	[smem:$0x3FA6] =	sst s1  }
0xa: {  	[smem:$0x3FA7] =	sst s2  }
0xb: {  	[smem:$0x3FA8] =	sst s3  }
0xc: {  	[smem:$0x3FA9] =	sst s4  }
0xd: {  	[smem:$0x3FAA] =	sst s5  }
0xe: {  	[smem:$0x3FAB] =	sst s6  }
0xf: {  	[smem:$0x3FAC] =	sst s7  }
0x10: {  	[smem:$0x3FAD] =	sst s8  }
0x11: {  	[smem:$0x3FAE] =	sst s9;
	s0 =	simm.s32 @!p0 $0x0  }
0x12: {  	s1 =	sld [smem:$0x3F94];
	s0 =	simm.s32 @p0 $0x1  }
0x13: {  	[smem:$0x3FAF] =	sst s0;
	s0 =	simm.s32 @!p1 $0x0  }
0x14: {  	s2 =	sld [smem:$0x3F93];
	s0 =	simm.s32 @p1 $0x1  }
0x15: {  	[smem:$0x3FB0] =	sst s0;
	s0 =	simm.s32 @!p2 $0x0  }
0x16: {  	s3 =	sld [smem:$0x3FDB];
	s0 =	simm.s32 @p2 $0x1  }
0x17: {  	s4 =	simm.s32 $0x1BF5;
	[smem:$0x3FB2] =	sst s0  }
0x18: {  	s0 =	sld [smem:$0x3F95];
	_ =	swait.ge [sflag:s4], $0x0  }
0x19: {  	s7 =	sld [smem:$0x3F96]  }
0x1a: {  	s8 =	sadd.s32 $0xFFFFE003, lr  }
0x1b: {  	s9 =	sadd.s32 $0xFFFFFEF7, lr;
	s5 =	simm.s32 $0xFFFFFFFF;
	p2 =	slt.u32 s8, $0xFFFFF086  }
0x1c: {  	p1 =	slt.u32 s9, $0xF7A;
	s5 =	simm.s32 @!p2 $0x0  }
0x1d: {  	s5 =	simm.s32 @p1 $0x1;
	p0 =	seq.s32 s7, s2  }
0x1e: {  	s7 =	smul.u32 @!p0 $0xF7A, s2;
	p2 =	seq.s32 @!p0 s5, $0x0  }
0x1f: {  	s9 =	smul.u32 $0xF7A, s1;
	s8 =	simm.s32 @!p0 $0x1BF5;
	p2 =	por !p2, p0  }
0x20: {  	[sflag:s8] =	ssyncset.s32 @!p0 $0xFFFFF086;
	s6 =	sadd.s32 @!p0 s3, s7;
	s7 =	simm.s32 @!p0 $0x108  }
0x21: {  	s3 =	sadd.s32 s3, s9;
	s6 =	sadd.s32 @!p0 $0x88, s6;
	s7 =	simm.s32 @p2 $0x1082  }
0x22: {  	[simem:s7], [sflag:s8] =	dma.local @!p0 [hbm:s6], $0xF7A  }
0x23: {  	s9 =	sor.u32 $0xD0000000, s2;
	s6 =	simm.s32 $0x108;
	_ =	swait.ge @!p0 [sflag:s8], $0x0  }
0x24: {  	s3 =	sadd.s32 $0x88, s3;
	s6 =	simm.s32 @!p1 $0x1082;
	[sflag:s4] =	ssyncset.s32 $0xFFFFF086  }
0x25: {  	[simem:s6], [sflag:s4] =	dma.local [hbm:s3], $0xF7A  }
0x26: {  	[smem:$0x3F96] =	sst s1;
	(tag) =	ssettag s2;
	_ =	strace s9  }
0x27: {  	s1 =	sld [smem:$0x3FA6]  }
0x28: {  	s2 =	sld [smem:$0x3FA7]  }
0x29: {  	s4 =	sld [smem:$0x3FA9]  }
0x2a: {  	p0 =	seq.s32 s5, $0x0;
	s5 =	sld [smem:$0x3FAA]  }
0x2b: {  	s6 =	sld [smem:$0x3FAB]  }
0x2c: {  	s7 =	sld [smem:$0x3FAC]  }
0x2d: {  	s3 =	simm.s32 $0x108;
	s8 =	sld [smem:$0x3FAD]  }
0x2e: {  	s3 =	simm.s32 @!p0 $0x1082;
	s9 =	sld [smem:$0x3FAE]  }
0x2f: {  	lr =	sadd.s32 s0, s3;
	s0 =	sld [smem:$0x3FA5]  }
0x30: {  	s3 =	sld [smem:$0x3FA8]  }
0x31: {  	[smem:$0x3FB1] =	sst s10  }
0x32: {  	s10 =	sld [smem:$0x3FAF];
	_ =	sdelay $0x3  }
0x33: {  	p0 =	seq.s32 s10, $0x1;
	s10 =	sld [smem:$0x3FB1];
	_ =	sdelay $0x3  }
0x34: {  	[smem:$0x3FB1] =	sst s10  }
0x35: {  	s10 =	sld [smem:$0x3FB0];
	_ =	sdelay $0x3  }
0x36: {  	p1 =	seq.s32 s10, $0x1;
	s10 =	sld [smem:$0x3FB1];
	_ =	sdelay $0x3  }
0x37: {  	[smem:$0x3FB1] =	sst s10  }
0x38: {  	s10 =	sld [smem:$0x3FB2]  }
0x39: {  	_ = 	snop;
	(pc) =	sbr.ind lr, $3  }
0x3a: {  	_ = 	snop  }
0x3b: {  	_ = 	snop  }
0x3c: {  	p2 =	seq.s32 s10, $0x1;
	s10 =	sld [smem:$0x3FB1]  }
0x3d: {  	_ =	shalt  }
0x3e: {  	_ =	shalt  }
0x3f: {  	_ =	shalt  }
0x40: {  	_ =	shalt  }
0x41: {  	_ =	shalt  }
0x42: {  	_ =	shalt  }
0x43: {  	_ =	shalt  }
0x44: {  	_ =	shalt  }
0x45: {  	_ =	shalt  }
0x46: {  	_ =	shalt  }
0x47: {  	_ =	shalt  }
0x48: {  	_ =	shalt  }
0x49: {  	_ =	shalt  }
0x4a: {  	_ =	shalt  }
0x4b: {  	_ =	shalt  }
0x4c: {  	_ =	shalt  }
0x4d: {  	_ =	shalt  }
0x4e: {  	_ =	shalt  }
0x4f: {  	_ =	shalt  }
0x50: {  	_ =	shalt  }
0x51: {  	_ =	shalt  }
0x52: {  	_ =	shalt  }
0x53: {  	_ =	shalt  }
0x54: {  	_ =	shalt  }
0x55: {  	_ =	shalt  }
0x56: {  	_ =	shalt  }
0x57: {  	_ =	shalt  }
0x58: {  	_ =	shalt  }
0x59: {  	_ =	shalt  }
0x5a: {  	_ =	shalt  }
0x5b: {  	_ =	shalt  }
0x5c: {  	_ =	shalt  }
0x5d: {  	_ =	shalt  }
0x5e: {  	_ =	shalt  }
0x5f: {  	_ =	shalt  }
0x60: {  	_ =	shalt  }
0x61: {  	_ =	shalt  }
0x62: {  	_ =	shalt  }
0x63: {  	_ =	shalt  }
0x64: {  	_ =	shalt  }
0x65: {  	_ =	shalt  }
0x66: {  	_ =	shalt  }
0x67: {  	_ =	shalt  }
0x68: {  	_ =	shalt  }
0x69: {  	_ =	shalt  }
0x6a: {  	_ =	shalt  }
0x6b: {  	_ =	shalt  }
0x6c: {  	_ =	shalt  }
0x6d: {  	_ =	shalt  }
0x6e: {  	_ =	shalt  }
0x6f: {  	_ =	shalt  }
0x70: {  	_ =	shalt  }
0x71: {  	_ =	shalt  }
0x72: {  	_ =	shalt  }
0x73: {  	_ =	shalt  }
0x74: {  	_ =	shalt  }
0x75: {  	_ =	shalt  }
0x76: {  	_ =	shalt  }
0x77: {  	_ =	shalt  }
0x78: {  	_ =	shalt  }
0x79: {  	_ =	shalt  }
0x7a: {  	_ =	shalt  }
0x7b: {  	_ =	shalt  }
0x7c: {  	_ =	shalt  }
0x7d: {  	_ =	shalt  }
0x7e: {  	_ =	shalt  }
0x7f: {  	_ =	shalt  }
0x80: {  	_ =	shalt  }
0x81: {  	_ =	shalt  }
0x82: {  	_ =	shalt  }
0x83: {  	_ =	shalt  }
0x84: {  	_ =	shalt  }
0x85: {  	_ =	shalt  }
0x86: {  	_ =	shalt  }
0x87: {  	_ =	shalt  }
.Lfunc_end0:
.L_simem_size_0:
called_computation.1_lowered:
.L_overlay_start_0:
0x88: {  	s2 =	sld [smem:$0x3FD9]  }
0x89: {  	s3 =	sld [smem:$0x3FFE];
	_ =	sdelay $0x1  }
0x8a: {  	s1 =	srdreg.scid  }
0x8b: {  	s0 =	sand.u32 $0x1, s1  }
0x8c: {  	s17 =	sshll.u32 s0, $0xA;
	s2 =	sadd.s32 s3, s2  }
0x8d: {  	s2 =	sadd.s32 s2, s17  }
0x8e: {  	[smem:$0x3FBD] =	sst s2  }
0x8f: {  	_ = 	snop  }
0x90: {  	(tm) =	ssettm $0x1  }
0x91: {  	s18 =	sld [smem:$0x3FFB];
	_ =	sdelay $0x3  }
0x92: {  	_ =	strace s18  }
0x93: {  	s2 =	sld [smem:$0x3FFC];
	_ =	sdelay $0x3  }
0x94: {  	_ =	strace s2  }
0x95: {  	s2 =	sld [smem:$0x3FFD];
	_ =	sdelay $0x3  }
0x96: {  	_ =	strace s2  }
0x97: {  	_ =	strace $0x8FFFFFFF  }
0x98: {  	s19 =	sld [smem:$0x3FDB];
	_ =	sdelay $0x1  }
0x99: {  	s20 =	simm.s32 $_scs_section_size  }
0x9a: {  	s4 =	simm.s32 $_size__tile_overlayer_lowered;
	s5 =	simm.s32 $_tile_overlayer_lowered  }
0x9b: {  	s6 =	simm.s32 $0x1BFF;
	s21 =	sshll.u32 s5, $0x1;
	s3 =	sadd.s32 s20, s19  }
0x9c: {  	s22 =	simm.s32 $0x0;
	s4 =	sshll.u32 s4, $0x1;
	s5 =	sadd.s32 s21, s3  }
0x9d: {  	[timem:s22], [sflag:s6] =	dma.local [hbm:s5], s4  }
0x9e: {  	_ =	swait.ge [sflag:s6], s4  }
0x9f: {  	s4 =	ssub.s32 $0x0, s4;
	[sflag:s6] =	ssyncset.done $0x0  }
0xa0: {  	[sflag:s6] =	ssyncadd.s32 s4;
	_ =	sdelay $0x1  }
0xa1: {  	s23 =	simm.s32 $0x1B8B  }
0xa2: {  	_ =	swait.ge [sflag:s23], $0x1  }
0xa3: {  	[sflag:s23] =	ssyncset.done $0x0  }
0xa4: {  	[sflag:s23] =	ssyncadd.s32 $0xFFFFFFFF  }
0xa5: {  	s4 =	sld [smem:$0x0]  }
0xa6: {  	s5 =	sand.u32 $0xFFFFFFFE, s1  }
0xa7: {  	p0 =	sne.s32 s1, s5  }
0xa8: {  	s5 =	sshll.u32 @p0 s5, $0xE  }
0xa9: {  	s5 =	sadd.s32 @p0 $0x11B8D, s5;
	s6 =	sshll.u32 @p0 s4, $0x11  }
0xaa: {  	s5 =	sor.u32 @p0 s6, s5  }
0xab: {  	[sflag:s5] =	ssyncadd.remote.s32 @p0 $0x1;
	_ =	sdelay $0x1  }
0xac: {  	s5 =	simm.s32 @p0 $0x1B8D  }
0xad: {  	_ =	swait.eq @p0 [sflag:s5], $0x1  }
0xae: {  	[sflag:s5] =	ssyncadd.s32 @p0 $0xFFFFFFFF  }
0xaf: {  	s6 =	sshll.u32 @!p0 s1, $0xE  }
0xb0: {  	s6 =	sor.u32 @!p0 $0x4000, s6;
	s5 =	simm.s32 @!p0 $0x1B8D  }
0xb1: {  	s4 =	sshll.u32 @!p0 s4, $0x11;
	s6 =	sadd.s32 @!p0 $0x11B8D, s6;
	_ =	swait.eq @!p0 [sflag:s5], $0x1  }
0xb2: {  	s4 =	sor.u32 @!p0 s4, s6;
	[sflag:s5] =	ssyncadd.s32 @!p0 $0xFFFFFFFF  }
0xb3: {  	s25 =	simm.s32 $0x1B8E;
	s24 =	sld [smem:$0x3FFE];
	[sflag:s4] =	ssyncadd.remote.s32 @!p0 $0x1  }
0xb4: {  	s26 =	simm.s32 $execute0_lowered;
	[smem:$0x3FD2] =	sst s25  }
0xb5: {  	s5 =	sshll.u32 s26, $0x1;
	_ =	strace $0x80000049;
	[dreg:$0x1] =	wrdreg $0xFFFFFFFF  }
0xb6: {  	s28 =	simm.s32 $_size_execute0_lowered;
	s3 =	sadd.s32 s3, s5;
	[dreg:$0x0] =	wrdreg $0x0  }
0xb7: {  	s5 =	sshll.u32 s28, $0x1;
	[dreg:$0x2] =	wrdreg s3  }
0xb8: {  	[dreg:$0x3] =	wrdreg s5  }
0xb9: {  	[dreg:$0x4] =	wrdreg $0xC0  }
0xba: {  	_ =	task [dreg:s22], $0x5FFFF  }
0xbb: {  	[dreg:$0x1] =	wrdreg $0xFFFFFFFF  }
0xbc: {  	[dreg:$0x0] =	wrdreg $0x60  }
0xbd: {  	[dreg:$0x2] =	wrdreg s24  }
0xbe: {  	[dreg:$0x3] =	wrdreg $0x94000  }
0xbf: {  	[dreg:$0x4] =	wrdreg $0xA  }
0xc0: {  	_ =	task.clear_ibuf [dreg:s22], $0x5FFFF;
	_ =	strace $0x90000049  }
0xc1: {  	s29 =	simm.s32 $0xA;
	_ =	strace $0x8000004B  }
0xc2: {  	_ =	swait.ge [sflag:s29], $0x1  }
0xc3: {  	[sflag:s29] =	ssyncadd.s32 $0xFFFFFFFF  }
0xc4: {  	_ =	strace $0x9000004B  }
0xc5: {  	_ =	sfence  }
0xc6: {  	s30 =	sld [smem:$0x0];
	_ =	sdelay $0x2  }
0xc7: {  	s31 =	sshll.u32 s1, $0xD;
	s1 =	sshrl.u32 s1, $0x2  }
0xc8: {  	s4 =	sand.u32 $0x4000, s31;
	s1 =	sadd.s32 s1, s30  }
0xc9: {  	s0 =	sor.u32 s4, s0;
	s1 =	sshll.u32 s1, $0x11  }
0xca: {  	s0 =	sor.u32 s1, s0  }
0xcb: {  	s0 =	sadd.s32 $0x8F2B, s0  }
0xcc: {  	[sflag:s0] =	ssyncadd.remote.s32 $0x1  }
0xcd: {  	_ =	sfence.sel $0xFFFF  }
0xce: {  	[dreg:$0x0] =	wrdreg $0xFFFFFFFF;
	(pc) =	sbr.abs _section_cstart, $3  }
0xcf: {  	[dreg:$0x1] =	wrdreg $0xFFFFFFFF  }
0xd0: {  	_ =	task.clear_ibuf [dreg:s22], $0x2FFFF;
	_ =	strace $0x9FFFFFFF  }
0xd1: {  	(tm) =	ssettm $0x7FFFFFFF  }
tec
execute0_lowered:
.L_overlay_start_1:
0x0: {  	(tag) =	ssettag $0x1  }
0x1: {  	s2 =	rddreg [dreg:$0x0]  }
0x2: {  	s1 =	rddreg [dreg:$0x1];
	s3 =	simm.s32 $0x0;
	s0 =	srdreg.scid  }
0x3: {  	s22 =	stileid.u32;
	s28 =	simm.s32 $0x5400;
	s29 =	simm.s32 $0x1  }
0x4: {  	s30 =	simm.s32 $0x80;
	s31 =	simm.s32 $0x2;
	[smem:$0x7FF] =	sst s3  }
0x5: {  	s9 =	sand.u32 $0x1, s0;
	s0 =	sadd.s32 $0xF8E00, s2;
	s5 =	smul.u32 $0x50000, s22  }
0x6: {  	s10 =	sadd.s32 $0x2A00, s2;
	s11 =	smul.u32 $0x14000, s22;
	s12 =	sadd.s32 $0x5F8E00, s2  }
0x7: {  	s2 =	sadd.s32 $0xF9600, s2;
	_ =	strace $0x8000004A;
	s4 =	ssub.s32 $0x2, s9  }
0x8: {  	s25 =	sshll.u32 s9, $0x4;
	s6 =	sshrl.u32 s4, $0x1;
	s24 =	sshrl.u32 s5, $0x2  }
0x9: {  	s13 =	sadd.s32 $0x4000, s11;
	s14 =	sadd.s32 $0x8000, s11;
	s15 =	sor.u32 s22, s25  }
0xa: {  	s16 =	sadd.s32 $0xC000, s11;
	s18 =	sadd.s32 $0x10000, s11;
	s17 =	smul.u32 $0x500, s15  }
0xb: {  	s20 =	ssub.s32 s4, s6;
	s4 =	sadd.s32 s24, s1;
	s19 =	smul.u32 $0x50, s15  }
0xc: {  	s5 =	sadd.s32 s13, s1;
	s6 =	sadd.s32 s14, s1;
	s15 =	smul.u32 $0x28000, s15  }
0xd: {  	s7 =	sadd.s32 s16, s1;
	s8 =	sadd.s32 s18, s1;
	s17 =	sadd.s32 s10, s17  }
0xe: {  	s26 =	sadd.s32 $0x28, s19;
	s21 =	sadd.s32 s0, s15;
	[dreg:$0x3] =	wrdreg s17  }
0xf: {  	s19 =	smul.u32 $0x140000, s9;
	s15 =	sadd.s32 s15, s2;
	[dreg:$0x4] =	wrdreg s21  }
0x10: {  	s20 =	smax.u32 s20, $0x1;
	[dreg:$0x5] =	wrdreg s15;
	s23 =	sshll.u32 s26, $0x4  }
0x11: {  	s10 =	sadd.s32 s10, s23;
	s24 =	sadd.s32 s19, s13;
	s13 =	smul.u32 $0x1400000, s9  }
0x12: {  	s11 =	sadd.s32 s11, s19;
	s14 =	sadd.s32 s19, s14;
	s23 =	smul.u32 $0x140000, s22  }
0x13: {  	s16 =	sadd.s32 s19, s16;
	s21 =	sadd.s32 s19, s18;
	s9 =	smul.u32 $0x500, s9  }
0x14: {  	[dreg:$0x6] =	wrdreg s10;
	s10 =	sshll.u32 s26, $0xB;
	s11 =	sshrl.u32 s11, $0x3  }
0x15: {  	s25 =	sshrl.u32 s24, $0x3;
	s26 =	sshrl.u32 s14, $0x3;
	s16 =	sshrl.u32 s16, $0x3  }
0x16: {  	s17 =	sshrl.u32 s21, $0x3;
	s24 =	smul.u32 $0x50, s22;
	s11 =	sadd.s32 s12, s11  }
0x17: {  	s14 =	sadd.s32 s12, s25;
	s15 =	sadd.s32 s12, s26;
	s16 =	sadd.s32 s12, s16  }
0x18: {  	s17 =	sadd.s32 s12, s17;
	s18 =	sadd.s32 s10, s2;
	s25 =	sadd.s32 s23, s13  }
0x19: {  	s19 =	sadd.s32 s0, s10;
	[dreg:$0x7] =	wrdreg s11;
	s26 =	sor.u32 $0xC000, s25  }
0x1a: {  	s9 =	sadd.s32 s24, s9;
	s2 =	sor.u32 $0x8000, s25;
	s25 =	simm.s32 $0x1400  }
0x1b: {  	s10 =	sshrl.u32 s26, $0x3;
	s9 =	sshll.u32 s9, $0xB;
	s2 =	sshrl.u32 s2, $0x3  }
0x1c: {  	s26 =	simm.s32 $0x3;
	s21 =	sadd.s32 s10, s0;
	s9 =	sadd.s32 s0, s9  }
0x1d: {  	s22 =	sadd.s32 s2, s0;
	s0 =	simm.s32 $0x1300;
	s2 =	simm.s32 $0x1380  }
0x1e: {  	v0 =	vimm.f32 $0.0e+00;
	s23 =	sadd.s32 $0x15800, s9;
	s24 =	sadd.s32 $0x15000, s9;
	s9 =	simm.s32 $0x0  }
.LBB2_1:
0x1f: {  	s10 =	simm.s32 $0x0;
	s11 =	simm.s32 $0x200  }
.LBB2_2:
0x20: {  	p0 =	sne.s32 s11, $0xFE00;
	[tilespmem:s10+$0x1470] =	vst v0  }
0x21: {  	[tilespmem:s10+$0x1400] =	vst v0  }
0x22: {  	[tilespmem:s10+$0x1410] =	vst v0  }
.Ltmp0:
0x23: {  	[tilespmem:s10+$0x1420] =	vst v0;
	(pc) =	sbr.rel @p0 .LBB2_2-.Ltmp0, $4  }
0x24: {  	[tilespmem:s10+$0x1430] =	vst v0  }
0x25: {  	[tilespmem:s10+$0x1440] =	vst v0  }
0x26: {  	[tilespmem:s10+$0x1450] =	vst v0  }
0x27: {  	[tilespmem:s10+$0x1460] =	vst v0;
	s10 =	sshra.s32 s11, $0x2;
	s11 =	sadd.s32 $0x200, s11  }
0x28: {  	[tilespmem:s10+$0x1470] =	vst v0  }
0x29: {  	[tilespmem:s10+$0x1400] =	vst v0  }
0x2a: {  	[tilespmem:s10+$0x1410] =	vst v0  }
0x2b: {  	[tilespmem:s10+$0x1420] =	vst v0  }
0x2c: {  	[tilespmem:s10+$0x1430] =	vst v0  }
0x2d: {  	[tilespmem:s10+$0x1440] =	vst v0  }
0x2e: {  	[tilespmem:s10+$0x1450] =	vst v0  }
0x2f: {  	[tilespmem:s10+$0x1460] =	vst v0  }
0x30: {  	[spmem:s4] =	stream.linear.scatter [tilespmem:s25], [sflag:$0x3], $0x4000, $0x38;
	[tilespmem:$0x1D400] =	vst v63  }
0x31: {  	_ =	swait.ge [sflag:s26], $0x4000  }
0x32: {  	[sflag:s26] =	ssyncset.done $0x0  }
0x33: {  	[sflag:s26] =	ssyncadd.s32 $0xFFFFC000  }
0x34: {  	[spmem:s5] =	stream.linear.scatter [tilespmem:s25], [sflag:$0x3], $0x4000, $0x38;
	[tilespmem:$0x1D400] =	vst v63  }
0x35: {  	_ =	swait.ge [sflag:s26], $0x4000  }
0x36: {  	[sflag:s26] =	ssyncset.done $0x0  }
0x37: {  	[sflag:s26] =	ssyncadd.s32 $0xFFFFC000  }
0x38: {  	[spmem:s6] =	stream.linear.scatter [tilespmem:s25], [sflag:$0x3], $0x4000, $0x38;
	[tilespmem:$0x1D400] =	vst v63  }
0x39: {  	_ =	swait.ge [sflag:s26], $0x4000  }
0x3a: {  	[sflag:s26] =	ssyncset.done $0x0  }
0x3b: {  	[sflag:s26] =	ssyncadd.s32 $0xFFFFC000  }
0x3c: {  	[spmem:s7] =	stream.linear.scatter [tilespmem:s25], [sflag:$0x3], $0x4000, $0x38;
	[tilespmem:$0x1D400] =	vst v63  }
0x3d: {  	_ =	swait.ge [sflag:s26], $0x4000  }
0x3e: {  	[sflag:s26] =	ssyncset.done $0x0  }
0x3f: {  	[sflag:s26] =	ssyncadd.s32 $0xFFFFC000  }
0x40: {  	[spmem:s8] =	stream.linear.scatter [tilespmem:s25], [sflag:$0x3], $0x4000, $0x38;
	[tilespmem:$0x1D400] =	vst v63  }
0x41: {  	_ =	swait.ge [sflag:s26], $0x4000  }
0x42: {  	[sflag:s26] =	ssyncset.done $0x0  }
0x43: {  	[sflag:s26] =	ssyncadd.s32 $0xFFFFC000  }
0x44: {  	[bflag:$0x0] =	sbarrier.arrive $0xFFFF  }
0x45: {  	s10 =	simm.s32 $0x0;
	s11 =	rddreg [dreg:$0x3]  }
0x46: {  	[tilespmem:s10], [sflag:$0x3] =	stream.linear.gather [hbm4b:s11+s10], $0x1400, $0x38;
	[tilespmem:$0x1D400] =	vst v63  }
0x47: {  	_ =	swait.ge [sflag:s26], $0x1400  }
0x48: {  	[sflag:s26] =	ssyncset.done $0x0  }
0x49: {  	s12 =	rddreg [dreg:$0x4];
	[sflag:s26] =	ssyncadd.s32 $0xFFFFEC00  }
0x4a: {  	[tilespmem:s25], [sflag:$0x1] =	stream.linear.gather [hbm4b:s12+s10], $0x4000, $0x38;
	[tilespmem:$0x1D400] =	vst v63  }
0x4b: {  	s13 =	rddreg [dreg:$0x5]  }
0x4c: {  	[tilespmem:s28], [sflag:$0x2] =	stream.linear.gather [hbm4b:s13+s10], $0x4000, $0x38;
	[tilespmem:$0x1D400] =	vst v63  }
0x4d: {  	_ =	swait.ge [sflag:s29], $0x4000  }
0x4e: {  	[sflag:s29] =	ssyncset.done $0x0  }
0x4f: {  	s11 =	simm.s32 $0x0;
	[sflag:s29] =	ssyncadd.s32 $0xFFFFC000  }
0x50: {  	[spmem:s1] =	stream.indirect.scatter.add.f32 [tilespmem:s25], [sflag:$0x3], $0x80, s11, s30, $0xb8;
	[tilespmem:$0x1D400] =	vst v63  }
0x51: {  	_ =	swait.ge [sflag:s26], $0x4000  }
0x52: {  	[sflag:s26] =	ssyncset.done $0x0  }
0x53: {  	s12 =	sadd.s32 $0x0, s22;
	[sflag:s26] =	ssyncadd.s32 $0xFFFFC000  }
0x54: {  	[tilespmem:s25], [sflag:$0x1] =	stream.linear.gather [hbm4b:s12+s3], $0x4000, $0x38;
	[tilespmem:$0x1D400] =	vst v63  }
0x55: {  	_ =	swait.ge [sflag:s31], $0x4000  }
0x56: {  	[sflag:s31] =	ssyncset.done $0x0  }
0x57: {  	s13 =	simm.s32 $0x80;
	[sflag:s31] =	ssyncadd.s32 $0xFFFFC000  }
0x58: {  	[spmem:s1] =	stream.indirect.scatter.add.f32 [tilespmem:s28], [sflag:$0x3], $0x80, s13, s30, $0xb8;
	[tilespmem:$0x1D400] =	vst v63  }
0x59: {  	_ =	swait.ge [sflag:s26], $0x4000  }
0x5a: {  	s10 =	simm.s32 $0x1000;
	[sflag:s26] =	ssyncset.done $0x0  }
0x5b: {  	s11 =	simm.s32 $0x180;
	s12 =	sadd.s32 $0x0, s21;
	[sflag:s26] =	ssyncadd.s32 $0xFFFFC000  }
.LBB2_4:
0x5c: {  	[tilespmem:s28], [sflag:$0x2] =	stream.linear.gather [hbm4b:s12+s3], $0x4000, $0x38;
	[tilespmem:$0x1D400] =	vst v63  }
0x5d: {  	s12 =	smov.u32 s10  }
0x5e: {  	p0 =	sne.s32 s10, $0x12000;
	s10 =	sadd.s32 $0x1000, s10;
	_ =	swait.ge [sflag:s29], $0x4000  }
0x5f: {  	[sflag:s29] =	ssyncset.done $0x0  }
0x60: {  	s13 =	sadd.s32 $0xFFFFFF80, s11;
	[sflag:s29] =	ssyncadd.s32 $0xFFFFC000  }
0x61: {  	[spmem:s1] =	stream.indirect.scatter.add.f32 [tilespmem:s25], [sflag:$0x3], $0x80, s13, s30, $0xb8;
	[tilespmem:$0x1D400] =	vst v63  }
0x62: {  	_ =	swait.ge [sflag:s26], $0x4000  }
0x63: {  	[sflag:s26] =	ssyncset.done $0x0  }
0x64: {  	s13 =	sadd.s32 s12, s22;
	[sflag:s26] =	ssyncadd.s32 $0xFFFFC000  }
0x65: {  	[tilespmem:s25], [sflag:$0x1] =	stream.linear.gather [hbm4b:s13+s3], $0x4000, $0x38;
	[tilespmem:$0x1D400] =	vst v63  }
0x66: {  	_ =	swait.ge [sflag:s31], $0x4000  }
0x67: {  	[sflag:s31] =	ssyncset.done $0x0  }
.Ltmp1:
0x68: {  	[sflag:s31] =	ssyncadd.s32 $0xFFFFC000;
	(pc) =	sbr.rel @p0 .LBB2_4-.Ltmp1, $4  }
0x69: {  	[spmem:s1] =	stream.indirect.scatter.add.f32 [tilespmem:s28], [sflag:$0x3], $0x80, s11, s30, $0xb8;
	[tilespmem:$0x1D400] =	vst v63  }
0x6a: {  	_ =	swait.ge [sflag:s26], $0x4000  }
0x6b: {  	[sflag:s26] =	ssyncset.done $0x0  }
0x6c: {  	s12 =	sadd.s32 s12, s21;
	s11 =	sadd.s32 $0x100, s11;
	[sflag:s26] =	ssyncadd.s32 $0xFFFFC000  }
0x6d: {  	[tilespmem:s28], [sflag:$0x2] =	stream.linear.gather [hbm4b:s12+s3], $0x4000, $0x38;
	[tilespmem:$0x1D400] =	vst v63  }
0x6e: {  	_ =	swait.ge [sflag:s29], $0x4000  }
0x6f: {  	[sflag:s29] =	ssyncset.done $0x0  }
0x70: {  	s10 =	simm.s32 $0x80;
	[sflag:s29] =	ssyncadd.s32 $0xFFFFC000  }
0x71: {  	[spmem:s1] =	stream.indirect.scatter.add.f32 [tilespmem:s25], [sflag:$0x3], $0x80, s0, s10, $0xb8;
	[tilespmem:$0x1D400] =	vst v63  }
0x72: {  	_ =	swait.ge [sflag:s26], $0x4000  }
0x73: {  	[sflag:s26] =	ssyncset.done $0x0  }
0x74: {  	[sflag:s26] =	ssyncadd.s32 $0xFFFFC000  }
0x75: {  	_ =	swait.ge [sflag:s31], $0x4000  }
0x76: {  	[sflag:s31] =	ssyncset.done $0x0  }
0x77: {  	[sflag:s31] =	ssyncadd.s32 $0xFFFFC000  }
0x78: {  	[spmem:s1] =	stream.indirect.scatter.add.f32 [tilespmem:s28], [sflag:$0x3], $0x80, s2, s10, $0xb8;
	[tilespmem:$0x1D400] =	vst v63  }
0x79: {  	_ =	swait.ge [sflag:s26], $0x4000  }
0x7a: {  	[sflag:s26] =	ssyncset.done $0x0  }
0x7b: {  	s11 =	simm.s32 $0x0;
	s13 =	rddreg [dreg:$0x6];
	[sflag:s26] =	ssyncadd.s32 $0xFFFFC000  }
0x7c: {  	[tilespmem:s11], [sflag:$0x3] =	stream.linear.gather [hbm4b:s13+s11], $0x1400, $0x38;
	[tilespmem:$0x1D400] =	vst v63  }
0x7d: {  	_ =	swait.ge [sflag:s26], $0x1400  }
0x7e: {  	[sflag:s26] =	ssyncset.done $0x0  }
0x7f: {  	[sflag:s26] =	ssyncadd.s32 $0xFFFFEC00  }
0x80: {  	[tilespmem:s25], [sflag:$0x1] =	stream.linear.gather [hbm4b:s19+s11], $0x4000, $0x38;
	[tilespmem:$0x1D400] =	vst v63  }
0x81: {  	_ = 	snop  }
0x82: {  	[tilespmem:s28], [sflag:$0x2] =	stream.linear.gather [hbm4b:s18+s11], $0x4000, $0x38;
	[tilespmem:$0x1D400] =	vst v63  }
0x83: {  	_ =	swait.ge [sflag:s29], $0x4000  }
0x84: {  	[sflag:s29] =	ssyncset.done $0x0  }
0x85: {  	s12 =	simm.s32 $0x0;
	[sflag:s29] =	ssyncadd.s32 $0xFFFFC000  }
0x86: {  	[spmem:s1] =	stream.indirect.scatter.add.f32 [tilespmem:s25], [sflag:$0x3], $0x80, s12, s30, $0xb8;
	[tilespmem:$0x1D400] =	vst v63  }
0x87: {  	_ =	swait.ge [sflag:s26], $0x4000  }
0x88: {  	[sflag:s26] =	ssyncset.done $0x0  }
0x89: {  	s13 =	sadd.s32 $0x0, s24;
	[sflag:s26] =	ssyncadd.s32 $0xFFFFC000  }
0x8a: {  	[tilespmem:s25], [sflag:$0x1] =	stream.linear.gather [hbm4b:s13+s3], $0x4000, $0x38;
	[tilespmem:$0x1D400] =	vst v63  }
0x8b: {  	_ =	swait.ge [sflag:s31], $0x4000  }
0x8c: {  	[sflag:s31] =	ssyncset.done $0x0  }
0x8d: {  	[sflag:s31] =	ssyncadd.s32 $0xFFFFC000  }
0x8e: {  	[spmem:s1] =	stream.indirect.scatter.add.f32 [tilespmem:s28], [sflag:$0x3], $0x80, s10, s30, $0xb8;
	[tilespmem:$0x1D400] =	vst v63  }
0x8f: {  	_ =	swait.ge [sflag:s26], $0x4000  }
0x90: {  	s11 =	simm.s32 $0x180;
	[sflag:s26] =	ssyncset.done $0x0  }
0x91: {  	s12 =	sadd.s32 $0x0, s23;
	s10 =	simm.s32 $0x1000;
	[sflag:s26] =	ssyncadd.s32 $0xFFFFC000  }
.LBB2_6:
0x92: {  	[tilespmem:s28], [sflag:$0x2] =	stream.linear.gather [hbm4b:s12+s3], $0x4000, $0x38;
	[tilespmem:$0x1D400] =	vst v63  }
0x93: {  	s12 =	smov.u32 s10  }
0x94: {  	p0 =	sne.s32 s10, $0x12000;
	s10 =	sadd.s32 $0x1000, s10;
	_ =	swait.ge [sflag:s29], $0x4000  }
0x95: {  	[sflag:s29] =	ssyncset.done $0x0  }
0x96: {  	s13 =	sadd.s32 $0xFFFFFF80, s11;
	[sflag:s29] =	ssyncadd.s32 $0xFFFFC000  }
0x97: {  	[spmem:s1] =	stream.indirect.scatter.add.f32 [tilespmem:s25], [sflag:$0x3], $0x80, s13, s30, $0xb8;
	[tilespmem:$0x1D400] =	vst v63  }
0x98: {  	_ =	swait.ge [sflag:s26], $0x4000  }
0x99: {  	[sflag:s26] =	ssyncset.done $0x0  }
0x9a: {  	s13 =	sadd.s32 s12, s24;
	[sflag:s26] =	ssyncadd.s32 $0xFFFFC000  }
0x9b: {  	[tilespmem:s25], [sflag:$0x1] =	stream.linear.gather [hbm4b:s13+s3], $0x4000, $0x38;
	[tilespmem:$0x1D400] =	vst v63  }
0x9c: {  	_ =	swait.ge [sflag:s31], $0x4000  }
0x9d: {  	[sflag:s31] =	ssyncset.done $0x0  }
.Ltmp2:
0x9e: {  	[sflag:s31] =	ssyncadd.s32 $0xFFFFC000;
	(pc) =	sbr.rel @p0 .LBB2_6-.Ltmp2, $4  }
0x9f: {  	[spmem:s1] =	stream.indirect.scatter.add.f32 [tilespmem:s28], [sflag:$0x3], $0x80, s11, s30, $0xb8;
	[tilespmem:$0x1D400] =	vst v63  }
0xa0: {  	_ =	swait.ge [sflag:s26], $0x4000  }
0xa1: {  	[sflag:s26] =	ssyncset.done $0x0  }
0xa2: {  	s12 =	sadd.s32 s12, s23;
	s11 =	sadd.s32 $0x100, s11;
	[sflag:s26] =	ssyncadd.s32 $0xFFFFC000  }
0xa3: {  	[tilespmem:s28], [sflag:$0x2] =	stream.linear.gather [hbm4b:s12+s3], $0x4000, $0x38;
	[tilespmem:$0x1D400] =	vst v63  }
0xa4: {  	_ =	swait.ge [sflag:s29], $0x4000  }
0xa5: {  	[sflag:s29] =	ssyncset.done $0x0  }
0xa6: {  	[sflag:s29] =	ssyncadd.s32 $0xFFFFC000  }
0xa7: {  	[spmem:s1] =	stream.indirect.scatter.add.f32 [tilespmem:s25], [sflag:$0x3], $0x80, s0, s30, $0xb8;
	[tilespmem:$0x1D400] =	vst v63  }
0xa8: {  	_ =	swait.ge [sflag:s26], $0x4000  }
0xa9: {  	[sflag:s26] =	ssyncset.done $0x0  }
0xaa: {  	[sflag:s26] =	ssyncadd.s32 $0xFFFFC000  }
0xab: {  	_ =	swait.ge [sflag:s31], $0x4000  }
0xac: {  	[sflag:s31] =	ssyncset.done $0x0  }
0xad: {  	[sflag:s31] =	ssyncadd.s32 $0xFFFFC000  }
0xae: {  	[spmem:s1] =	stream.indirect.scatter.add.f32 [tilespmem:s28], [sflag:$0x3], $0x80, s2, s30, $0xb8;
	[tilespmem:$0x1D400] =	vst v63  }
0xaf: {  	_ =	swait.ge [sflag:s26], $0x4000  }
0xb0: {  	[sflag:s26] =	ssyncset.done $0x0  }
0xb1: {  	[sflag:s26] =	ssyncadd.s32 $0xFFFFC000  }
0xb2: {  	[bflag:$0x0] =	sbarrier.arrive $0xFFFF  }
0xb3: {  	[tilespmem:s25], [sflag:$0x3] =	stream.linear.gather [spmem:s4], $0x4000, $0x38;
	[tilespmem:$0x1D400] =	vst v63  }
0xb4: {  	_ =	swait.ge [sflag:s26], $0x4000  }
0xb5: {  	[sflag:s26] =	ssyncset.done $0x0  }
0xb6: {  	s10 =	rddreg [dreg:$0x7];
	[sflag:s26] =	ssyncadd.s32 $0xFFFFC000  }
0xb7: {  	[hbm4b:s10+s3] =	stream.linear.scatter [tilespmem:s25], [sflag:$0x3], $0x4000, $0x38;
	[tilespmem:$0x1D400] =	vst v63  }
0xb8: {  	_ =	swait.ge [sflag:s26], $0x4000  }
0xb9: {  	[sflag:s26] =	ssyncset.done $0x0  }
0xba: {  	[sflag:s26] =	ssyncadd.s32 $0xFFFFC000  }
0xbb: {  	[tilespmem:s25], [sflag:$0x3] =	stream.linear.gather [spmem:s5], $0x4000, $0x38;
	[tilespmem:$0x1D400] =	vst v63  }
0xbc: {  	_ =	swait.ge [sflag:s26], $0x4000  }
0xbd: {  	[sflag:s26] =	ssyncset.done $0x0  }
0xbe: {  	[sflag:s26] =	ssyncadd.s32 $0xFFFFC000  }
0xbf: {  	[hbm4b:s14+s3] =	stream.linear.scatter [tilespmem:s25], [sflag:$0x3], $0x4000, $0x38;
	[tilespmem:$0x1D400] =	vst v63  }
0xc0: {  	_ =	swait.ge [sflag:s26], $0x4000  }
0xc1: {  	[sflag:s26] =	ssyncset.done $0x0  }
0xc2: {  	[sflag:s26] =	ssyncadd.s32 $0xFFFFC000  }
0xc3: {  	[tilespmem:s25], [sflag:$0x3] =	stream.linear.gather [spmem:s6], $0x4000, $0x38;
	[tilespmem:$0x1D400] =	vst v63  }
0xc4: {  	_ =	swait.ge [sflag:s26], $0x4000  }
0xc5: {  	[sflag:s26] =	ssyncset.done $0x0  }
0xc6: {  	[sflag:s26] =	ssyncadd.s32 $0xFFFFC000  }
0xc7: {  	[hbm4b:s15+s3] =	stream.linear.scatter [tilespmem:s25], [sflag:$0x3], $0x4000, $0x38;
	[tilespmem:$0x1D400] =	vst v63  }
0xc8: {  	_ =	swait.ge [sflag:s26], $0x4000  }
0xc9: {  	[sflag:s26] =	ssyncset.done $0x0  }
0xca: {  	[sflag:s26] =	ssyncadd.s32 $0xFFFFC000  }
0xcb: {  	[tilespmem:s25], [sflag:$0x3] =	stream.linear.gather [spmem:s7], $0x4000, $0x38;
	[tilespmem:$0x1D400] =	vst v63  }
0xcc: {  	_ =	swait.ge [sflag:s26], $0x4000  }
0xcd: {  	[sflag:s26] =	ssyncset.done $0x0  }
0xce: {  	[sflag:s26] =	ssyncadd.s32 $0xFFFFC000  }
0xcf: {  	[hbm4b:s16+s3] =	stream.linear.scatter [tilespmem:s25], [sflag:$0x3], $0x4000, $0x38;
	[tilespmem:$0x1D400] =	vst v63  }
0xd0: {  	_ =	swait.ge [sflag:s26], $0x4000  }
0xd1: {  	[sflag:s26] =	ssyncset.done $0x0  }
0xd2: {  	[sflag:s26] =	ssyncadd.s32 $0xFFFFC000  }
0xd3: {  	[tilespmem:s25], [sflag:$0x3] =	stream.linear.gather [spmem:s8], $0x4000, $0x38;
	[tilespmem:$0x1D400] =	vst v63  }
0xd4: {  	s9 =	sadd.s32 $0x1, s9;
	_ =	swait.ge [sflag:s26], $0x4000  }
0xd5: {  	p0 =	sne.s32 s9, s20;
	[sflag:s26] =	ssyncset.done $0x0  }
.Ltmp3:
0xd6: {  	[sflag:s26] =	ssyncadd.s32 $0xFFFFC000;
	(pc) =	sbr.rel @p0 .LBB2_1-.Ltmp3, $4  }
0xd7: {  	[hbm4b:s17+s3] =	stream.linear.scatter [tilespmem:s25], [sflag:$0x3], $0x4000, $0x38;
	[tilespmem:$0x1D400] =	vst v63  }
0xd8: {  	_ =	swait.ge [sflag:s26], $0x4000  }
0xd9: {  	[sflag:s26] =	ssyncset.done $0x0  }
0xda: {  	[sflag:s26] =	ssyncadd.s32 $0xFFFFC000  }
0xdb: {  	_ =	sfence.sel $0x180000  }
0xdc: {  	[bflag:$0x0] =	sbarrier.arrive $0xFFFF  }
0xdd: {  	_ =	strace $0x9000004A  }
0xde: {  	s0 =	stileid.u32;
	[bflag:$0x2] =	sbarrier.arrive $0xFFFF  }
0xdf: {  	p0 =	sne.s32 s0, $0x0;
	s0 =	rddreg [dreg:$0x2]  }
0xe0: {  	s0 =	sadd.s32 @!p0 $0x100000, s0  }
0xe1: {  	[sflag:s0] =	ssyncadd.tile.s32 @!p0 $0x1;
	_ =	shalt  }
.Lfunc_end2:
_tile_overlayer_lowered:
.L_overlay_start_2:
0xe2: {  	(tag) =	ssettag $0x2  }
0xe3: {  	s0 =	rddreg [dreg:$0x0];
	s2 =	stileid.u32  }
0xe4: {  	s1 =	rddreg [dreg:$0x1];
	p0 =	sne.s32 s2, $0x0  }
0xe5: {  	s3 =	rddreg [dreg:$0x2];
	[bflag:$0x3] =	sbarrier.arrive $0xFFFF;
	s2 =	simm.s32 @!p0 $0x1C03  }
0xe6: {  	[timem:s3], [sflag:s2] =	dma.local @!p0 [hbm:s0], s1  }
0xe7: {  	s0 =	simm.s32 @!p0 $0x3  }
0xe8: {  	_ =	swait.ge @!p0 [sflag:s0], s1  }
0xe9: {  	s1 =	ssub.s32 @!p0 $0x0, s1;
	[sflag:s0] =	ssyncset.done @!p0 $0x0  }
0xea: {  	[sflag:s0] =	ssyncadd.s32 @!p0 s1  }
0xeb: {  	[bflag:$0x3] =	sbarrier.arrive $0xFFFF  }
0xec: {  	_ =	shalt  }

// kernel: kernel.7.cloned.1.call-start
scs
__scs_entry_jumppad:
0x0: {  	(pc) =	sbr.rel $0x88, $3  }
0x1: {  	(tag) =	ssettag $0x0;
	lr =	simm.s32 $0x1  }
0x2: {  	[smem:$0x3F96] =	sst lr;
	_ =	strace $0xD0000000  }
0x3: {  	_ = 	snop  }
0x4: {  	_ = 	snop  }
0x5: {  	_ = 	snop  }
0x6: {  	_ = 	snop  }
0x7: {  	_ = 	snop  }
__scs_overlays_trampoline_lowered:
0x8: {  	[smem:$0x3FA5] =	sst s0  }
0x9: {  	[smem:$0x3FA6] =	sst s1  }
0xa: {  	[smem:$0x3FA7] =	sst s2  }
0xb: {  	[smem:$0x3FA8] =	sst s3  }
0xc: {  	[smem:$0x3FA9] =	sst s4  }
0xd: {  	[smem:$0x3FAA] =	sst s5  }
0xe: {  	[smem:$0x3FAB] =	sst s6  }
0xf: {  	[smem:$0x3FAC] =	sst s7  }
0x10: {  	[smem:$0x3FAD] =	sst s8  }
0x11: {  	[smem:$0x3FAE] =	sst s9;
	s0 =	simm.s32 @!p0 $0x0  }
0x12: {  	s1 =	sld [smem:$0x3F94];
	s0 =	simm.s32 @p0 $0x1  }
0x13: {  	[smem:$0x3FAF] =	sst s0;
	s0 =	simm.s32 @!p1 $0x0  }
0x14: {  	s2 =	sld [smem:$0x3F93];
	s0 =	simm.s32 @p1 $0x1  }
0x15: {  	[smem:$0x3FB0] =	sst s0;
	s0 =	simm.s32 @!p2 $0x0  }
0x16: {  	s3 =	sld [smem:$0x3FDB];
	s0 =	simm.s32 @p2 $0x1  }
0x17: {  	s4 =	simm.s32 $0x1BF5;
	[smem:$0x3FB2] =	sst s0  }
0x18: {  	s0 =	sld [smem:$0x3F95];
	_ =	swait.ge [sflag:s4], $0x0  }
0x19: {  	s7 =	sld [smem:$0x3F96]  }
0x1a: {  	s8 =	sadd.s32 $0xFFFFE003, lr  }
0x1b: {  	s9 =	sadd.s32 $0xFFFFFEF7, lr;
	s5 =	simm.s32 $0xFFFFFFFF;
	p2 =	slt.u32 s8, $0xFFFFF086  }
0x1c: {  	p1 =	slt.u32 s9, $0xF7A;
	s5 =	simm.s32 @!p2 $0x0  }
0x1d: {  	s5 =	simm.s32 @p1 $0x1;
	p0 =	seq.s32 s7, s2  }
0x1e: {  	s7 =	smul.u32 @!p0 $0xF7A, s2;
	p2 =	seq.s32 @!p0 s5, $0x0  }
0x1f: {  	s9 =	smul.u32 $0xF7A, s1;
	s8 =	simm.s32 @!p0 $0x1BF5;
	p2 =	por !p2, p0  }
0x20: {  	[sflag:s8] =	ssyncset.s32 @!p0 $0xFFFFF086;
	s6 =	sadd.s32 @!p0 s3, s7;
	s7 =	simm.s32 @!p0 $0x108  }
0x21: {  	s3 =	sadd.s32 s3, s9;
	s6 =	sadd.s32 @!p0 $0x88, s6;
	s7 =	simm.s32 @p2 $0x1082  }
0x22: {  	[simem:s7], [sflag:s8] =	dma.local @!p0 [hbm:s6], $0xF7A  }
0x23: {  	s9 =	sor.u32 $0xD0000000, s2;
	s6 =	simm.s32 $0x108;
	_ =	swait.ge @!p0 [sflag:s8], $0x0  }
0x24: {  	s3 =	sadd.s32 $0x88, s3;
	s6 =	simm.s32 @!p1 $0x1082;
	[sflag:s4] =	ssyncset.s32 $0xFFFFF086  }
0x25: {  	[simem:s6], [sflag:s4] =	dma.local [hbm:s3], $0xF7A  }
0x26: {  	[smem:$0x3F96] =	sst s1;
	(tag) =	ssettag s2;
	_ =	strace s9  }
0x27: {  	s1 =	sld [smem:$0x3FA6]  }
0x28: {  	s2 =	sld [smem:$0x3FA7]  }
0x29: {  	s4 =	sld [smem:$0x3FA9]  }
0x2a: {  	p0 =	seq.s32 s5, $0x0;
	s5 =	sld [smem:$0x3FAA]  }
0x2b: {  	s6 =	sld [smem:$0x3FAB]  }
0x2c: {  	s7 =	sld [smem:$0x3FAC]  }
0x2d: {  	s3 =	simm.s32 $0x108;
	s8 =	sld [smem:$0x3FAD]  }
0x2e: {  	s3 =	simm.s32 @!p0 $0x1082;
	s9 =	sld [smem:$0x3FAE]  }
0x2f: {  	lr =	sadd.s32 s0, s3;
	s0 =	sld [smem:$0x3FA5]  }
0x30: {  	s3 =	sld [smem:$0x3FA8]  }
0x31: {  	[smem:$0x3FB1] =	sst s10  }
0x32: {  	s10 =	sld [smem:$0x3FAF];
	_ =	sdelay $0x3  }
0x33: {  	p0 =	seq.s32 s10, $0x1;
	s10 =	sld [smem:$0x3FB1];
	_ =	sdelay $0x3  }
0x34: {  	[smem:$0x3FB1] =	sst s10  }
0x35: {  	s10 =	sld [smem:$0x3FB0];
	_ =	sdelay $0x3  }
0x36: {  	p1 =	seq.s32 s10, $0x1;
	s10 =	sld [smem:$0x3FB1];
	_ =	sdelay $0x3  }
0x37: {  	[smem:$0x3FB1] =	sst s10  }
0x38: {  	s10 =	sld [smem:$0x3FB2]  }
0x39: {  	_ = 	snop;
	(pc) =	sbr.ind lr, $3  }
0x3a: {  	_ = 	snop  }
0x3b: {  	_ = 	snop  }
0x3c: {  	p2 =	seq.s32 s10, $0x1;
	s10 =	sld [smem:$0x3FB1]  }
0x3d: {  	_ =	shalt  }
0x3e: {  	_ =	shalt  }
0x3f: {  	_ =	shalt  }
0x40: {  	_ =	shalt  }
0x41: {  	_ =	shalt  }
0x42: {  	_ =	shalt  }
0x43: {  	_ =	shalt  }
0x44: {  	_ =	shalt  }
0x45: {  	_ =	shalt  }
0x46: {  	_ =	shalt  }
0x47: {  	_ =	shalt  }
0x48: {  	_ =	shalt  }
0x49: {  	_ =	shalt  }
0x4a: {  	_ =	shalt  }
0x4b: {  	_ =	shalt  }
0x4c: {  	_ =	shalt  }
0x4d: {  	_ =	shalt  }
0x4e: {  	_ =	shalt  }
0x4f: {  	_ =	shalt  }
0x50: {  	_ =	shalt  }
0x51: {  	_ =	shalt  }
0x52: {  	_ =	shalt  }
0x53: {  	_ =	shalt  }
0x54: {  	_ =	shalt  }
0x55: {  	_ =	shalt  }
0x56: {  	_ =	shalt  }
0x57: {  	_ =	shalt  }
0x58: {  	_ =	shalt  }
0x59: {  	_ =	shalt  }
0x5a: {  	_ =	shalt  }
0x5b: {  	_ =	shalt  }
0x5c: {  	_ =	shalt  }
0x5d: {  	_ =	shalt  }
0x5e: {  	_ =	shalt  }
0x5f: {  	_ =	shalt  }
0x60: {  	_ =	shalt  }
0x61: {  	_ =	shalt  }
0x62: {  	_ =	shalt  }
0x63: {  	_ =	shalt  }
0x64: {  	_ =	shalt  }
0x65: {  	_ =	shalt  }
0x66: {  	_ =	shalt  }
0x67: {  	_ =	shalt  }
0x68: {  	_ =	shalt  }
0x69: {  	_ =	shalt  }
0x6a: {  	_ =	shalt  }
0x6b: {  	_ =	shalt  }
0x6c: {  	_ =	shalt  }
0x6d: {  	_ =	shalt  }
0x6e: {  	_ =	shalt  }
0x6f: {  	_ =	shalt  }
0x70: {  	_ =	shalt  }
0x71: {  	_ =	shalt  }
0x72: {  	_ =	shalt  }
0x73: {  	_ =	shalt  }
0x74: {  	_ =	shalt  }
0x75: {  	_ =	shalt  }
0x76: {  	_ =	shalt  }
0x77: {  	_ =	shalt  }
0x78: {  	_ =	shalt  }
0x79: {  	_ =	shalt  }
0x7a: {  	_ =	shalt  }
0x7b: {  	_ =	shalt  }
0x7c: {  	_ =	shalt  }
0x7d: {  	_ =	shalt  }
0x7e: {  	_ =	shalt  }
0x7f: {  	_ =	shalt  }
0x80: {  	_ =	shalt  }
0x81: {  	_ =	shalt  }
0x82: {  	_ =	shalt  }
0x83: {  	_ =	shalt  }
0x84: {  	_ =	shalt  }
0x85: {  	_ =	shalt  }
0x86: {  	_ =	shalt  }
0x87: {  	_ =	shalt  }
.Lfunc_end0:
.L_simem_size_0:
called_computation_lowered:
.L_overlay_start_0:
0x88: {  	s2 =	sld [smem:$0x3FD9]  }
0x89: {  	s3 =	sld [smem:$0x3FFE];
	_ =	sdelay $0x1  }
0x8a: {  	s1 =	srdreg.scid  }
0x8b: {  	s0 =	sand.u32 $0x1, s1  }
0x8c: {  	s17 =	sshll.u32 s0, $0xA;
	s2 =	sadd.s32 s3, s2  }
0x8d: {  	s2 =	sadd.s32 s2, s17  }
0x8e: {  	[smem:$0x3FBD] =	sst s2  }
0x8f: {  	_ = 	snop  }
0x90: {  	s2 =	sld [smem:$0x3FD0];
	(tm) =	ssettm $0x1  }
0x91: {  	s18 =	sld [smem:$0x3FFB];
	_ =	sdelay $0x3  }
0x92: {  	_ =	strace s18  }
0x93: {  	s3 =	sld [smem:$0x3FFC];
	_ =	sdelay $0x3  }
0x94: {  	_ =	strace s3  }
0x95: {  	s3 =	sld [smem:$0x3FFD];
	_ =	sdelay $0x3  }
0x96: {  	_ =	strace s3  }
0x97: {  	_ =	strace $0x8FFFFFFF  }
0x98: {  	s19 =	sld [smem:$0x3FDB];
	_ =	sdelay $0x1  }
0x99: {  	s4 =	simm.s32 $_scs_section_size  }
0x9a: {  	s5 =	simm.s32 $_size__tile_overlayer_lowered;
	s6 =	simm.s32 $_tile_overlayer_lowered  }
0x9b: {  	s22 =	simm.s32 $0x1BFF;
	s21 =	sshll.u32 s6, $0x1;
	s3 =	sadd.s32 s4, s19  }
0x9c: {  	s7 =	simm.s32 $0x0;
	s20 =	sshll.u32 s5, $0x1;
	s5 =	sadd.s32 s21, s3  }
0x9d: {  	[timem:s7], [sflag:s22] =	dma.local [hbm:s5], s20  }
0x9e: {  	_ =	swait.ge [sflag:s22], s20  }
0x9f: {  	s4 =	ssub.s32 $0x0, s20;
	[sflag:s22] =	ssyncset.done $0x0  }
0xa0: {  	[sflag:s22] =	ssyncadd.s32 s4;
	_ =	sdelay $0x1  }
0xa1: {  	s23 =	simm.s32 $0x1B8B  }
0xa2: {  	_ =	swait.ge [sflag:s23], $0x1  }
0xa3: {  	[sflag:s23] =	ssyncset.done $0x0  }
0xa4: {  	s25 =	simm.s32 $0x1B8E;
	s24 =	sld [smem:$0x3FFE];
	[sflag:s23] =	ssyncadd.s32 $0xFFFFFFFF  }
0xa5: {  	s26 =	simm.s32 $execute0_lowered;
	[smem:$0x3FD2] =	sst s25  }
0xa6: {  	s5 =	sshll.u32 s26, $0x1;
	_ =	strace $0x80000046;
	[dreg:$0x1] =	wrdreg $0xFFFFFFFF  }
0xa7: {  	s28 =	simm.s32 $_size_execute0_lowered;
	s3 =	sadd.s32 s3, s5;
	[dreg:$0x0] =	wrdreg $0x0  }
0xa8: {  	s5 =	sshll.u32 s28, $0x1;
	[dreg:$0x2] =	wrdreg s3  }
0xa9: {  	[dreg:$0x3] =	wrdreg s5  }
0xaa: {  	[dreg:$0x4] =	wrdreg $0xC0  }
0xab: {  	_ =	task [dreg:s7], $0x5FFFF  }
0xac: {  	[dreg:$0x1] =	wrdreg $0xFFFFFFFF  }
0xad: {  	[dreg:$0x0] =	wrdreg $0x60  }
0xae: {  	[dreg:$0x2] =	wrdreg s24  }
0xaf: {  	[dreg:$0x3] =	wrdreg s2  }
0xb0: {  	[dreg:$0x4] =	wrdreg $0xA8000  }
0xb1: {  	[dreg:$0x5] =	wrdreg $0x9  }
0xb2: {  	_ =	task.clear_ibuf [dreg:s7], $0x6FFFF;
	_ =	strace $0x90000046  }
0xb3: {  	s29 =	simm.s32 $0x9;
	_ =	strace $0x80000048  }
0xb4: {  	_ =	swait.ge [sflag:s29], $0x1  }
0xb5: {  	[sflag:s29] =	ssyncadd.s32 $0xFFFFFFFF  }
0xb6: {  	_ =	strace $0x90000048  }
0xb7: {  	_ =	sfence  }
0xb8: {  	s30 =	sld [smem:$0x0];
	_ =	sdelay $0x2  }
0xb9: {  	s31 =	sshll.u32 s1, $0xD;
	s1 =	sshrl.u32 s1, $0x2  }
0xba: {  	s3 =	sand.u32 $0x4000, s31;
	s1 =	sadd.s32 s1, s30  }
0xbb: {  	s0 =	sor.u32 s3, s0;
	s1 =	sshll.u32 s1, $0x11  }
0xbc: {  	s0 =	sor.u32 s1, s0  }
0xbd: {  	s0 =	sadd.s32 $0x8F2B, s0  }
0xbe: {  	[sflag:s0] =	ssyncadd.remote.s32 $0x1  }
0xbf: {  	_ =	sfence.sel $0xFFFF  }
0xc0: {  	[dreg:$0x0] =	wrdreg $0xFFFFFFFF;
	(pc) =	sbr.abs _section_cstart, $3  }
0xc1: {  	[dreg:$0x1] =	wrdreg $0xFFFFFFFF  }
0xc2: {  	_ =	task.clear_ibuf [dreg:s7], $0x2FFFF;
	_ =	strace $0x9FFFFFFF  }
0xc3: {  	(tm) =	ssettm $0x7FFFFFFF  }
tec
execute0_lowered:
.L_overlay_start_1:
0x0: {  	(tag) =	ssettag $0x1  }
0x1: {  	s0 =	rddreg [dreg:$0x0]  }
0x2: {  	s1 =	rddreg [dreg:$0x1];
	s3 =	srdreg.scid  }
0x3: {  	s2 =	rddreg [dreg:$0x2];
	s17 =	stileid.u32;
	s28 =	simm.s32 $0x3  }
0x4: {  	s29 =	simm.s32 $0x1400;
	s30 =	simm.s32 $0x80;
	s31 =	simm.s32 $0x6800  }
0x5: {  	s4 =	sand.u32 $0x1, s3;
	s3 =	simm.s32 $0x0;
	s7 =	smul.u32 $0x14000, s17  }
0x6: {  	s8 =	sadd.s32 $0x2A00, s0;
	s18 =	sadd.s32 $0xA8E00, s0;
	s10 =	sshll.u32 s17, $0xB  }
0x7: {  	s14 =	sshll.u32 s17, $0x9;
	s5 =	ssub.s32 $0x2, s4;
	p0 =	seq.s32 s4, $0x1  }
0x8: {  	s9 =	sadd.s32 s1, s10;
	s25 =	sadd.s32 s8, s10;
	s26 =	sor.u32 $0x280, s10  }
0x9: {  	s12 =	sor.u32 $0x500, s10;
	s4 =	smul.u32 $0x140000, s4;
	[smem:$0x7FF] =	sst s3  }
0xa: {  	s6 =	sshrl.u32 s5, $0x1;
	s22 =	sadd.s32 $0x8000, s7;
	[dreg:$0x4] =	wrdreg s9  }
0xb: {  	s23 =	sadd.s32 $0xC000, s7;
	[dreg:$0x5] =	wrdreg s25;
	s11 =	sadd.s32 s1, s26  }
0xc: {  	s24 =	sadd.s32 $0x10000, s7;
	s9 =	sadd.s32 s8, s26;
	[dreg:$0x6] =	wrdreg s11  }
0xd: {  	s13 =	sadd.s32 s1, s12;
	s25 =	smul.u32 $0x50000, s17;
	[dreg:$0x7] =	wrdreg s9  }
0xe: {  	s5 =	ssub.s32 s5, s6;
	s6 =	sadd.s32 $0x4000, s7;
	[dreg:$0x8] =	wrdreg s13  }
0xf: {  	s9 =	sadd.s32 s8, s12;
	s12 =	sor.u32 $0x780, s10;
	s13 =	sor.u32 $0x8000, s14  }
0x10: {  	s15 =	sadd.s32 s7, s4;
	s19 =	sadd.s32 s4, s22;
	s21 =	sadd.s32 s4, s23  }
0x11: {  	s22 =	sadd.s32 s22, s2;
	s23 =	sadd.s32 s23, s2;
	[dreg:$0x9] =	wrdreg s9  }
0x12: {  	s10 =	sadd.s32 s1, s12;
	s11 =	sadd.s32 s8, s12;
	s12 =	sadd.s32 s1, s13  }
0x13: {  	s13 =	sadd.s32 s8, s13;
	s16 =	sadd.s32 s4, s6;
	s1 =	sshrl.u32 s15, $0x3  }
0x14: {  	s20 =	sshrl.u32 s19, $0x3;
	s4 =	sadd.s32 s4, s24;
	s19 =	sadd.s32 $0xCA00, s0  }
0x15: {  	s26 =	sshrl.u32 s25, $0x2;
	s24 =	sadd.s32 s24, s2;
	s25 =	smax.u32 s5, $0x1  }
0x16: {  	s0 =	simm.s32 $0x1;
	s5 =	simm.s32 $0x2780;
	s7 =	sshrl.u32 s16, $0x3  }
.Ltmp0:
0x17: {  	s14 =	sadd.s32 s18, s1;
	s16 =	sadd.s32 s18, s20;
	(pc) =	sbr.rel .LBB2_1-.Ltmp0, $4  }
0x18: {  	s1 =	sshrl.u32 s21, $0x3;
	s4 =	sshrl.u32 s4, $0x3;
	_ =	strace $0x80000047  }
0x19: {  	s20 =	sadd.s32 s26, s2;
	s21 =	sadd.s32 s6, s2;
	s26 =	simm.s32 $0x2800  }
0x1a: {  	s6 =	simm.s32 $0x0;
	s15 =	sadd.s32 s18, s7;
	s17 =	sadd.s32 s18, s1  }
0x1b: {  	v0 =	vimm.f32 $0.0e+00;
	s18 =	sadd.s32 s18, s4;
	s1 =	simm.s32 $0x2;
	s4 =	simm.s32 $0x2700  }
.LBB2_10:
0x1c: {  	[tilespmem:s31], [sflag:$0x2] =	stream.indirect.gather [hbm4b:s19+s30], $0x80, s8, s30, $0xb8;
	[tilespmem:$0x1E800] =	vst v63  }
0x1d: {  	_ =	swait.ge [sflag:s0], $0x4000  }
0x1e: {  	[sflag:s0] =	ssyncset.done $0x0  }
0x1f: {  	[sflag:s0] =	ssyncadd.s32 $0xFFFFC000  }
0x20: {  	[spmem:s2] =	stream.indirect.scatter.add.f32 [tilespmem:s26], [sflag:$0x3], $0x80, s4, s30, $0xb8;
	[tilespmem:$0x1E800] =	vst v63  }
0x21: {  	_ =	swait.ge [sflag:s28], $0x4000  }
0x22: {  	[sflag:s28] =	ssyncset.done $0x0  }
0x23: {  	[sflag:s28] =	ssyncadd.s32 $0xFFFFC000  }
0x24: {  	_ =	swait.ge [sflag:s1], $0x4000  }
0x25: {  	[sflag:s1] =	ssyncset.done $0x0  }
0x26: {  	[sflag:s1] =	ssyncadd.s32 $0xFFFFC000  }
0x27: {  	[spmem:s2] =	stream.indirect.scatter.add.f32 [tilespmem:s31], [sflag:$0x3], $0x80, s5, s30, $0xb8;
	[tilespmem:$0x1E800] =	vst v63  }
0x28: {  	_ =	swait.ge [sflag:s28], $0x4000  }
0x29: {  	[sflag:s28] =	ssyncset.done $0x0  }
0x2a: {  	[sflag:s28] =	ssyncadd.s32 $0xFFFFC000  }
0x2b: {  	[tilespmem:s3], [sflag:$0x3] =	stream.linear.gather [hbm4b:s10+s3], $0x400, $0x38;
	[tilespmem:$0x1E800] =	vst v63  }
0x2c: {  	_ =	swait.ge [sflag:s28], $0x400  }
0x2d: {  	[sflag:s28] =	ssyncset.done $0x0  }
0x2e: {  	[sflag:s28] =	ssyncadd.s32 $0xFFFFFC00  }
0x2f: {  	[tilespmem:s29], [sflag:$0x3] =	stream.linear.gather [hbm4b:s11+s3], $0x400, $0x38;
	[tilespmem:$0x1E800] =	vst v63  }
0x30: {  	_ =	swait.ge [sflag:s28], $0x400  }
0x31: {  	[sflag:s28] =	ssyncset.done $0x0  }
0x32: {  	[sflag:s28] =	ssyncadd.s32 $0xFFFFFC00  }
0x33: {  	[tilespmem:s26], [sflag:$0x1] =	stream.indirect.gather [hbm4b:s19+s30], $0x80, s3, s30, $0xb8;
	[tilespmem:$0x1E800] =	vst v63  }
0x34: {  	_ = 	snop  }
0x35: {  	[tilespmem:s31], [sflag:$0x2] =	stream.indirect.gather [hbm4b:s19+s30], $0x80, s30, s30, $0xb8;
	[tilespmem:$0x1E800] =	vst v63  }
0x36: {  	_ =	swait.ge [sflag:s0], $0x4000  }
0x37: {  	[sflag:s0] =	ssyncset.done $0x0  }
0x38: {  	[sflag:s0] =	ssyncadd.s32 $0xFFFFC000  }
0x39: {  	[spmem:s2] =	stream.indirect.scatter.add.f32 [tilespmem:s26], [sflag:$0x3], $0x80, s29, s30, $0xb8;
	[tilespmem:$0x1E800] =	vst v63  }
0x3a: {  	_ =	swait.ge [sflag:s28], $0x4000  }
0x3b: {  	[sflag:s28] =	ssyncset.done $0x0  }
0x3c: {  	s7 =	simm.s32 $0x100;
	[sflag:s28] =	ssyncadd.s32 $0xFFFFC000  }
0x3d: {  	[tilespmem:s26], [sflag:$0x1] =	stream.indirect.gather [hbm4b:s19+s30], $0x80, s7, s30, $0xb8;
	[tilespmem:$0x1E800] =	vst v63  }
0x3e: {  	_ =	swait.ge [sflag:s1], $0x4000  }
0x3f: {  	[sflag:s1] =	ssyncset.done $0x0  }
0x40: {  	s8 =	simm.s32 $0x1480;
	[sflag:s1] =	ssyncadd.s32 $0xFFFFC000  }
0x41: {  	[spmem:s2] =	stream.indirect.scatter.add.f32 [tilespmem:s31], [sflag:$0x3], $0x80, s8, s30, $0xb8;
	[tilespmem:$0x1E800] =	vst v63  }
0x42: {  	_ =	swait.ge [sflag:s28], $0x4000  }
0x43: {  	[sflag:s28] =	ssyncset.done $0x0  }
0x44: {  	s9 =	simm.s32 $0x180;
	[sflag:s28] =	ssyncadd.s32 $0xFFFFC000  }
0x45: {  	[tilespmem:s31], [sflag:$0x2] =	stream.indirect.gather [hbm4b:s19+s30], $0x80, s9, s30, $0xb8;
	[tilespmem:$0x1E800] =	vst v63  }
0x46: {  	_ =	swait.ge [sflag:s0], $0x4000  }
0x47: {  	[sflag:s0] =	ssyncset.done $0x0  }
0x48: {  	s8 =	simm.s32 $0x1500;
	[sflag:s0] =	ssyncadd.s32 $0xFFFFC000  }
0x49: {  	[spmem:s2] =	stream.indirect.scatter.add.f32 [tilespmem:s26], [sflag:$0x3], $0x80, s8, s30, $0xb8;
	[tilespmem:$0x1E800] =	vst v63  }
0x4a: {  	_ =	swait.ge [sflag:s28], $0x4000  }
0x4b: {  	[sflag:s28] =	ssyncset.done $0x0  }
0x4c: {  	s9 =	simm.s32 $0x200;
	[sflag:s28] =	ssyncadd.s32 $0xFFFFC000  }
0x4d: {  	[tilespmem:s26], [sflag:$0x1] =	stream.indirect.gather [hbm4b:s19+s30], $0x80, s9, s30, $0xb8;
	[tilespmem:$0x1E800] =	vst v63  }
0x4e: {  	_ =	swait.ge [sflag:s1], $0x4000  }
0x4f: {  	[sflag:s1] =	ssyncset.done $0x0  }
0x50: {  	s8 =	simm.s32 $0x1580;
	[sflag:s1] =	ssyncadd.s32 $0xFFFFC000  }
0x51: {  	[spmem:s2] =	stream.indirect.scatter.add.f32 [tilespmem:s31], [sflag:$0x3], $0x80, s8, s30, $0xb8;
	[tilespmem:$0x1E800] =	vst v63  }
0x52: {  	_ =	swait.ge [sflag:s28], $0x4000  }
0x53: {  	[sflag:s28] =	ssyncset.done $0x0  }
0x54: {  	s9 =	simm.s32 $0x280;
	[sflag:s28] =	ssyncadd.s32 $0xFFFFC000  }
0x55: {  	[tilespmem:s31], [sflag:$0x2] =	stream.indirect.gather [hbm4b:s19+s30], $0x80, s9, s30, $0xb8;
	[tilespmem:$0x1E800] =	vst v63  }
0x56: {  	_ =	swait.ge [sflag:s0], $0x4000  }
0x57: {  	[sflag:s0] =	ssyncset.done $0x0  }
0x58: {  	s8 =	simm.s32 $0x1600;
	[sflag:s0] =	ssyncadd.s32 $0xFFFFC000  }
0x59: {  	[spmem:s2] =	stream.indirect.scatter.add.f32 [tilespmem:s26], [sflag:$0x3], $0x80, s8, s30, $0xb8;
	[tilespmem:$0x1E800] =	vst v63  }
0x5a: {  	_ =	swait.ge [sflag:s28], $0x4000  }
0x5b: {  	[sflag:s28] =	ssyncset.done $0x0  }
0x5c: {  	s9 =	simm.s32 $0x300;
	[sflag:s28] =	ssyncadd.s32 $0xFFFFC000  }
0x5d: {  	[tilespmem:s26], [sflag:$0x1] =	stream.indirect.gather [hbm4b:s19+s30], $0x80, s9, s30, $0xb8;
	[tilespmem:$0x1E800] =	vst v63  }
0x5e: {  	_ =	swait.ge [sflag:s1], $0x4000  }
0x5f: {  	[sflag:s1] =	ssyncset.done $0x0  }
0x60: {  	s8 =	simm.s32 $0x1680;
	[sflag:s1] =	ssyncadd.s32 $0xFFFFC000  }
0x61: {  	[spmem:s2] =	stream.indirect.scatter.add.f32 [tilespmem:s31], [sflag:$0x3], $0x80, s8, s30, $0xb8;
	[tilespmem:$0x1E800] =	vst v63  }
0x62: {  	_ =	swait.ge [sflag:s28], $0x4000  }
0x63: {  	s7 =	simm.s32 $0x1780;
	[sflag:s28] =	ssyncset.done $0x0  }
0x64: {  	s9 =	simm.s32 $0x380;
	s8 =	simm.s32 $0x1700;
	[sflag:s28] =	ssyncadd.s32 $0xFFFFC000  }
0x65: {  	[tilespmem:s31], [sflag:$0x2] =	stream.indirect.gather [hbm4b:s19+s30], $0x80, s9, s30, $0xb8;
	[tilespmem:$0x1E800] =	vst v63  }
.LBB2_14:
0x66: {  	_ =	swait.ge [sflag:s0], $0x4000  }
0x67: {  	[sflag:s0] =	ssyncset.done $0x0  }
0x68: {  	[sflag:s0] =	ssyncadd.s32 $0xFFFFC000  }
0x69: {  	[spmem:s2] =	stream.indirect.scatter.add.f32 [tilespmem:s26], [sflag:$0x3], $0x80, s8, s30, $0xb8;
	[tilespmem:$0x1E800] =	vst v63  }
0x6a: {  	_ =	swait.ge [sflag:s28], $0x4000  }
0x6b: {  	[sflag:s28] =	ssyncset.done $0x0  }
0x6c: {  	[sflag:s28] =	ssyncadd.s32 $0xFFFFC000  }
0x6d: {  	_ =	swait.ge [sflag:s1], $0x4000  }
0x6e: {  	[sflag:s1] =	ssyncset.done $0x0  }
0x6f: {  	[sflag:s1] =	ssyncadd.s32 $0xFFFFC000  }
0x70: {  	[spmem:s2] =	stream.indirect.scatter.add.f32 [tilespmem:s31], [sflag:$0x3], $0x80, s7, s30, $0xb8;
	[tilespmem:$0x1E800] =	vst v63  }
0x71: {  	_ =	swait.ge [sflag:s28], $0x4000  }
0x72: {  	[sflag:s28] =	ssyncset.done $0x0  }
0x73: {  	[sflag:s28] =	ssyncadd.s32 $0xFFFFC000  }
0x74: {  	[bflag:$0x0] =	sbarrier.arrive $0xFFFF  }
0x75: {  	[tilespmem:s26], [sflag:$0x3] =	stream.linear.gather [spmem:s20], $0x4000, $0x38;
	[tilespmem:$0x1E800] =	vst v63  }
0x76: {  	_ =	swait.ge [sflag:s28], $0x4000  }
0x77: {  	[sflag:s28] =	ssyncset.done $0x0  }
0x78: {  	[sflag:s28] =	ssyncadd.s32 $0xFFFFC000  }
0x79: {  	[hbm4b:s14+s3] =	stream.linear.scatter [tilespmem:s26], [sflag:$0x3], $0x4000, $0x38;
	[tilespmem:$0x1E800] =	vst v63  }
0x7a: {  	_ =	swait.ge [sflag:s28], $0x4000  }
0x7b: {  	[sflag:s28] =	ssyncset.done $0x0  }
0x7c: {  	[sflag:s28] =	ssyncadd.s32 $0xFFFFC000  }
0x7d: {  	[tilespmem:s26], [sflag:$0x3] =	stream.linear.gather [spmem:s21], $0x4000, $0x38;
	[tilespmem:$0x1E800] =	vst v63  }
0x7e: {  	_ =	swait.ge [sflag:s28], $0x4000  }
0x7f: {  	[sflag:s28] =	ssyncset.done $0x0  }
0x80: {  	[sflag:s28] =	ssyncadd.s32 $0xFFFFC000  }
0x81: {  	[hbm4b:s15+s3] =	stream.linear.scatter [tilespmem:s26], [sflag:$0x3], $0x4000, $0x38;
	[tilespmem:$0x1E800] =	vst v63  }
0x82: {  	_ =	swait.ge [sflag:s28], $0x4000  }
0x83: {  	[sflag:s28] =	ssyncset.done $0x0  }
0x84: {  	[sflag:s28] =	ssyncadd.s32 $0xFFFFC000  }
0x85: {  	[tilespmem:s26], [sflag:$0x3] =	stream.linear.gather [spmem:s22], $0x4000, $0x38;
	[tilespmem:$0x1E800] =	vst v63  }
0x86: {  	_ =	swait.ge [sflag:s28], $0x4000  }
0x87: {  	[sflag:s28] =	ssyncset.done $0x0  }
0x88: {  	[sflag:s28] =	ssyncadd.s32 $0xFFFFC000  }
0x89: {  	[hbm4b:s16+s3] =	stream.linear.scatter [tilespmem:s26], [sflag:$0x3], $0x4000, $0x38;
	[tilespmem:$0x1E800] =	vst v63  }
0x8a: {  	_ =	swait.ge [sflag:s28], $0x4000  }
0x8b: {  	[sflag:s28] =	ssyncset.done $0x0  }
0x8c: {  	[sflag:s28] =	ssyncadd.s32 $0xFFFFC000  }
0x8d: {  	[tilespmem:s26], [sflag:$0x3] =	stream.linear.gather [spmem:s23], $0x4000, $0x38;
	[tilespmem:$0x1E800] =	vst v63  }
0x8e: {  	_ =	swait.ge [sflag:s28], $0x4000  }
0x8f: {  	[sflag:s28] =	ssyncset.done $0x0  }
0x90: {  	[sflag:s28] =	ssyncadd.s32 $0xFFFFC000  }
0x91: {  	[hbm4b:s17+s3] =	stream.linear.scatter [tilespmem:s26], [sflag:$0x3], $0x4000, $0x38;
	[tilespmem:$0x1E800] =	vst v63  }
0x92: {  	_ =	swait.ge [sflag:s28], $0x4000  }
0x93: {  	[sflag:s28] =	ssyncset.done $0x0  }
0x94: {  	[sflag:s28] =	ssyncadd.s32 $0xFFFFC000  }
0x95: {  	[tilespmem:s26], [sflag:$0x3] =	stream.linear.gather [spmem:s24], $0x4000, $0x38;
	[tilespmem:$0x1E800] =	vst v63  }
0x96: {  	s6 =	sadd.s32 $0x1, s6;
	_ =	swait.ge [sflag:s28], $0x4000  }
0x97: {  	p1 =	sne.s32 s6, s25;
	[sflag:s28] =	ssyncset.done $0x0  }
.Ltmp1:
0x98: {  	[sflag:s28] =	ssyncadd.s32 $0xFFFFC000;
	(pc) =	sbr.rel @!p1 .LBB2_15-.Ltmp1, $4  }
0x99: {  	[hbm4b:s18+s3] =	stream.linear.scatter [tilespmem:s26], [sflag:$0x3], $0x4000, $0x38;
	[tilespmem:$0x1E800] =	vst v63  }
0x9a: {  	_ =	swait.ge [sflag:s28], $0x4000  }
0x9b: {  	[sflag:s28] =	ssyncset.done $0x0  }
0x9c: {  	[sflag:s28] =	ssyncadd.s32 $0xFFFFC000  }
.LBB2_1:
0x9d: {  	s7 =	simm.s32 $0x0;
	s8 =	simm.s32 $0x200  }
.LBB2_2:
0x9e: {  	p1 =	sne.s32 s8, $0xFE00;
	[tilespmem:s7+$0x2870] =	vst v0  }
0x9f: {  	[tilespmem:s7+$0x2800] =	vst v0  }
0xa0: {  	[tilespmem:s7+$0x2810] =	vst v0  }
.Ltmp2:
0xa1: {  	[tilespmem:s7+$0x2820] =	vst v0;
	(pc) =	sbr.rel @p1 .LBB2_2-.Ltmp2, $4  }
0xa2: {  	[tilespmem:s7+$0x2830] =	vst v0  }
0xa3: {  	[tilespmem:s7+$0x2840] =	vst v0  }
0xa4: {  	[tilespmem:s7+$0x2850] =	vst v0  }
0xa5: {  	[tilespmem:s7+$0x2860] =	vst v0;
	s7 =	sshra.s32 s8, $0x2;
	s8 =	sadd.s32 $0x200, s8  }
0xa6: {  	[tilespmem:s7+$0x2870] =	vst v0  }
0xa7: {  	[tilespmem:s7+$0x2800] =	vst v0  }
0xa8: {  	[tilespmem:s7+$0x2810] =	vst v0  }
0xa9: {  	[tilespmem:s7+$0x2820] =	vst v0  }
0xaa: {  	[tilespmem:s7+$0x2830] =	vst v0  }
0xab: {  	[tilespmem:s7+$0x2840] =	vst v0  }
0xac: {  	[tilespmem:s7+$0x2850] =	vst v0  }
0xad: {  	[tilespmem:s7+$0x2860] =	vst v0  }
0xae: {  	[spmem:s20] =	stream.linear.scatter [tilespmem:s26], [sflag:$0x3], $0x4000, $0x38;
	[tilespmem:$0x1E800] =	vst v63  }
0xaf: {  	_ =	swait.ge [sflag:s28], $0x4000  }
0xb0: {  	[sflag:s28] =	ssyncset.done $0x0  }
0xb1: {  	[sflag:s28] =	ssyncadd.s32 $0xFFFFC000  }
0xb2: {  	[spmem:s21] =	stream.linear.scatter [tilespmem:s26], [sflag:$0x3], $0x4000, $0x38;
	[tilespmem:$0x1E800] =	vst v63  }
0xb3: {  	_ =	swait.ge [sflag:s28], $0x4000  }
0xb4: {  	[sflag:s28] =	ssyncset.done $0x0  }
0xb5: {  	[sflag:s28] =	ssyncadd.s32 $0xFFFFC000  }
0xb6: {  	[spmem:s22] =	stream.linear.scatter [tilespmem:s26], [sflag:$0x3], $0x4000, $0x38;
	[tilespmem:$0x1E800] =	vst v63  }
0xb7: {  	_ =	swait.ge [sflag:s28], $0x4000  }
0xb8: {  	[sflag:s28] =	ssyncset.done $0x0  }
0xb9: {  	[sflag:s28] =	ssyncadd.s32 $0xFFFFC000  }
0xba: {  	[spmem:s23] =	stream.linear.scatter [tilespmem:s26], [sflag:$0x3], $0x4000, $0x38;
	[tilespmem:$0x1E800] =	vst v63  }
0xbb: {  	_ =	swait.ge [sflag:s28], $0x4000  }
0xbc: {  	[sflag:s28] =	ssyncset.done $0x0  }
0xbd: {  	[sflag:s28] =	ssyncadd.s32 $0xFFFFC000  }
0xbe: {  	[spmem:s24] =	stream.linear.scatter [tilespmem:s26], [sflag:$0x3], $0x4000, $0x38;
	[tilespmem:$0x1E800] =	vst v63  }
.Ltmp3:
0xbf: {  	_ =	swait.ge [sflag:s28], $0x4000;
	(pc) =	sbr.rel @!p0 .LBB2_4-.Ltmp3, $4  }
0xc0: {  	[sflag:s28] =	ssyncset.done $0x0  }
0xc1: {  	[sflag:s28] =	ssyncadd.s32 $0xFFFFC000  }
0xc2: {  	[bflag:$0x0] =	sbarrier.arrive $0xFFFF  }
0xc3: {  	s7 =	simm.s32 $0x0  }
0xc4: {  	[tilespmem:s7], [sflag:$0x3] =	stream.linear.gather [hbm4b:s12+s7], $0x1000, $0x38;
	[tilespmem:$0x1E800] =	vst v63  }
0xc5: {  	_ =	swait.ge [sflag:s28], $0x1000  }
0xc6: {  	[sflag:s28] =	ssyncset.done $0x0  }
0xc7: {  	[sflag:s28] =	ssyncadd.s32 $0xFFFFF000  }
0xc8: {  	[tilespmem:s29], [sflag:$0x3] =	stream.linear.gather [hbm4b:s13+s7], $0x1000, $0x38;
	[tilespmem:$0x1E800] =	vst v63  }
0xc9: {  	_ =	swait.ge [sflag:s28], $0x1000  }
0xca: {  	[sflag:s28] =	ssyncset.done $0x0  }
0xcb: {  	[sflag:s28] =	ssyncadd.s32 $0xFFFFF000  }
0xcc: {  	[tilespmem:s26], [sflag:$0x1] =	stream.indirect.gather [hbm4b:s19+s30], $0x80, s7, s30, $0xb8;
	[tilespmem:$0x1E800] =	vst v63  }
0xcd: {  	_ = 	snop  }
0xce: {  	[tilespmem:s31], [sflag:$0x2] =	stream.indirect.gather [hbm4b:s19+s30], $0x80, s30, s30, $0xb8;
	[tilespmem:$0x1E800] =	vst v63  }
0xcf: {  	_ =	swait.ge [sflag:s0], $0x4000  }
0xd0: {  	[sflag:s0] =	ssyncset.done $0x0  }
0xd1: {  	s9 =	simm.s32 $0x1400;
	[sflag:s0] =	ssyncadd.s32 $0xFFFFC000  }
0xd2: {  	[spmem:s2] =	stream.indirect.scatter.add.f32 [tilespmem:s26], [sflag:$0x3], $0x80, s9, s30, $0xb8;
	[tilespmem:$0x1E800] =	vst v63  }
0xd3: {  	_ =	swait.ge [sflag:s28], $0x4000  }
0xd4: {  	[sflag:s28] =	ssyncset.done $0x0  }
0xd5: {  	s8 =	simm.s32 $0x100;
	[sflag:s28] =	ssyncadd.s32 $0xFFFFC000  }
0xd6: {  	[tilespmem:s26], [sflag:$0x1] =	stream.indirect.gather [hbm4b:s19+s30], $0x80, s8, s30, $0xb8;
	[tilespmem:$0x1E800] =	vst v63  }
0xd7: {  	_ =	swait.ge [sflag:s1], $0x4000  }
0xd8: {  	[sflag:s1] =	ssyncset.done $0x0  }
0xd9: {  	s9 =	simm.s32 $0x1480;
	[sflag:s1] =	ssyncadd.s32 $0xFFFFC000  }
0xda: {  	[spmem:s2] =	stream.indirect.scatter.add.f32 [tilespmem:s31], [sflag:$0x3], $0x80, s9, s30, $0xb8;
	[tilespmem:$0x1E800] =	vst v63  }
0xdb: {  	_ =	swait.ge [sflag:s28], $0x4000  }
0xdc: {  	[sflag:s28] =	ssyncset.done $0x0  }
0xdd: {  	s7 =	simm.s32 $0x400;
	s8 =	simm.s32 $0x180;
	[sflag:s28] =	ssyncadd.s32 $0xFFFFC000  }
.LBB2_12:
0xde: {  	[tilespmem:s31], [sflag:$0x2] =	stream.indirect.gather [hbm4b:s19+s30], $0x80, s8, s30, $0xb8;
	[tilespmem:$0x1E800] =	vst v63  }
0xdf: {  	s8 =	smov.u32 s7  }
0xe0: {  	p1 =	sne.s32 s7, $0x3800;
	s7 =	sadd.s32 $0x400, s7;
	_ =	swait.ge [sflag:s0], $0x4000  }
0xe1: {  	s8 =	sshra.s32 s8, $0x2;
	[sflag:s0] =	ssyncset.done $0x0  }
0xe2: {  	s9 =	sadd.s32 $0x1400, s8;
	[sflag:s0] =	ssyncadd.s32 $0xFFFFC000  }
0xe3: {  	[spmem:s2] =	stream.indirect.scatter.add.f32 [tilespmem:s26], [sflag:$0x3], $0x80, s9, s30, $0xb8;
	[tilespmem:$0x1E800] =	vst v63  }
0xe4: {  	_ =	swait.ge [sflag:s28], $0x4000  }
0xe5: {  	[sflag:s28] =	ssyncset.done $0x0  }
0xe6: {  	s9 =	sadd.s32 $0x100, s8;
	[sflag:s28] =	ssyncadd.s32 $0xFFFFC000  }
0xe7: {  	[tilespmem:s26], [sflag:$0x1] =	stream.indirect.gather [hbm4b:s19+s30], $0x80, s9, s30, $0xb8;
	[tilespmem:$0x1E800] =	vst v63  }
0xe8: {  	_ =	swait.ge [sflag:s1], $0x4000  }
0xe9: {  	[sflag:s1] =	ssyncset.done $0x0  }
.Ltmp4:
0xea: {  	s9 =	sadd.s32 $0x1480, s8;
	[sflag:s1] =	ssyncadd.s32 $0xFFFFC000;
	(pc) =	sbr.rel @p1 .LBB2_12-.Ltmp4, $4  }
0xeb: {  	[spmem:s2] =	stream.indirect.scatter.add.f32 [tilespmem:s31], [sflag:$0x3], $0x80, s9, s30, $0xb8;
	[tilespmem:$0x1E800] =	vst v63  }
0xec: {  	_ =	swait.ge [sflag:s28], $0x4000  }
0xed: {  	[sflag:s28] =	ssyncset.done $0x0  }
0xee: {  	s8 =	sadd.s32 $0x180, s8;
	[sflag:s28] =	ssyncadd.s32 $0xFFFFC000  }
.Ltmp5:
0xef: {  	(pc) =	sbr.rel .LBB2_14-.Ltmp5, $3  }
0xf0: {  	_ =	sdelay $0x1  }
0xf1: {  	[tilespmem:s31], [sflag:$0x2] =	stream.indirect.gather [hbm4b:s19+s30], $0x80, s8, s30, $0xb8;
	[tilespmem:$0x1E800] =	vst v63  }
0xf2: {  	s7 =	simm.s32 $0x2380;
	s8 =	simm.s32 $0x2300  }
.LBB2_4:
0xf3: {  	s8 =	rddreg [dreg:$0x4]  }
0xf4: {  	[tilespmem:s7], [sflag:$0x3] =	stream.linear.gather [hbm4b:s8+s7], $0x1400, $0x38;
	[tilespmem:$0x1E800] =	vst v63  }
0xf5: {  	_ =	swait.ge [sflag:s28], $0x1400  }
0xf6: {  	[sflag:s28] =	ssyncset.done $0x0  }
0xf7: {  	s9 =	rddreg [dreg:$0x5];
	[sflag:s28] =	ssyncadd.s32 $0xFFFFEC00  }
0xf8: {  	[tilespmem:s29], [sflag:$0x3] =	stream.linear.gather [hbm4b:s9+s7], $0x1400, $0x38;
	[tilespmem:$0x1E800] =	vst v63  }
0xf9: {  	_ =	swait.ge [sflag:s28], $0x1400  }
0xfa: {  	[sflag:s28] =	ssyncset.done $0x0  }
0xfb: {  	[sflag:s28] =	ssyncadd.s32 $0xFFFFEC00  }
0xfc: {  	[tilespmem:s26], [sflag:$0x1] =	stream.indirect.gather [hbm4b:s19+s30], $0x80, s7, s30, $0xb8;
	[tilespmem:$0x1E800] =	vst v63  }
0xfd: {  	_ = 	snop  }
0xfe: {  	[tilespmem:s31], [sflag:$0x2] =	stream.indirect.gather [hbm4b:s19+s30], $0x80, s30, s30, $0xb8;
	[tilespmem:$0x1E800] =	vst v63  }
0xff: {  	_ =	swait.ge [sflag:s0], $0x4000  }
0x100: {  	[sflag:s0] =	ssyncset.done $0x0  }
0x101: {  	s9 =	simm.s32 $0x1400;
	[sflag:s0] =	ssyncadd.s32 $0xFFFFC000  }
0x102: {  	[spmem:s2] =	stream.indirect.scatter.add.f32 [tilespmem:s26], [sflag:$0x3], $0x80, s9, s30, $0xb8;
	[tilespmem:$0x1E800] =	vst v63  }
0x103: {  	_ =	swait.ge [sflag:s28], $0x4000  }
0x104: {  	[sflag:s28] =	ssyncset.done $0x0  }
0x105: {  	s8 =	simm.s32 $0x100;
	[sflag:s28] =	ssyncadd.s32 $0xFFFFC000  }
0x106: {  	[tilespmem:s26], [sflag:$0x1] =	stream.indirect.gather [hbm4b:s19+s30], $0x80, s8, s30, $0xb8;
	[tilespmem:$0x1E800] =	vst v63  }
0x107: {  	_ =	swait.ge [sflag:s1], $0x4000  }
0x108: {  	[sflag:s1] =	ssyncset.done $0x0  }
0x109: {  	s9 =	simm.s32 $0x1480;
	[sflag:s1] =	ssyncadd.s32 $0xFFFFC000  }
0x10a: {  	[spmem:s2] =	stream.indirect.scatter.add.f32 [tilespmem:s31], [sflag:$0x3], $0x80, s9, s30, $0xb8;
	[tilespmem:$0x1E800] =	vst v63  }
0x10b: {  	_ =	swait.ge [sflag:s28], $0x4000  }
0x10c: {  	[sflag:s28] =	ssyncset.done $0x0  }
0x10d: {  	s7 =	simm.s32 $0x400;
	s8 =	simm.s32 $0x180;
	[sflag:s28] =	ssyncadd.s32 $0xFFFFC000  }
.LBB2_5:
0x10e: {  	[tilespmem:s31], [sflag:$0x2] =	stream.indirect.gather [hbm4b:s19+s30], $0x80, s8, s30, $0xb8;
	[tilespmem:$0x1E800] =	vst v63  }
0x10f: {  	s8 =	smov.u32 s7  }
0x110: {  	p1 =	sne.s32 s7, $0x4800;
	s7 =	sadd.s32 $0x400, s7;
	_ =	swait.ge [sflag:s0], $0x4000  }
0x111: {  	s8 =	sshra.s32 s8, $0x2;
	[sflag:s0] =	ssyncset.done $0x0  }
0x112: {  	s9 =	sadd.s32 $0x1400, s8;
	[sflag:s0] =	ssyncadd.s32 $0xFFFFC000  }
0x113: {  	[spmem:s2] =	stream.indirect.scatter.add.f32 [tilespmem:s26], [sflag:$0x3], $0x80, s9, s30, $0xb8;
	[tilespmem:$0x1E800] =	vst v63  }
0x114: {  	_ =	swait.ge [sflag:s28], $0x4000  }
0x115: {  	[sflag:s28] =	ssyncset.done $0x0  }
0x116: {  	s9 =	sadd.s32 $0x100, s8;
	[sflag:s28] =	ssyncadd.s32 $0xFFFFC000  }
0x117: {  	[tilespmem:s26], [sflag:$0x1] =	stream.indirect.gather [hbm4b:s19+s30], $0x80, s9, s30, $0xb8;
	[tilespmem:$0x1E800] =	vst v63  }
0x118: {  	_ =	swait.ge [sflag:s1], $0x4000  }
0x119: {  	[sflag:s1] =	ssyncset.done $0x0  }
.Ltmp6:
0x11a: {  	s9 =	sadd.s32 $0x1480, s8;
	[sflag:s1] =	ssyncadd.s32 $0xFFFFC000;
	(pc) =	sbr.rel @p1 .LBB2_5-.Ltmp6, $4  }
0x11b: {  	[spmem:s2] =	stream.indirect.scatter.add.f32 [tilespmem:s31], [sflag:$0x3], $0x80, s9, s30, $0xb8;
	[tilespmem:$0x1E800] =	vst v63  }
0x11c: {  	_ =	swait.ge [sflag:s28], $0x4000  }
0x11d: {  	[sflag:s28] =	ssyncset.done $0x0  }
0x11e: {  	s8 =	sadd.s32 $0x180, s8;
	[sflag:s28] =	ssyncadd.s32 $0xFFFFC000  }
0x11f: {  	[tilespmem:s31], [sflag:$0x2] =	stream.indirect.gather [hbm4b:s19+s30], $0x80, s8, s30, $0xb8;
	[tilespmem:$0x1E800] =	vst v63  }
0x120: {  	_ =	swait.ge [sflag:s0], $0x4000  }
0x121: {  	[sflag:s0] =	ssyncset.done $0x0  }
0x122: {  	[sflag:s0] =	ssyncadd.s32 $0xFFFFC000  }
0x123: {  	[spmem:s2] =	stream.indirect.scatter.add.f32 [tilespmem:s26], [sflag:$0x3], $0x80, s4, s30, $0xb8;
	[tilespmem:$0x1E800] =	vst v63  }
0x124: {  	_ =	swait.ge [sflag:s28], $0x4000  }
0x125: {  	[sflag:s28] =	ssyncset.done $0x0  }
0x126: {  	[sflag:s28] =	ssyncadd.s32 $0xFFFFC000  }
0x127: {  	_ =	swait.ge [sflag:s1], $0x4000  }
0x128: {  	[sflag:s1] =	ssyncset.done $0x0  }
0x129: {  	[sflag:s1] =	ssyncadd.s32 $0xFFFFC000  }
0x12a: {  	[spmem:s2] =	stream.indirect.scatter.add.f32 [tilespmem:s31], [sflag:$0x3], $0x80, s5, s30, $0xb8;
	[tilespmem:$0x1E800] =	vst v63  }
0x12b: {  	_ =	swait.ge [sflag:s28], $0x4000  }
0x12c: {  	[sflag:s28] =	ssyncset.done $0x0  }
0x12d: {  	s7 =	simm.s32 $0x0;
	s9 =	rddreg [dreg:$0x6];
	[sflag:s28] =	ssyncadd.s32 $0xFFFFC000  }
0x12e: {  	[tilespmem:s7], [sflag:$0x3] =	stream.linear.gather [hbm4b:s9+s7], $0x1400, $0x38;
	[tilespmem:$0x1E800] =	vst v63  }
0x12f: {  	_ =	swait.ge [sflag:s28], $0x1400  }
0x130: {  	[sflag:s28] =	ssyncset.done $0x0  }
0x131: {  	s9 =	rddreg [dreg:$0x7];
	[sflag:s28] =	ssyncadd.s32 $0xFFFFEC00  }
0x132: {  	[tilespmem:s29], [sflag:$0x3] =	stream.linear.gather [hbm4b:s9+s7], $0x1400, $0x38;
	[tilespmem:$0x1E800] =	vst v63  }
0x133: {  	_ =	swait.ge [sflag:s28], $0x1400  }
0x134: {  	[sflag:s28] =	ssyncset.done $0x0  }
0x135: {  	[sflag:s28] =	ssyncadd.s32 $0xFFFFEC00  }
0x136: {  	[tilespmem:s26], [sflag:$0x1] =	stream.indirect.gather [hbm4b:s19+s30], $0x80, s7, s30, $0xb8;
	[tilespmem:$0x1E800] =	vst v63  }
0x137: {  	_ = 	snop  }
0x138: {  	[tilespmem:s31], [sflag:$0x2] =	stream.indirect.gather [hbm4b:s19+s30], $0x80, s30, s30, $0xb8;
	[tilespmem:$0x1E800] =	vst v63  }
0x139: {  	_ =	swait.ge [sflag:s0], $0x4000  }
0x13a: {  	[sflag:s0] =	ssyncset.done $0x0  }
0x13b: {  	s9 =	simm.s32 $0x1400;
	[sflag:s0] =	ssyncadd.s32 $0xFFFFC000  }
0x13c: {  	[spmem:s2] =	stream.indirect.scatter.add.f32 [tilespmem:s26], [sflag:$0x3], $0x80, s9, s30, $0xb8;
	[tilespmem:$0x1E800] =	vst v63  }
0x13d: {  	_ =	swait.ge [sflag:s28], $0x4000  }
0x13e: {  	[sflag:s28] =	ssyncset.done $0x0  }
0x13f: {  	s8 =	simm.s32 $0x100;
	[sflag:s28] =	ssyncadd.s32 $0xFFFFC000  }
0x140: {  	[tilespmem:s26], [sflag:$0x1] =	stream.indirect.gather [hbm4b:s19+s30], $0x80, s8, s30, $0xb8;
	[tilespmem:$0x1E800] =	vst v63  }
0x141: {  	_ =	swait.ge [sflag:s1], $0x4000  }
0x142: {  	[sflag:s1] =	ssyncset.done $0x0  }
0x143: {  	s9 =	simm.s32 $0x1480;
	[sflag:s1] =	ssyncadd.s32 $0xFFFFC000  }
0x144: {  	[spmem:s2] =	stream.indirect.scatter.add.f32 [tilespmem:s31], [sflag:$0x3], $0x80, s9, s30, $0xb8;
	[tilespmem:$0x1E800] =	vst v63  }
0x145: {  	_ =	swait.ge [sflag:s28], $0x4000  }
0x146: {  	[sflag:s28] =	ssyncset.done $0x0  }
0x147: {  	s7 =	simm.s32 $0x400;
	s8 =	simm.s32 $0x180;
	[sflag:s28] =	ssyncadd.s32 $0xFFFFC000  }
.LBB2_7:
0x148: {  	[tilespmem:s31], [sflag:$0x2] =	stream.indirect.gather [hbm4b:s19+s30], $0x80, s8, s30, $0xb8;
	[tilespmem:$0x1E800] =	vst v63  }
0x149: {  	s8 =	smov.u32 s7  }
0x14a: {  	p1 =	sne.s32 s7, $0x4800;
	s7 =	sadd.s32 $0x400, s7;
	_ =	swait.ge [sflag:s0], $0x4000  }
0x14b: {  	s8 =	sshra.s32 s8, $0x2;
	[sflag:s0] =	ssyncset.done $0x0  }
0x14c: {  	s9 =	sadd.s32 $0x1400, s8;
	[sflag:s0] =	ssyncadd.s32 $0xFFFFC000  }
0x14d: {  	[spmem:s2] =	stream.indirect.scatter.add.f32 [tilespmem:s26], [sflag:$0x3], $0x80, s9, s30, $0xb8;
	[tilespmem:$0x1E800] =	vst v63  }
0x14e: {  	_ =	swait.ge [sflag:s28], $0x4000  }
0x14f: {  	[sflag:s28] =	ssyncset.done $0x0  }
0x150: {  	s9 =	sadd.s32 $0x100, s8;
	[sflag:s28] =	ssyncadd.s32 $0xFFFFC000  }
0x151: {  	[tilespmem:s26], [sflag:$0x1] =	stream.indirect.gather [hbm4b:s19+s30], $0x80, s9, s30, $0xb8;
	[tilespmem:$0x1E800] =	vst v63  }
0x152: {  	_ =	swait.ge [sflag:s1], $0x4000  }
0x153: {  	[sflag:s1] =	ssyncset.done $0x0  }
.Ltmp7:
0x154: {  	s9 =	sadd.s32 $0x1480, s8;
	[sflag:s1] =	ssyncadd.s32 $0xFFFFC000;
	(pc) =	sbr.rel @p1 .LBB2_7-.Ltmp7, $4  }
0x155: {  	[spmem:s2] =	stream.indirect.scatter.add.f32 [tilespmem:s31], [sflag:$0x3], $0x80, s9, s30, $0xb8;
	[tilespmem:$0x1E800] =	vst v63  }
0x156: {  	_ =	swait.ge [sflag:s28], $0x4000  }
0x157: {  	[sflag:s28] =	ssyncset.done $0x0  }
0x158: {  	s8 =	sadd.s32 $0x180, s8;
	[sflag:s28] =	ssyncadd.s32 $0xFFFFC000  }
0x159: {  	[tilespmem:s31], [sflag:$0x2] =	stream.indirect.gather [hbm4b:s19+s30], $0x80, s8, s30, $0xb8;
	[tilespmem:$0x1E800] =	vst v63  }
0x15a: {  	_ =	swait.ge [sflag:s0], $0x4000  }
0x15b: {  	[sflag:s0] =	ssyncset.done $0x0  }
0x15c: {  	[sflag:s0] =	ssyncadd.s32 $0xFFFFC000  }
0x15d: {  	[spmem:s2] =	stream.indirect.scatter.add.f32 [tilespmem:s26], [sflag:$0x3], $0x80, s4, s30, $0xb8;
	[tilespmem:$0x1E800] =	vst v63  }
0x15e: {  	_ =	swait.ge [sflag:s28], $0x4000  }
0x15f: {  	[sflag:s28] =	ssyncset.done $0x0  }
0x160: {  	[sflag:s28] =	ssyncadd.s32 $0xFFFFC000  }
0x161: {  	_ =	swait.ge [sflag:s1], $0x4000  }
0x162: {  	[sflag:s1] =	ssyncset.done $0x0  }
0x163: {  	[sflag:s1] =	ssyncadd.s32 $0xFFFFC000  }
0x164: {  	[spmem:s2] =	stream.indirect.scatter.add.f32 [tilespmem:s31], [sflag:$0x3], $0x80, s5, s30, $0xb8;
	[tilespmem:$0x1E800] =	vst v63  }
0x165: {  	_ =	swait.ge [sflag:s28], $0x4000  }
0x166: {  	[sflag:s28] =	ssyncset.done $0x0  }
0x167: {  	s7 =	simm.s32 $0x0;
	s9 =	rddreg [dreg:$0x8];
	[sflag:s28] =	ssyncadd.s32 $0xFFFFC000  }
0x168: {  	[tilespmem:s7], [sflag:$0x3] =	stream.linear.gather [hbm4b:s9+s7], $0x1400, $0x38;
	[tilespmem:$0x1E800] =	vst v63  }
0x169: {  	_ =	swait.ge [sflag:s28], $0x1400  }
0x16a: {  	[sflag:s28] =	ssyncset.done $0x0  }
0x16b: {  	s9 =	rddreg [dreg:$0x9];
	[sflag:s28] =	ssyncadd.s32 $0xFFFFEC00  }
0x16c: {  	[tilespmem:s29], [sflag:$0x3] =	stream.linear.gather [hbm4b:s9+s7], $0x1400, $0x38;
	[tilespmem:$0x1E800] =	vst v63  }
0x16d: {  	_ =	swait.ge [sflag:s28], $0x1400  }
0x16e: {  	[sflag:s28] =	ssyncset.done $0x0  }
0x16f: {  	[sflag:s28] =	ssyncadd.s32 $0xFFFFEC00  }
0x170: {  	[tilespmem:s26], [sflag:$0x1] =	stream.indirect.gather [hbm4b:s19+s30], $0x80, s7, s30, $0xb8;
	[tilespmem:$0x1E800] =	vst v63  }
0x171: {  	_ = 	snop  }
0x172: {  	[tilespmem:s31], [sflag:$0x2] =	stream.indirect.gather [hbm4b:s19+s30], $0x80, s30, s30, $0xb8;
	[tilespmem:$0x1E800] =	vst v63  }
0x173: {  	_ =	swait.ge [sflag:s0], $0x4000  }
0x174: {  	[sflag:s0] =	ssyncset.done $0x0  }
0x175: {  	s9 =	simm.s32 $0x1400;
	[sflag:s0] =	ssyncadd.s32 $0xFFFFC000  }
0x176: {  	[spmem:s2] =	stream.indirect.scatter.add.f32 [tilespmem:s26], [sflag:$0x3], $0x80, s9, s30, $0xb8;
	[tilespmem:$0x1E800] =	vst v63  }
0x177: {  	_ =	swait.ge [sflag:s28], $0x4000  }
0x178: {  	[sflag:s28] =	ssyncset.done $0x0  }
0x179: {  	s8 =	simm.s32 $0x100;
	[sflag:s28] =	ssyncadd.s32 $0xFFFFC000  }
0x17a: {  	[tilespmem:s26], [sflag:$0x1] =	stream.indirect.gather [hbm4b:s19+s30], $0x80, s8, s30, $0xb8;
	[tilespmem:$0x1E800] =	vst v63  }
0x17b: {  	_ =	swait.ge [sflag:s1], $0x4000  }
0x17c: {  	[sflag:s1] =	ssyncset.done $0x0  }
0x17d: {  	s9 =	simm.s32 $0x1480;
	[sflag:s1] =	ssyncadd.s32 $0xFFFFC000  }
0x17e: {  	[spmem:s2] =	stream.indirect.scatter.add.f32 [tilespmem:s31], [sflag:$0x3], $0x80, s9, s30, $0xb8;
	[tilespmem:$0x1E800] =	vst v63  }
0x17f: {  	_ =	swait.ge [sflag:s28], $0x4000  }
0x180: {  	[sflag:s28] =	ssyncset.done $0x0  }
0x181: {  	s7 =	simm.s32 $0x400;
	s8 =	simm.s32 $0x180;
	[sflag:s28] =	ssyncadd.s32 $0xFFFFC000  }
.LBB2_9:
0x182: {  	[tilespmem:s31], [sflag:$0x2] =	stream.indirect.gather [hbm4b:s19+s30], $0x80, s8, s30, $0xb8;
	[tilespmem:$0x1E800] =	vst v63  }
0x183: {  	s8 =	smov.u32 s7  }
0x184: {  	p1 =	sne.s32 s7, $0x4800;
	s7 =	sadd.s32 $0x400, s7;
	_ =	swait.ge [sflag:s0], $0x4000  }
0x185: {  	s8 =	sshra.s32 s8, $0x2;
	[sflag:s0] =	ssyncset.done $0x0  }
0x186: {  	s9 =	sadd.s32 $0x1400, s8;
	[sflag:s0] =	ssyncadd.s32 $0xFFFFC000  }
0x187: {  	[spmem:s2] =	stream.indirect.scatter.add.f32 [tilespmem:s26], [sflag:$0x3], $0x80, s9, s30, $0xb8;
	[tilespmem:$0x1E800] =	vst v63  }
0x188: {  	_ =	swait.ge [sflag:s28], $0x4000  }
0x189: {  	[sflag:s28] =	ssyncset.done $0x0  }
0x18a: {  	s9 =	sadd.s32 $0x100, s8;
	[sflag:s28] =	ssyncadd.s32 $0xFFFFC000  }
0x18b: {  	[tilespmem:s26], [sflag:$0x1] =	stream.indirect.gather [hbm4b:s19+s30], $0x80, s9, s30, $0xb8;
	[tilespmem:$0x1E800] =	vst v63  }
0x18c: {  	_ =	swait.ge [sflag:s1], $0x4000  }
0x18d: {  	[sflag:s1] =	ssyncset.done $0x0  }
.Ltmp8:
0x18e: {  	s9 =	sadd.s32 $0x1480, s8;
	[sflag:s1] =	ssyncadd.s32 $0xFFFFC000;
	(pc) =	sbr.rel @p1 .LBB2_9-.Ltmp8, $4  }
0x18f: {  	[spmem:s2] =	stream.indirect.scatter.add.f32 [tilespmem:s31], [sflag:$0x3], $0x80, s9, s30, $0xb8;
	[tilespmem:$0x1E800] =	vst v63  }
0x190: {  	_ =	swait.ge [sflag:s28], $0x4000  }
0x191: {  	[sflag:s28] =	ssyncset.done $0x0  }
0x192: {  	s8 =	sadd.s32 $0x180, s8;
	[sflag:s28] =	ssyncadd.s32 $0xFFFFC000  }
.Ltmp9:
0x193: {  	_ = 	snop;
	(pc) =	sbr.rel .LBB2_10-.Ltmp9, $1  }
0x194: {  	_ =	sdelay $0x3  }
.LBB2_15:
0x195: {  	_ =	sfence.sel $0x180000  }
0x196: {  	[bflag:$0x0] =	sbarrier.arrive $0xFFFF  }
0x197: {  	_ =	strace $0x90000047  }
0x198: {  	s0 =	stileid.u32;
	[bflag:$0x2] =	sbarrier.arrive $0xFFFF  }
0x199: {  	p0 =	sne.s32 s0, $0x0;
	s0 =	rddreg [dreg:$0x3]  }
0x19a: {  	s0 =	sadd.s32 @!p0 $0x100000, s0  }
0x19b: {  	[sflag:s0] =	ssyncadd.tile.s32 @!p0 $0x1;
	_ =	shalt  }
.Lfunc_end2:
_tile_overlayer_lowered:
.L_overlay_start_2:
0x19c: {  	(tag) =	ssettag $0x2  }
0x19d: {  	s0 =	rddreg [dreg:$0x0];
	s2 =	stileid.u32  }
0x19e: {  	s1 =	rddreg [dreg:$0x1];
	p0 =	sne.s32 s2, $0x0  }
0x19f: {  	s3 =	rddreg [dreg:$0x2];
	[bflag:$0x3] =	sbarrier.arrive $0xFFFF;
	s2 =	simm.s32 @!p0 $0x1C03  }
0x1a0: {  	[timem:s3], [sflag:s2] =	dma.local @!p0 [hbm:s0], s1  }
0x1a1: {  	s0 =	simm.s32 @!p0 $0x3  }
0x1a2: {  	_ =	swait.ge @!p0 [sflag:s0], s1  }
0x1a3: {  	s1 =	ssub.s32 @!p0 $0x0, s1;
	[sflag:s0] =	ssyncset.done @!p0 $0x0  }
0x1a4: {  	[sflag:s0] =	ssyncadd.s32 @!p0 s1  }
0x1a5: {  	[bflag:$0x3] =	sbarrier.arrive $0xFFFF  }
0x1a6: {  	_ =	shalt  }

</sc_bundles>
